<compile_context>
chip_gen: v7x
topology: tpu7x:2x2x1
jax: 0.10.2.dev20260603
libtpu: 0.0.44.dev20260713+nightly
codegen_flags: <defaults>
</compile_context>

<pallas_src>
import functools

import jax
import jax.numpy as jnp
from jax import lax
from jax.experimental import pallas as pl
from jax.experimental.pallas import tpu as pltpu
from jax.experimental.pallas import tpu_sc as plsc

_VOCAB = 100000
_D = 300
_DP = 384
_B = 16384
_HB = _B // 2
_W = 3
_NC, _NS = 2, 16
_NW = _NC * _NS
_HROWS = _HB * _W
_PER_W = _HROWS // _NW
_CHUNK = 128
_NCHUNK = _PER_W // _CHUNK


@functools.partial(
    pl.kernel,
    out_type=jax.ShapeDtypeStruct((_HROWS, _DP), jnp.float32),
    mesh=plsc.VectorSubcoreMesh(core_axis_name="c", subcore_axis_name="s"),
    scratch_types=[
        pltpu.VMEM((_PER_W,), jnp.int32),
        pltpu.VMEM((2, _CHUNK, _DP), jnp.float32),
        pltpu.SemaphoreType.DMA,
        pltpu.SemaphoreType.DMA,
        pltpu.SemaphoreType.DMA,
        pltpu.SemaphoreType.DMA,
    ],
)
def _gather_rows(idx_hbm, table_hbm, out_hbm, idx_v, rows_v, sem0, sem1, wsem0, wsem1):
    wid = lax.axis_index("s") * _NC + lax.axis_index("c")
    base = wid * _PER_W
    pltpu.sync_copy(idx_hbm.at[pl.ds(base, _PER_W)], idx_v)
    sems = (sem0, sem1)
    wsems = (wsem0, wsem1)
    copies = [None, None]
    wcopies = [None, None]
    copies[0] = pltpu.async_copy(
        table_hbm.at[idx_v.at[pl.ds(0, _CHUNK)]], rows_v.at[0], sems[0]
    )
    for j in range(_NCHUNK):
        b = j % 2
        if j + 1 < _NCHUNK:
            nb = (j + 1) % 2
            if wcopies[nb] is not None:
                wcopies[nb].wait()
            copies[nb] = pltpu.async_copy(
                table_hbm.at[idx_v.at[pl.ds((j + 1) * _CHUNK, _CHUNK)]],
                rows_v.at[nb],
                sems[nb],
            )
        copies[b].wait()
        wcopies[b] = pltpu.async_copy(
            rows_v.at[b], out_hbm.at[pl.ds(base + j * _CHUNK, _CHUNK)], wsems[b]
        )
    for b in range(2):
        if wcopies[b] is not None:
            wcopies[b].wait()


_TBLK = 4096


def _transpose_pad_body(tt_ref, out_ref):
    out_ref[:, :_D] = tt_ref[...].T
    out_ref[:, _D:] = jnp.zeros((_TBLK, _DP - _D), jnp.float32)


_transpose_pad = pl.pallas_call(
    _transpose_pad_body,
    grid=(pl.cdiv(_VOCAB, _TBLK),),
    in_specs=[pl.BlockSpec((_D, _TBLK), lambda g: (0, g))],
    out_specs=pl.BlockSpec((_TBLK, _DP), lambda g: (g, 0)),
    out_shape=jax.ShapeDtypeStruct((_VOCAB, _DP), jnp.float32),
)


_RBLK = 512


def _repack_half_body(x0_ref, x1_ref, x2_ref, out_ref):
    y = jnp.concatenate(
        [x0_ref[:, :_D], x1_ref[:, :_D], x2_ref[:, :_D]], axis=1
    )
    out_ref[...] = y.T


def _acc_repack_half_body(acc_ref, x0_ref, x1_ref, x2_ref, out_ref):
    del acc_ref
    _repack_half_body(x0_ref, x1_ref, x2_ref, out_ref)


def _make_repack(half):
    word_specs = [
        pl.BlockSpec((_RBLK, _DP), lambda g, w=w: (w * (_HB // _RBLK) + g, 0))
        for w in range(_W)
    ]
    out_spec = pl.BlockSpec(
        (_W * _D, _RBLK), lambda g, h=half: (0, h * (_HB // _RBLK) + g)
    )
    out_type = jax.ShapeDtypeStruct((_W * _D, _B), jnp.float32)
    if half == 0:
        return pl.pallas_call(
            _repack_half_body,
            grid=(_HB // _RBLK,),
            in_specs=word_specs,
            out_specs=out_spec,
            out_shape=out_type,
        )
    return pl.pallas_call(
        _acc_repack_half_body,
        grid=(_HB // _RBLK,),
        in_specs=[pl.BlockSpec(memory_space=pltpu.MemorySpace.HBM)] + word_specs,
        out_specs=out_spec,
        out_shape=out_type,
        input_output_aliases={0: 0},
    )


_repack0 = _make_repack(0)
_repack1 = _make_repack(1)


def kernel(class_labels, captions, table):
    table_p = _transpose_pad(jnp.swapaxes(table, 0, 1))
    idx_t = jnp.swapaxes(captions, 0, 1)
    idx0 = idx_t[:, :_HB].reshape(_HROWS)
    idx1 = idx_t[:, _HB:].reshape(_HROWS)
    g0 = _gather_rows(idx0, table_p)
    g1 = _gather_rows(idx1, table_p)
    acc = _repack0(g0, g0, g0)
    res_t = _repack1(acc, g1, g1, g1)
    return jnp.swapaxes(res_t, 0, 1)

# --- scband reference (transcript-rebuilt; emitter-appended) ---
"""Pipeline reference for scband-glove-embedding-27041114095766 (READ-ONLY COPY).

The authoritative reference and input builder live on the scoring server;
editing this copy changes nothing except your own understanding.
"""

import jax, jax.numpy as jnp
import numpy as np

VOCAB = 100000
EMBED_DIM = 300
BATCH = 16384
N_WORDS = 3

def setup_inputs(seed: int = 0) -> dict:
    key = jax.random.key(seed)
    k1, k2, k3 = jax.random.split(key, 3)
    class_labels = jax.random.randint(k1, (BATCH,), 0, 1000, dtype=jnp.int64 if jax.config.jax_enable_x64 else jnp.int32).astype(jnp.int32)
    captions = jax.random.randint(k2, (BATCH, N_WORDS), 0, VOCAB, dtype=jnp.int32)
    table = jax.random.normal(k3, (VOCAB, EMBED_DIM), dtype=jnp.float32) * 0.1
    return {"class_labels": class_labels, "captions": captions, "table": table}

def reference(class_labels, captions, table):
    # Tensorized reinterpretation of GloveEmbedding.forward:
    # the original takes the first 3 words of each caption, looks up each
    # word's 300-d GloVe vector (zeros if OOV/missing), and concatenates
    # them into a (batch, 900) embedding. Here captions are pre-tokenized
    # word indices into the GloVe table; OOV/padding rows can be represented
    # as rows of the table (e.g., a zero row), so the core op is a gather
    # over the 300-d table followed by concatenation of the 3 word vectors.
    emb = jnp.take(table, captions, axis=0)  # (B, 3, 300)
    embeddings = emb.reshape(captions.shape[0], N_WORDS * EMBED_DIM)  # (B, 900)
    # class_labels only supplies the device in the original; no math on it.
    return embeddings

if __name__ == "__main__":
    import jax
    _d = setup_inputs()
    print(jax.jit(kernel)(*tuple(_d.values())))

</pallas_src>

<mosaic_0001>
#map = affine_map<(d0, d1) -> (0)>
#map1 = affine_map<(d0, d1) -> (0, 0)>
module attributes {stable_mosaic.version = 14 : i64} {
  func.func @_gather_rows(%arg0: i32, %arg1: i32, %arg2: memref<24576xi32, #tpu.memory_space<hbm>>, %arg3: memref<100000x384xf32, #tpu.memory_space<hbm>>, %arg4: memref<24576x384xf32, #tpu.memory_space<hbm>>, %arg5: memref<768xi32, #tpu.memory_space<vmem>>, %arg6: memref<2x128x384xf32, #tpu.memory_space<vmem>>, %arg7: memref<!tpu.dma_semaphore, #tpu.memory_space<semaphore_mem>>, %arg8: memref<!tpu.dma_semaphore, #tpu.memory_space<semaphore_mem>>, %arg9: memref<!tpu.dma_semaphore, #tpu.memory_space<semaphore_mem>>, %arg10: memref<!tpu.dma_semaphore, #tpu.memory_space<semaphore_mem>>) attributes {dimension_semantics = [#tpu.dimension_semantics<core_parallel>, #tpu.dimension_semantics<subcore_parallel>], iteration_bounds = array<i64: 2, 16>, scalar_prefetch = 0 : i64, scratch_operands = 6 : i64, tpu.core_type = #tpu.core_type<sc_vector_subcore>, window_params = [{transform_indices = #map}, {transform_indices = #map1}, {transform_indices = #map1}]} {
    %mul3A = arith.constant 2 : i32
    %mul3A_0 = arith.muli %arg1, %mul3A : i32
    %add3A = arith.addi %mul3A_0, %arg0 : i32
    %mul3A_1 = arith.constant 768 : i32
    %mul3A_2 = arith.muli %add3A, %mul3A_1 : i32
    "tpu.region"() ({
      %run_scoped3A = tpu.sem_alloc : memref<!tpu.dma_semaphore, #tpu.memory_space<semaphore_mem>>
      %dma_start3A_289 = tpu.memref_slice %arg2[%mul3A_2] : memref<24576xi32, #tpu.memory_space<hbm>> -> memref<768xi32, #tpu.memory_space<hbm>>
      %dma_start3A_290 = tpu.memref_slice %arg2[%mul3A_2] : memref<24576xi32, #tpu.memory_space<hbm>> -> memref<768xi32, #tpu.memory_space<hbm>>
      tpu.enqueue_dma source(%dma_start3A_290 : memref<768xi32, #tpu.memory_space<hbm>>) target(%arg5 : memref<768xi32, #tpu.memory_space<vmem>>) target_semaphore(%run_scoped3A : memref<!tpu.dma_semaphore, #tpu.memory_space<semaphore_mem>>)
      %dma_wait3A_291 = tpu.memref_slice %arg2[%mul3A_2] : memref<24576xi32, #tpu.memory_space<hbm>> -> memref<768xi32, #tpu.memory_space<hbm>>
      %dma_wait3A_292 = tpu.memref_slice %arg2[%mul3A_2] : memref<24576xi32, #tpu.memory_space<hbm>> -> memref<768xi32, #tpu.memory_space<hbm>>
      tpu.wait_dma2 semaphore(%run_scoped3A : memref<!tpu.dma_semaphore, #tpu.memory_space<semaphore_mem>>) src(%dma_wait3A_292 : memref<768xi32, #tpu.memory_space<hbm>>) dst(%arg5 : memref<768xi32, #tpu.memory_space<vmem>>)
      tpu.yield
    }) : () -> ()
    %dma_start3A = arith.constant 0 : i32
    %dma_start3A_3 = arith.constant 0 : i32
    %dma_start3A_4 = arith.constant 0 : i32
    %dma_start3A_5 = tpu.memref_slice %arg6[%dma_start3A, %dma_start3A_3, %dma_start3A_4] : memref<2x128x384xf32, #tpu.memory_space<vmem>> -> memref<1x128x384xf32, #tpu.memory_space<vmem>>
    %dma_start3A_6 = tpu.memref_squeeze %dma_start3A_5 : memref<1x128x384xf32, #tpu.memory_space<vmem>> -> memref<128x384xf32, #tpu.memory_space<vmem>>
    %dma_start3A_7 = arith.constant 0 : i32
    %dma_start3A_8 = tpu.memref_slice %arg5[%dma_start3A_7] : memref<768xi32, #tpu.memory_space<vmem>> -> memref<128xi32, #tpu.memory_space<vmem>>
    %dma_start3A_9 = arith.constant 0 : i32
    %dma_start3A_10 = arith.constant 0 : i32
    %dma_start3A_11 = tpu.memref_slice %arg3[%dma_start3A_9, %dma_start3A_10] : memref<100000x384xf32, #tpu.memory_space<hbm>> -> memref<100000x384xf32, #tpu.memory_space<hbm>>
    tpu.enqueue_indirect_dma source(%dma_start3A_11 : memref<100000x384xf32, #tpu.memory_space<hbm>>) target(%dma_start3A_6 : memref<128x384xf32, #tpu.memory_space<vmem>>) offsets(%dma_start3A_8 : memref<128xi32, #tpu.memory_space<vmem>>) semaphore(%arg7 : memref<!tpu.dma_semaphore, #tpu.memory_space<semaphore_mem>>)
    %dma_start3A_12 = arith.constant 1 : i32
    %dma_start3A_13 = arith.constant 0 : i32
    %dma_start3A_14 = arith.constant 0 : i32
    %dma_start3A_15 = tpu.memref_slice %arg6[%dma_start3A_12, %dma_start3A_13, %dma_start3A_14] : memref<2x128x384xf32, #tpu.memory_space<vmem>> -> memref<1x128x384xf32, #tpu.memory_space<vmem>>
    %dma_start3A_16 = tpu.memref_squeeze %dma_start3A_15 : memref<1x128x384xf32, #tpu.memory_space<vmem>> -> memref<128x384xf32, #tpu.memory_space<vmem>>
    %dma_start3A_17 = arith.constant 128 : i32
    %dma_start3A_18 = tpu.memref_slice %arg5[%dma_start3A_17] : memref<768xi32, #tpu.memory_space<vmem>> -> memref<128xi32, #tpu.memory_space<vmem>>
    %dma_start3A_19 = arith.constant 0 : i32
    %dma_start3A_20 = arith.constant 0 : i32
    %dma_start3A_21 = tpu.memref_slice %arg3[%dma_start3A_19, %dma_start3A_20] : memref<100000x384xf32, #tpu.memory_space<hbm>> -> memref<100000x384xf32, #tpu.memory_space<hbm>>
    tpu.enqueue_indirect_dma source(%dma_start3A_21 : memref<100000x384xf32, #tpu.memory_space<hbm>>) target(%dma_start3A_16 : memref<128x384xf32, #tpu.memory_space<vmem>>) offsets(%dma_start3A_18 : memref<128xi32, #tpu.memory_space<vmem>>) semaphore(%arg8 : memref<!tpu.dma_semaphore, #tpu.memory_space<semaphore_mem>>)
    %dma_wait3A = arith.constant 0 : i32
    %dma_wait3A_22 = arith.constant 0 : i32
    %dma_wait3A_23 = arith.constant 0 : i32
    %dma_wait3A_24 = tpu.memref_slice %arg6[%dma_wait3A, %dma_wait3A_22, %dma_wait3A_23] : memref<2x128x384xf32, #tpu.memory_space<vmem>> -> memref<1x128x384xf32, #tpu.memory_space<vmem>>
    %dma_wait3A_25 = tpu.memref_squeeze %dma_wait3A_24 : memref<1x128x384xf32, #tpu.memory_space<vmem>> -> memref<128x384xf32, #tpu.memory_space<vmem>>
    %dma_wait3A_26 = arith.constant 0 : i32
    %dma_wait3A_27 = tpu.memref_slice %arg5[%dma_wait3A_26] : memref<768xi32, #tpu.memory_space<vmem>> -> memref<128xi32, #tpu.memory_space<vmem>>
    %dma_wait3A_28 = arith.constant 0 : i32
    %dma_wait3A_29 = arith.constant 0 : i32
    %dma_wait3A_30 = tpu.memref_slice %arg3[%dma_wait3A_28, %dma_wait3A_29] : memref<100000x384xf32, #tpu.memory_space<hbm>> -> memref<100000x384xf32, #tpu.memory_space<hbm>>
    tpu.wait_indirect_dma semaphore(%arg7 : memref<!tpu.dma_semaphore, #tpu.memory_space<semaphore_mem>>) src(%dma_wait3A_30 : memref<100000x384xf32, #tpu.memory_space<hbm>>) dst(%dma_wait3A_25 : memref<128x384xf32, #tpu.memory_space<vmem>>)
    %add3A_31 = arith.constant 0 : i32
    %add3A_32 = arith.addi %mul3A_2, %add3A_31 : i32
    %dma_start3A_33 = arith.constant 0 : i32
    %dma_start3A_34 = arith.constant 0 : i32
    %dma_start3A_35 = arith.constant 0 : i32
    %dma_start3A_36 = tpu.memref_slice %arg6[%dma_start3A_33, %dma_start3A_34, %dma_start3A_35] : memref<2x128x384xf32, #tpu.memory_space<vmem>> -> memref<1x128x384xf32, #tpu.memory_space<vmem>>
    %dma_start3A_37 = tpu.memref_squeeze %dma_start3A_36 : memref<1x128x384xf32, #tpu.memory_space<vmem>> -> memref<128x384xf32, #tpu.memory_space<vmem>>
    %dma_start3A_38 = arith.constant 0 : i32
    %dma_start3A_39 = tpu.memref_slice %arg4[%add3A_32, %dma_start3A_38] : memref<24576x384xf32, #tpu.memory_space<hbm>> -> memref<128x384xf32, #tpu.memory_space<hbm>>
    %dma_start3A_40 = arith.constant 0 : i32
    %dma_start3A_41 = tpu.memref_slice %arg4[%add3A_32, %dma_start3A_40] : memref<24576x384xf32, #tpu.memory_space<hbm>> -> memref<128x384xf32, #tpu.memory_space<hbm>>
    %dma_start3A_42 = arith.constant 0 : i32
    %dma_start3A_43 = arith.constant 0 : i32
    %dma_start3A_44 = tpu.memref_slice %arg6[%dma_start3A_33, %dma_start3A_42, %dma_start3A_43] : memref<2x128x384xf32, #tpu.memory_space<vmem>> -> memref<1x128x384xf32, #tpu.memory_space<vmem>>
    %dma_start3A_45 = tpu.memref_squeeze %dma_start3A_44 : memref<1x128x384xf32, #tpu.memory_space<vmem>> -> memref<128x384xf32, #tpu.memory_space<vmem>>
    tpu.enqueue_dma source(%dma_start3A_45 : memref<128x384xf32, #tpu.memory_space<vmem>>) target(%dma_start3A_41 : memref<128x384xf32, #tpu.memory_space<hbm>>) target_semaphore(%arg9 : memref<!tpu.dma_semaphore, #tpu.memory_space<semaphore_mem>>)
    %dma_wait3A_46 = arith.constant 0 : i32
    %dma_wait3A_47 = arith.constant 0 : i32
    %dma_wait3A_48 = arith.constant 0 : i32
    %dma_wait3A_49 = tpu.memref_slice %arg6[%dma_wait3A_46, %dma_wait3A_47, %dma_wait3A_48] : memref<2x128x384xf32, #tpu.memory_space<vmem>> -> memref<1x128x384xf32, #tpu.memory_space<vmem>>
    %dma_wait3A_50 = tpu.memref_squeeze %dma_wait3A_49 : memref<1x128x384xf32, #tpu.memory_space<vmem>> -> memref<128x384xf32, #tpu.memory_space<vmem>>
    %dma_wait3A_51 = arith.constant 0 : i32
    %dma_wait3A_52 = tpu.memref_slice %arg4[%add3A_32, %dma_wait3A_51] : memref<24576x384xf32, #tpu.memory_space<hbm>> -> memref<128x384xf32, #tpu.memory_space<hbm>>
    %dma_wait3A_53 = arith.constant 0 : i32
    %dma_wait3A_54 = tpu.memref_slice %arg4[%add3A_32, %dma_wait3A_53] : memref<24576x384xf32, #tpu.memory_space<hbm>> -> memref<128x384xf32, #tpu.memory_space<hbm>>
    %dma_wait3A_55 = arith.constant 0 : i32
    %dma_wait3A_56 = arith.constant 0 : i32
    %dma_wait3A_57 = tpu.memref_slice %arg6[%dma_wait3A_46, %dma_wait3A_55, %dma_wait3A_56] : memref<2x128x384xf32, #tpu.memory_space<vmem>> -> memref<1x128x384xf32, #tpu.memory_space<vmem>>
    %dma_wait3A_58 = tpu.memref_squeeze %dma_wait3A_57 : memref<1x128x384xf32, #tpu.memory_space<vmem>> -> memref<128x384xf32, #tpu.memory_space<vmem>>
    tpu.wait_dma2 semaphore(%arg9 : memref<!tpu.dma_semaphore, #tpu.memory_space<semaphore_mem>>) src(%dma_wait3A_58 : memref<128x384xf32, #tpu.memory_space<vmem>>) dst(%dma_wait3A_54 : memref<128x384xf32, #tpu.memory_space<hbm>>)
    %dma_start3A_59 = arith.constant 0 : i32
    %dma_start3A_60 = arith.constant 0 : i32
    %dma_start3A_61 = arith.constant 0 : i32
    %dma_start3A_62 = tpu.memref_slice %arg6[%dma_start3A_59, %dma_start3A_60, %dma_start3A_61] : memref<2x128x384xf32, #tpu.memory_space<vmem>> -> memref<1x128x384xf32, #tpu.memory_space<vmem>>
    %dma_start3A_63 = tpu.memref_squeeze %dma_start3A_62 : memref<1x128x384xf32, #tpu.memory_space<vmem>> -> memref<128x384xf32, #tpu.memory_space<vmem>>
    %dma_start3A_64 = arith.constant 256 : i32
    %dma_start3A_65 = tpu.memref_slice %arg5[%dma_start3A_64] : memref<768xi32, #tpu.memory_space<vmem>> -> memref<128xi32, #tpu.memory_space<vmem>>
    %dma_start3A_66 = arith.constant 0 : i32
    %dma_start3A_67 = arith.constant 0 : i32
    %dma_start3A_68 = tpu.memref_slice %arg3[%dma_start3A_66, %dma_start3A_67] : memref<100000x384xf32, #tpu.memory_space<hbm>> -> memref<100000x384xf32, #tpu.memory_space<hbm>>
    tpu.enqueue_indirect_dma source(%dma_start3A_68 : memref<100000x384xf32, #tpu.memory_space<hbm>>) target(%dma_start3A_63 : memref<128x384xf32, #tpu.memory_space<vmem>>) offsets(%dma_start3A_65 : memref<128xi32, #tpu.memory_space<vmem>>) semaphore(%arg7 : memref<!tpu.dma_semaphore, #tpu.memory_space<semaphore_mem>>)
    %dma_wait3A_69 = arith.constant 1 : i32
    %dma_wait3A_70 = arith.constant 0 : i32
    %dma_wait3A_71 = arith.constant 0 : i32
    %dma_wait3A_72 = tpu.memref_slice %arg6[%dma_wait3A_69, %dma_wait3A_70, %dma_wait3A_71] : memref<2x128x384xf32, #tpu.memory_space<vmem>> -> memref<1x128x384xf32, #tpu.memory_space<vmem>>
    %dma_wait3A_73 = tpu.memref_squeeze %dma_wait3A_72 : memref<1x128x384xf32, #tpu.memory_space<vmem>> -> memref<128x384xf32, #tpu.memory_space<vmem>>
    %dma_wait3A_74 = arith.constant 128 : i32
    %dma_wait3A_75 = tpu.memref_slice %arg5[%dma_wait3A_74] : memref<768xi32, #tpu.memory_space<vmem>> -> memref<128xi32, #tpu.memory_space<vmem>>
    %dma_wait3A_76 = arith.constant 0 : i32
    %dma_wait3A_77 = arith.constant 0 : i32
    %dma_wait3A_78 = tpu.memref_slice %arg3[%dma_wait3A_76, %dma_wait3A_77] : memref<100000x384xf32, #tpu.memory_space<hbm>> -> memref<100000x384xf32, #tpu.memory_space<hbm>>
    tpu.wait_indirect_dma semaphore(%arg8 : memref<!tpu.dma_semaphore, #tpu.memory_space<semaphore_mem>>) src(%dma_wait3A_78 : memref<100000x384xf32, #tpu.memory_space<hbm>>) dst(%dma_wait3A_73 : memref<128x384xf32, #tpu.memory_space<vmem>>)
    %add3A_79 = arith.constant 128 : i32
    %add3A_80 = arith.addi %mul3A_2, %add3A_79 : i32
    %dma_start3A_81 = arith.constant 1 : i32
    %dma_start3A_82 = arith.constant 0 : i32
    %dma_start3A_83 = arith.constant 0 : i32
    %dma_start3A_84 = tpu.memref_slice %arg6[%dma_start3A_81, %dma_start3A_82, %dma_start3A_83] : memref<2x128x384xf32, #tpu.memory_space<vmem>> -> memref<1x128x384xf32, #tpu.memory_space<vmem>>
    %dma_start3A_85 = tpu.memref_squeeze %dma_start3A_84 : memref<1x128x384xf32, #tpu.memory_space<vmem>> -> memref<128x384xf32, #tpu.memory_space<vmem>>
    %dma_start3A_86 = arith.constant 0 : i32
    %dma_start3A_87 = tpu.memref_slice %arg4[%add3A_80, %dma_start3A_86] : memref<24576x384xf32, #tpu.memory_space<hbm>> -> memref<128x384xf32, #tpu.memory_space<hbm>>
    %dma_start3A_88 = arith.constant 0 : i32
    %dma_start3A_89 = tpu.memref_slice %arg4[%add3A_80, %dma_start3A_88] : memref<24576x384xf32, #tpu.memory_space<hbm>> -> memref<128x384xf32, #tpu.memory_space<hbm>>
    %dma_start3A_90 = arith.constant 0 : i32
    %dma_start3A_91 = arith.constant 0 : i32
    %dma_start3A_92 = tpu.memref_slice %arg6[%dma_start3A_81, %dma_start3A_90, %dma_start3A_91] : memref<2x128x384xf32, #tpu.memory_space<vmem>> -> memref<1x128x384xf32, #tpu.memory_space<vmem>>
    %dma_start3A_93 = tpu.memref_squeeze %dma_start3A_92 : memref<1x128x384xf32, #tpu.memory_space<vmem>> -> memref<128x384xf32, #tpu.memory_space<vmem>>
    tpu.enqueue_dma source(%dma_start3A_93 : memref<128x384xf32, #tpu.memory_space<vmem>>) target(%dma_start3A_89 : memref<128x384xf32, #tpu.memory_space<hbm>>) target_semaphore(%arg10 : memref<!tpu.dma_semaphore, #tpu.memory_space<semaphore_mem>>)
    %dma_wait3A_94 = arith.constant 1 : i32
    %dma_wait3A_95 = arith.constant 0 : i32
    %dma_wait3A_96 = arith.constant 0 : i32
    %dma_wait3A_97 = tpu.memref_slice %arg6[%dma_wait3A_94, %dma_wait3A_95, %dma_wait3A_96] : memref<2x128x384xf32, #tpu.memory_space<vmem>> -> memref<1x128x384xf32, #tpu.memory_space<vmem>>
    %dma_wait3A_98 = tpu.memref_squeeze %dma_wait3A_97 : memref<1x128x384xf32, #tpu.memory_space<vmem>> -> memref<128x384xf32, #tpu.memory_space<vmem>>
    %dma_wait3A_99 = arith.constant 0 : i32
    %dma_wait3A_100 = tpu.memref_slice %arg4[%add3A_80, %dma_wait3A_99] : memref<24576x384xf32, #tpu.memory_space<hbm>> -> memref<128x384xf32, #tpu.memory_space<hbm>>
    %dma_wait3A_101 = arith.constant 0 : i32
    %dma_wait3A_102 = tpu.memref_slice %arg4[%add3A_80, %dma_wait3A_101] : memref<24576x384xf32, #tpu.memory_space<hbm>> -> memref<128x384xf32, #tpu.memory_space<hbm>>
    %dma_wait3A_103 = arith.constant 0 : i32
    %dma_wait3A_104 = arith.constant 0 : i32
    %dma_wait3A_105 = tpu.memref_slice %arg6[%dma_wait3A_94, %dma_wait3A_103, %dma_wait3A_104] : memref<2x128x384xf32, #tpu.memory_space<vmem>> -> memref<1x128x384xf32, #tpu.memory_space<vmem>>
    %dma_wait3A_106 = tpu.memref_squeeze %dma_wait3A_105 : memref<1x128x384xf32, #tpu.memory_space<vmem>> -> memref<128x384xf32, #tpu.memory_space<vmem>>
    tpu.wait_dma2 semaphore(%arg10 : memref<!tpu.dma_semaphore, #tpu.memory_space<semaphore_mem>>) src(%dma_wait3A_106 : memref<128x384xf32, #tpu.memory_space<vmem>>) dst(%dma_wait3A_102 : memref<128x384xf32, #tpu.memory_space<hbm>>)
    %dma_start3A_107 = arith.constant 1 : i32
    %dma_start3A_108 = arith.constant 0 : i32
    %dma_start3A_109 = arith.constant 0 : i32
    %dma_start3A_110 = tpu.memref_slice %arg6[%dma_start3A_107, %dma_start3A_108, %dma_start3A_109] : memref<2x128x384xf32, #tpu.memory_space<vmem>> -> memref<1x128x384xf32, #tpu.memory_space<vmem>>
    %dma_start3A_111 = tpu.memref_squeeze %dma_start3A_110 : memref<1x128x384xf32, #tpu.memory_space<vmem>> -> memref<128x384xf32, #tpu.memory_space<vmem>>
    %dma_start3A_112 = arith.constant 384 : i32
    %dma_start3A_113 = tpu.memref_slice %arg5[%dma_start3A_112] : memref<768xi32, #tpu.memory_space<vmem>> -> memref<128xi32, #tpu.memory_space<vmem>>
    %dma_start3A_114 = arith.constant 0 : i32
    %dma_start3A_115 = arith.constant 0 : i32
    %dma_start3A_116 = tpu.memref_slice %arg3[%dma_start3A_114, %dma_start3A_115] : memref<100000x384xf32, #tpu.memory_space<hbm>> -> memref<100000x384xf32, #tpu.memory_space<hbm>>
    tpu.enqueue_indirect_dma source(%dma_start3A_116 : memref<100000x384xf32, #tpu.memory_space<hbm>>) target(%dma_start3A_111 : memref<128x384xf32, #tpu.memory_space<vmem>>) offsets(%dma_start3A_113 : memref<128xi32, #tpu.memory_space<vmem>>) semaphore(%arg8 : memref<!tpu.dma_semaphore, #tpu.memory_space<semaphore_mem>>)
    %dma_wait3A_117 = arith.constant 0 : i32
    %dma_wait3A_118 = arith.constant 0 : i32
    %dma_wait3A_119 = arith.constant 0 : i32
    %dma_wait3A_120 = tpu.memref_slice %arg6[%dma_wait3A_117, %dma_wait3A_118, %dma_wait3A_119] : memref<2x128x384xf32, #tpu.memory_space<vmem>> -> memref<1x128x384xf32, #tpu.memory_space<vmem>>
    %dma_wait3A_121 = tpu.memref_squeeze %dma_wait3A_120 : memref<1x128x384xf32, #tpu.memory_space<vmem>> -> memref<128x384xf32, #tpu.memory_space<vmem>>
    %dma_wait3A_122 = arith.constant 256 : i32
    %dma_wait3A_123 = tpu.memref_slice %arg5[%dma_wait3A_122] : memref<768xi32, #tpu.memory_space<vmem>> -> memref<128xi32, #tpu.memory_space<vmem>>
    %dma_wait3A_124 = arith.constant 0 : i32
    %dma_wait3A_125 = arith.constant 0 : i32
    %dma_wait3A_126 = tpu.memref_slice %arg3[%dma_wait3A_124, %dma_wait3A_125] : memref<100000x384xf32, #tpu.memory_space<hbm>> -> memref<100000x384xf32, #tpu.memory_space<hbm>>
    tpu.wait_indirect_dma semaphore(%arg7 : memref<!tpu.dma_semaphore, #tpu.memory_space<semaphore_mem>>) src(%dma_wait3A_126 : memref<100000x384xf32, #tpu.memory_space<hbm>>) dst(%dma_wait3A_121 : memref<128x384xf32, #tpu.memory_space<vmem>>)
    %add3A_127 = arith.constant 256 : i32
    %add3A_128 = arith.addi %mul3A_2, %add3A_127 : i32
    %dma_start3A_129 = arith.constant 0 : i32
    %dma_start3A_130 = arith.constant 0 : i32
    %dma_start3A_131 = arith.constant 0 : i32
    %dma_start3A_132 = tpu.memref_slice %arg6[%dma_start3A_129, %dma_start3A_130, %dma_start3A_131] : memref<2x128x384xf32, #tpu.memory_space<vmem>> -> memref<1x128x384xf32, #tpu.memory_space<vmem>>
    %dma_start3A_133 = tpu.memref_squeeze %dma_start3A_132 : memref<1x128x384xf32, #tpu.memory_space<vmem>> -> memref<128x384xf32, #tpu.memory_space<vmem>>
    %dma_start3A_134 = arith.constant 0 : i32
    %dma_start3A_135 = tpu.memref_slice %arg4[%add3A_128, %dma_start3A_134] : memref<24576x384xf32, #tpu.memory_space<hbm>> -> memref<128x384xf32, #tpu.memory_space<hbm>>
    %dma_start3A_136 = arith.constant 0 : i32
    %dma_start3A_137 = tpu.memref_slice %arg4[%add3A_128, %dma_start3A_136] : memref<24576x384xf32, #tpu.memory_space<hbm>> -> memref<128x384xf32, #tpu.memory_space<hbm>>
    %dma_start3A_138 = arith.constant 0 : i32
    %dma_start3A_139 = arith.constant 0 : i32
    %dma_start3A_140 = tpu.memref_slice %arg6[%dma_start3A_129, %dma_start3A_138, %dma_start3A_139] : memref<2x128x384xf32, #tpu.memory_space<vmem>> -> memref<1x128x384xf32, #tpu.memory_space<vmem>>
    %dma_start3A_141 = tpu.memref_squeeze %dma_start3A_140 : memref<1x128x384xf32, #tpu.memory_space<vmem>> -> memref<128x384xf32, #tpu.memory_space<vmem>>
    tpu.enqueue_dma source(%dma_start3A_141 : memref<128x384xf32, #tpu.memory_space<vmem>>) target(%dma_start3A_137 : memref<128x384xf32, #tpu.memory_space<hbm>>) target_semaphore(%arg9 : memref<!tpu.dma_semaphore, #tpu.memory_space<semaphore_mem>>)
    %dma_wait3A_142 = arith.constant 0 : i32
    %dma_wait3A_143 = arith.constant 0 : i32
    %dma_wait3A_144 = arith.constant 0 : i32
    %dma_wait3A_145 = tpu.memref_slice %arg6[%dma_wait3A_142, %dma_wait3A_143, %dma_wait3A_144] : memref<2x128x384xf32, #tpu.memory_space<vmem>> -> memref<1x128x384xf32, #tpu.memory_space<vmem>>
    %dma_wait3A_146 = tpu.memref_squeeze %dma_wait3A_145 : memref<1x128x384xf32, #tpu.memory_space<vmem>> -> memref<128x384xf32, #tpu.memory_space<vmem>>
    %dma_wait3A_147 = arith.constant 0 : i32
    %dma_wait3A_148 = tpu.memref_slice %arg4[%add3A_128, %dma_wait3A_147] : memref<24576x384xf32, #tpu.memory_space<hbm>> -> memref<128x384xf32, #tpu.memory_space<hbm>>
    %dma_wait3A_149 = arith.constant 0 : i32
    %dma_wait3A_150 = tpu.memref_slice %arg4[%add3A_128, %dma_wait3A_149] : memref<24576x384xf32, #tpu.memory_space<hbm>> -> memref<128x384xf32, #tpu.memory_space<hbm>>
    %dma_wait3A_151 = arith.constant 0 : i32
    %dma_wait3A_152 = arith.constant 0 : i32
    %dma_wait3A_153 = tpu.memref_slice %arg6[%dma_wait3A_142, %dma_wait3A_151, %dma_wait3A_152] : memref<2x128x384xf32, #tpu.memory_space<vmem>> -> memref<1x128x384xf32, #tpu.memory_space<vmem>>
    %dma_wait3A_154 = tpu.memref_squeeze %dma_wait3A_153 : memref<1x128x384xf32, #tpu.memory_space<vmem>> -> memref<128x384xf32, #tpu.memory_space<vmem>>
    tpu.wait_dma2 semaphore(%arg9 : memref<!tpu.dma_semaphore, #tpu.memory_space<semaphore_mem>>) src(%dma_wait3A_154 : memref<128x384xf32, #tpu.memory_space<vmem>>) dst(%dma_wait3A_150 : memref<128x384xf32, #tpu.memory_space<hbm>>)
    %dma_start3A_155 = arith.constant 0 : i32
    %dma_start3A_156 = arith.constant 0 : i32
    %dma_start3A_157 = arith.constant 0 : i32
    %dma_start3A_158 = tpu.memref_slice %arg6[%dma_start3A_155, %dma_start3A_156, %dma_start3A_157] : memref<2x128x384xf32, #tpu.memory_space<vmem>> -> memref<1x128x384xf32, #tpu.memory_space<vmem>>
    %dma_start3A_159 = tpu.memref_squeeze %dma_start3A_158 : memref<1x128x384xf32, #tpu.memory_space<vmem>> -> memref<128x384xf32, #tpu.memory_space<vmem>>
    %dma_start3A_160 = arith.constant 512 : i32
    %dma_start3A_161 = tpu.memref_slice %arg5[%dma_start3A_160] : memref<768xi32, #tpu.memory_space<vmem>> -> memref<128xi32, #tpu.memory_space<vmem>>
    %dma_start3A_162 = arith.constant 0 : i32
    %dma_start3A_163 = arith.constant 0 : i32
    %dma_start3A_164 = tpu.memref_slice %arg3[%dma_start3A_162, %dma_start3A_163] : memref<100000x384xf32, #tpu.memory_space<hbm>> -> memref<100000x384xf32, #tpu.memory_space<hbm>>
    tpu.enqueue_indirect_dma source(%dma_start3A_164 : memref<100000x384xf32, #tpu.memory_space<hbm>>) target(%dma_start3A_159 : memref<128x384xf32, #tpu.memory_space<vmem>>) offsets(%dma_start3A_161 : memref<128xi32, #tpu.memory_space<vmem>>) semaphore(%arg7 : memref<!tpu.dma_semaphore, #tpu.memory_space<semaphore_mem>>)
    %dma_wait3A_165 = arith.constant 1 : i32
    %dma_wait3A_166 = arith.constant 0 : i32
    %dma_wait3A_167 = arith.constant 0 : i32
    %dma_wait3A_168 = tpu.memref_slice %arg6[%dma_wait3A_165, %dma_wait3A_166, %dma_wait3A_167] : memref<2x128x384xf32, #tpu.memory_space<vmem>> -> memref<1x128x384xf32, #tpu.memory_space<vmem>>
    %dma_wait3A_169 = tpu.memref_squeeze %dma_wait3A_168 : memref<1x128x384xf32, #tpu.memory_space<vmem>> -> memref<128x384xf32, #tpu.memory_space<vmem>>
    %dma_wait3A_170 = arith.constant 384 : i32
    %dma_wait3A_171 = tpu.memref_slice %arg5[%dma_wait3A_170] : memref<768xi32, #tpu.memory_space<vmem>> -> memref<128xi32, #tpu.memory_space<vmem>>
    %dma_wait3A_172 = arith.constant 0 : i32
    %dma_wait3A_173 = arith.constant 0 : i32
    %dma_wait3A_174 = tpu.memref_slice %arg3[%dma_wait3A_172, %dma_wait3A_173] : memref<100000x384xf32, #tpu.memory_space<hbm>> -> memref<100000x384xf32, #tpu.memory_space<hbm>>
    tpu.wait_indirect_dma semaphore(%arg8 : memref<!tpu.dma_semaphore, #tpu.memory_space<semaphore_mem>>) src(%dma_wait3A_174 : memref<100000x384xf32, #tpu.memory_space<hbm>>) dst(%dma_wait3A_169 : memref<128x384xf32, #tpu.memory_space<vmem>>)
    %add3A_175 = arith.constant 384 : i32
    %add3A_176 = arith.addi %mul3A_2, %add3A_175 : i32
    %dma_start3A_177 = arith.constant 1 : i32
    %dma_start3A_178 = arith.constant 0 : i32
    %dma_start3A_179 = arith.constant 0 : i32
    %dma_start3A_180 = tpu.memref_slice %arg6[%dma_start3A_177, %dma_start3A_178, %dma_start3A_179] : memref<2x128x384xf32, #tpu.memory_space<vmem>> -> memref<1x128x384xf32, #tpu.memory_space<vmem>>
    %dma_start3A_181 = tpu.memref_squeeze %dma_start3A_180 : memref<1x128x384xf32, #tpu.memory_space<vmem>> -> memref<128x384xf32, #tpu.memory_space<vmem>>
    %dma_start3A_182 = arith.constant 0 : i32
    %dma_start3A_183 = tpu.memref_slice %arg4[%add3A_176, %dma_start3A_182] : memref<24576x384xf32, #tpu.memory_space<hbm>> -> memref<128x384xf32, #tpu.memory_space<hbm>>
    %dma_start3A_184 = arith.constant 0 : i32
    %dma_start3A_185 = tpu.memref_slice %arg4[%add3A_176, %dma_start3A_184] : memref<24576x384xf32, #tpu.memory_space<hbm>> -> memref<128x384xf32, #tpu.memory_space<hbm>>
    %dma_start3A_186 = arith.constant 0 : i32
    %dma_start3A_187 = arith.constant 0 : i32
    %dma_start3A_188 = tpu.memref_slice %arg6[%dma_start3A_177, %dma_start3A_186, %dma_start3A_187] : memref<2x128x384xf32, #tpu.memory_space<vmem>> -> memref<1x128x384xf32, #tpu.memory_space<vmem>>
    %dma_start3A_189 = tpu.memref_squeeze %dma_start3A_188 : memref<1x128x384xf32, #tpu.memory_space<vmem>> -> memref<128x384xf32, #tpu.memory_space<vmem>>
    tpu.enqueue_dma source(%dma_start3A_189 : memref<128x384xf32, #tpu.memory_space<vmem>>) target(%dma_start3A_185 : memref<128x384xf32, #tpu.memory_space<hbm>>) target_semaphore(%arg10 : memref<!tpu.dma_semaphore, #tpu.memory_space<semaphore_mem>>)
    %dma_wait3A_190 = arith.constant 1 : i32
    %dma_wait3A_191 = arith.constant 0 : i32
    %dma_wait3A_192 = arith.constant 0 : i32
    %dma_wait3A_193 = tpu.memref_slice %arg6[%dma_wait3A_190, %dma_wait3A_191, %dma_wait3A_192] : memref<2x128x384xf32, #tpu.memory_space<vmem>> -> memref<1x128x384xf32, #tpu.memory_space<vmem>>
    %dma_wait3A_194 = tpu.memref_squeeze %dma_wait3A_193 : memref<1x128x384xf32, #tpu.memory_space<vmem>> -> memref<128x384xf32, #tpu.memory_space<vmem>>
    %dma_wait3A_195 = arith.constant 0 : i32
    %dma_wait3A_196 = tpu.memref_slice %arg4[%add3A_176, %dma_wait3A_195] : memref<24576x384xf32, #tpu.memory_space<hbm>> -> memref<128x384xf32, #tpu.memory_space<hbm>>
    %dma_wait3A_197 = arith.constant 0 : i32
    %dma_wait3A_198 = tpu.memref_slice %arg4[%add3A_176, %dma_wait3A_197] : memref<24576x384xf32, #tpu.memory_space<hbm>> -> memref<128x384xf32, #tpu.memory_space<hbm>>
    %dma_wait3A_199 = arith.constant 0 : i32
    %dma_wait3A_200 = arith.constant 0 : i32
    %dma_wait3A_201 = tpu.memref_slice %arg6[%dma_wait3A_190, %dma_wait3A_199, %dma_wait3A_200] : memref<2x128x384xf32, #tpu.memory_space<vmem>> -> memref<1x128x384xf32, #tpu.memory_space<vmem>>
    %dma_wait3A_202 = tpu.memref_squeeze %dma_wait3A_201 : memref<1x128x384xf32, #tpu.memory_space<vmem>> -> memref<128x384xf32, #tpu.memory_space<vmem>>
    tpu.wait_dma2 semaphore(%arg10 : memref<!tpu.dma_semaphore, #tpu.memory_space<semaphore_mem>>) src(%dma_wait3A_202 : memref<128x384xf32, #tpu.memory_space<vmem>>) dst(%dma_wait3A_198 : memref<128x384xf32, #tpu.memory_space<hbm>>)
    %dma_start3A_203 = arith.constant 1 : i32
    %dma_start3A_204 = arith.constant 0 : i32
    %dma_start3A_205 = arith.constant 0 : i32
    %dma_start3A_206 = tpu.memref_slice %arg6[%dma_start3A_203, %dma_start3A_204, %dma_start3A_205] : memref<2x128x384xf32, #tpu.memory_space<vmem>> -> memref<1x128x384xf32, #tpu.memory_space<vmem>>
    %dma_start3A_207 = tpu.memref_squeeze %dma_start3A_206 : memref<1x128x384xf32, #tpu.memory_space<vmem>> -> memref<128x384xf32, #tpu.memory_space<vmem>>
    %dma_start3A_208 = arith.constant 640 : i32
    %dma_start3A_209 = tpu.memref_slice %arg5[%dma_start3A_208] : memref<768xi32, #tpu.memory_space<vmem>> -> memref<128xi32, #tpu.memory_space<vmem>>
    %dma_start3A_210 = arith.constant 0 : i32
    %dma_start3A_211 = arith.constant 0 : i32
    %dma_start3A_212 = tpu.memref_slice %arg3[%dma_start3A_210, %dma_start3A_211] : memref<100000x384xf32, #tpu.memory_space<hbm>> -> memref<100000x384xf32, #tpu.memory_space<hbm>>
    tpu.enqueue_indirect_dma source(%dma_start3A_212 : memref<100000x384xf32, #tpu.memory_space<hbm>>) target(%dma_start3A_207 : memref<128x384xf32, #tpu.memory_space<vmem>>) offsets(%dma_start3A_209 : memref<128xi32, #tpu.memory_space<vmem>>) semaphore(%arg8 : memref<!tpu.dma_semaphore, #tpu.memory_space<semaphore_mem>>)
    %dma_wait3A_213 = arith.constant 0 : i32
    %dma_wait3A_214 = arith.constant 0 : i32
    %dma_wait3A_215 = arith.constant 0 : i32
    %dma_wait3A_216 = tpu.memref_slice %arg6[%dma_wait3A_213, %dma_wait3A_214, %dma_wait3A_215] : memref<2x128x384xf32, #tpu.memory_space<vmem>> -> memref<1x128x384xf32, #tpu.memory_space<vmem>>
    %dma_wait3A_217 = tpu.memref_squeeze %dma_wait3A_216 : memref<1x128x384xf32, #tpu.memory_space<vmem>> -> memref<128x384xf32, #tpu.memory_space<vmem>>
    %dma_wait3A_218 = arith.constant 512 : i32
    %dma_wait3A_219 = tpu.memref_slice %arg5[%dma_wait3A_218] : memref<768xi32, #tpu.memory_space<vmem>> -> memref<128xi32, #tpu.memory_space<vmem>>
    %dma_wait3A_220 = arith.constant 0 : i32
    %dma_wait3A_221 = arith.constant 0 : i32
    %dma_wait3A_222 = tpu.memref_slice %arg3[%dma_wait3A_220, %dma_wait3A_221] : memref<100000x384xf32, #tpu.memory_space<hbm>> -> memref<100000x384xf32, #tpu.memory_space<hbm>>
    tpu.wait_indirect_dma semaphore(%arg7 : memref<!tpu.dma_semaphore, #tpu.memory_space<semaphore_mem>>) src(%dma_wait3A_222 : memref<100000x384xf32, #tpu.memory_space<hbm>>) dst(%dma_wait3A_217 : memref<128x384xf32, #tpu.memory_space<vmem>>)
    %add3A_223 = arith.constant 512 : i32
    %add3A_224 = arith.addi %mul3A_2, %add3A_223 : i32
    %dma_start3A_225 = arith.constant 0 : i32
    %dma_start3A_226 = arith.constant 0 : i32
    %dma_start3A_227 = arith.constant 0 : i32
    %dma_start3A_228 = tpu.memref_slice %arg6[%dma_start3A_225, %dma_start3A_226, %dma_start3A_227] : memref<2x128x384xf32, #tpu.memory_space<vmem>> -> memref<1x128x384xf32, #tpu.memory_space<vmem>>
    %dma_start3A_229 = tpu.memref_squeeze %dma_start3A_228 : memref<1x128x384xf32, #tpu.memory_space<vmem>> -> memref<128x384xf32, #tpu.memory_space<vmem>>
    %dma_start3A_230 = arith.constant 0 : i32
    %dma_start3A_231 = tpu.memref_slice %arg4[%add3A_224, %dma_start3A_230] : memref<24576x384xf32, #tpu.memory_space<hbm>> -> memref<128x384xf32, #tpu.memory_space<hbm>>
    %dma_start3A_232 = arith.constant 0 : i32
    %dma_start3A_233 = tpu.memref_slice %arg4[%add3A_224, %dma_start3A_232] : memref<24576x384xf32, #tpu.memory_space<hbm>> -> memref<128x384xf32, #tpu.memory_space<hbm>>
    %dma_start3A_234 = arith.constant 0 : i32
    %dma_start3A_235 = arith.constant 0 : i32
    %dma_start3A_236 = tpu.memref_slice %arg6[%dma_start3A_225, %dma_start3A_234, %dma_start3A_235] : memref<2x128x384xf32, #tpu.memory_space<vmem>> -> memref<1x128x384xf32, #tpu.memory_space<vmem>>
    %dma_start3A_237 = tpu.memref_squeeze %dma_start3A_236 : memref<1x128x384xf32, #tpu.memory_space<vmem>> -> memref<128x384xf32, #tpu.memory_space<vmem>>
    tpu.enqueue_dma source(%dma_start3A_237 : memref<128x384xf32, #tpu.memory_space<vmem>>) target(%dma_start3A_233 : memref<128x384xf32, #tpu.memory_space<hbm>>) target_semaphore(%arg9 : memref<!tpu.dma_semaphore, #tpu.memory_space<semaphore_mem>>)
    %dma_wait3A_238 = arith.constant 1 : i32
    %dma_wait3A_239 = arith.constant 0 : i32
    %dma_wait3A_240 = arith.constant 0 : i32
    %dma_wait3A_241 = tpu.memref_slice %arg6[%dma_wait3A_238, %dma_wait3A_239, %dma_wait3A_240] : memref<2x128x384xf32, #tpu.memory_space<vmem>> -> memref<1x128x384xf32, #tpu.memory_space<vmem>>
    %dma_wait3A_242 = tpu.memref_squeeze %dma_wait3A_241 : memref<1x128x384xf32, #tpu.memory_space<vmem>> -> memref<128x384xf32, #tpu.memory_space<vmem>>
    %dma_wait3A_243 = arith.constant 640 : i32
    %dma_wait3A_244 = tpu.memref_slice %arg5[%dma_wait3A_243] : memref<768xi32, #tpu.memory_space<vmem>> -> memref<128xi32, #tpu.memory_space<vmem>>
    %dma_wait3A_245 = arith.constant 0 : i32
    %dma_wait3A_246 = arith.constant 0 : i32
    %dma_wait3A_247 = tpu.memref_slice %arg3[%dma_wait3A_245, %dma_wait3A_246] : memref<100000x384xf32, #tpu.memory_space<hbm>> -> memref<100000x384xf32, #tpu.memory_space<hbm>>
    tpu.wait_indirect_dma semaphore(%arg8 : memref<!tpu.dma_semaphore, #tpu.memory_space<semaphore_mem>>) src(%dma_wait3A_247 : memref<100000x384xf32, #tpu.memory_space<hbm>>) dst(%dma_wait3A_242 : memref<128x384xf32, #tpu.memory_space<vmem>>)
    %add3A_248 = arith.constant 640 : i32
    %add3A_249 = arith.addi %mul3A_2, %add3A_248 : i32
    %dma_start3A_250 = arith.constant 1 : i32
    %dma_start3A_251 = arith.constant 0 : i32
    %dma_start3A_252 = arith.constant 0 : i32
    %dma_start3A_253 = tpu.memref_slice %arg6[%dma_start3A_250, %dma_start3A_251, %dma_start3A_252] : memref<2x128x384xf32, #tpu.memory_space<vmem>> -> memref<1x128x384xf32, #tpu.memory_space<vmem>>
    %dma_start3A_254 = tpu.memref_squeeze %dma_start3A_253 : memref<1x128x384xf32, #tpu.memory_space<vmem>> -> memref<128x384xf32, #tpu.memory_space<vmem>>
    %dma_start3A_255 = arith.constant 0 : i32
    %dma_start3A_256 = tpu.memref_slice %arg4[%add3A_249, %dma_start3A_255] : memref<24576x384xf32, #tpu.memory_space<hbm>> -> memref<128x384xf32, #tpu.memory_space<hbm>>
    %dma_start3A_257 = arith.constant 0 : i32
    %dma_start3A_258 = tpu.memref_slice %arg4[%add3A_249, %dma_start3A_257] : memref<24576x384xf32, #tpu.memory_space<hbm>> -> memref<128x384xf32, #tpu.memory_space<hbm>>
    %dma_start3A_259 = arith.constant 0 : i32
    %dma_start3A_260 = arith.constant 0 : i32
    %dma_start3A_261 = tpu.memref_slice %arg6[%dma_start3A_250, %dma_start3A_259, %dma_start3A_260] : memref<2x128x384xf32, #tpu.memory_space<vmem>> -> memref<1x128x384xf32, #tpu.memory_space<vmem>>
    %dma_start3A_262 = tpu.memref_squeeze %dma_start3A_261 : memref<1x128x384xf32, #tpu.memory_space<vmem>> -> memref<128x384xf32, #tpu.memory_space<vmem>>
    tpu.enqueue_dma source(%dma_start3A_262 : memref<128x384xf32, #tpu.memory_space<vmem>>) target(%dma_start3A_258 : memref<128x384xf32, #tpu.memory_space<hbm>>) target_semaphore(%arg10 : memref<!tpu.dma_semaphore, #tpu.memory_space<semaphore_mem>>)
    %dma_wait3A_263 = arith.constant 0 : i32
    %dma_wait3A_264 = arith.constant 0 : i32
    %dma_wait3A_265 = arith.constant 0 : i32
    %dma_wait3A_266 = tpu.memref_slice %arg6[%dma_wait3A_263, %dma_wait3A_264, %dma_wait3A_265] : memref<2x128x384xf32, #tpu.memory_space<vmem>> -> memref<1x128x384xf32, #tpu.memory_space<vmem>>
    %dma_wait3A_267 = tpu.memref_squeeze %dma_wait3A_266 : memref<1x128x384xf32, #tpu.memory_space<vmem>> -> memref<128x384xf32, #tpu.memory_space<vmem>>
    %dma_wait3A_268 = arith.constant 0 : i32
    %dma_wait3A_269 = tpu.memref_slice %arg4[%add3A_224, %dma_wait3A_268] : memref<24576x384xf32, #tpu.memory_space<hbm>> -> memref<128x384xf32, #tpu.memory_space<hbm>>
    %dma_wait3A_270 = arith.constant 0 : i32
    %dma_wait3A_271 = tpu.memref_slice %arg4[%add3A_224, %dma_wait3A_270] : memref<24576x384xf32, #tpu.memory_space<hbm>> -> memref<128x384xf32, #tpu.memory_space<hbm>>
    %dma_wait3A_272 = arith.constant 0 : i32
    %dma_wait3A_273 = arith.constant 0 : i32
    %dma_wait3A_274 = tpu.memref_slice %arg6[%dma_wait3A_263, %dma_wait3A_272, %dma_wait3A_273] : memref<2x128x384xf32, #tpu.memory_space<vmem>> -> memref<1x128x384xf32, #tpu.memory_space<vmem>>
    %dma_wait3A_275 = tpu.memref_squeeze %dma_wait3A_274 : memref<1x128x384xf32, #tpu.memory_space<vmem>> -> memref<128x384xf32, #tpu.memory_space<vmem>>
    tpu.wait_dma2 semaphore(%arg9 : memref<!tpu.dma_semaphore, #tpu.memory_space<semaphore_mem>>) src(%dma_wait3A_275 : memref<128x384xf32, #tpu.memory_space<vmem>>) dst(%dma_wait3A_271 : memref<128x384xf32, #tpu.memory_space<hbm>>)
    %dma_wait3A_276 = arith.constant 1 : i32
    %dma_wait3A_277 = arith.constant 0 : i32
    %dma_wait3A_278 = arith.constant 0 : i32
    %dma_wait3A_279 = tpu.memref_slice %arg6[%dma_wait3A_276, %dma_wait3A_277, %dma_wait3A_278] : memref<2x128x384xf32, #tpu.memory_space<vmem>> -> memref<1x128x384xf32, #tpu.memory_space<vmem>>
    %dma_wait3A_280 = tpu.memref_squeeze %dma_wait3A_279 : memref<1x128x384xf32, #tpu.memory_space<vmem>> -> memref<128x384xf32, #tpu.memory_space<vmem>>
    %dma_wait3A_281 = arith.constant 0 : i32
    %dma_wait3A_282 = tpu.memref_slice %arg4[%add3A_249, %dma_wait3A_281] : memref<24576x384xf32, #tpu.memory_space<hbm>> -> memref<128x384xf32, #tpu.memory_space<hbm>>
    %dma_wait3A_283 = arith.constant 0 : i32
    %dma_wait3A_284 = tpu.memref_slice %arg4[%add3A_249, %dma_wait3A_283] : memref<24576x384xf32, #tpu.memory_space<hbm>> -> memref<128x384xf32, #tpu.memory_space<hbm>>
    %dma_wait3A_285 = arith.constant 0 : i32
    %dma_wait3A_286 = arith.constant 0 : i32
    %dma_wait3A_287 = tpu.memref_slice %arg6[%dma_wait3A_276, %dma_wait3A_285, %dma_wait3A_286] : memref<2x128x384xf32, #tpu.memory_space<vmem>> -> memref<1x128x384xf32, #tpu.memory_space<vmem>>
    %dma_wait3A_288 = tpu.memref_squeeze %dma_wait3A_287 : memref<1x128x384xf32, #tpu.memory_space<vmem>> -> memref<128x384xf32, #tpu.memory_space<vmem>>
    tpu.wait_dma2 semaphore(%arg10 : memref<!tpu.dma_semaphore, #tpu.memory_space<semaphore_mem>>) src(%dma_wait3A_288 : memref<128x384xf32, #tpu.memory_space<vmem>>) dst(%dma_wait3A_284 : memref<128x384xf32, #tpu.memory_space<hbm>>)
    return
  }
}

#map = affine_map<(d0, d1) -> (0)>
#map1 = affine_map<(d0, d1) -> (0, 0)>
module attributes {stable_mosaic.version = 14 : i64} {
  func.func @_gather_rows(%arg0: i32, %arg1: i32, %arg2: memref<24576xi32, #tpu.memory_space<hbm>>, %arg3: memref<100000x384xf32, #tpu.memory_space<hbm>>, %arg4: memref<24576x384xf32, #tpu.memory_space<hbm>>, %arg5: memref<768xi32, #tpu.memory_space<vmem>>, %arg6: memref<2x128x384xf32, #tpu.memory_space<vmem>>, %arg7: memref<!tpu.dma_semaphore, #tpu.memory_space<semaphore_mem>>, %arg8: memref<!tpu.dma_semaphore, #tpu.memory_space<semaphore_mem>>, %arg9: memref<!tpu.dma_semaphore, #tpu.memory_space<semaphore_mem>>, %arg10: memref<!tpu.dma_semaphore, #tpu.memory_space<semaphore_mem>>) attributes {dimension_semantics = [#tpu.dimension_semantics<core_parallel>, #tpu.dimension_semantics<subcore_parallel>], iteration_bounds = array<i64: 2, 16>, scalar_prefetch = 0 : i64, scratch_operands = 6 : i64, tpu.core_type = #tpu.core_type<sc_vector_subcore>, window_params = [{transform_indices = #map}, {transform_indices = #map1}, {transform_indices = #map1}]} {
    %mul3A = arith.constant 2 : i32
    %mul3A_0 = arith.muli %arg1, %mul3A : i32
    %add3A = arith.addi %mul3A_0, %arg0 : i32
    %mul3A_1 = arith.constant 768 : i32
    %mul3A_2 = arith.muli %add3A, %mul3A_1 : i32
    "tpu.region"() ({
      %run_scoped3A = tpu.sem_alloc : memref<!tpu.dma_semaphore, #tpu.memory_space<semaphore_mem>>
      %dma_start3A_289 = tpu.memref_slice %arg2[%mul3A_2] : memref<24576xi32, #tpu.memory_space<hbm>> -> memref<768xi32, #tpu.memory_space<hbm>>
      %dma_start3A_290 = tpu.memref_slice %arg2[%mul3A_2] : memref<24576xi32, #tpu.memory_space<hbm>> -> memref<768xi32, #tpu.memory_space<hbm>>
      tpu.enqueue_dma source(%dma_start3A_290 : memref<768xi32, #tpu.memory_space<hbm>>) target(%arg5 : memref<768xi32, #tpu.memory_space<vmem>>) target_semaphore(%run_scoped3A : memref<!tpu.dma_semaphore, #tpu.memory_space<semaphore_mem>>)
      %dma_wait3A_291 = tpu.memref_slice %arg2[%mul3A_2] : memref<24576xi32, #tpu.memory_space<hbm>> -> memref<768xi32, #tpu.memory_space<hbm>>
      %dma_wait3A_292 = tpu.memref_slice %arg2[%mul3A_2] : memref<24576xi32, #tpu.memory_space<hbm>> -> memref<768xi32, #tpu.memory_space<hbm>>
      tpu.wait_dma2 semaphore(%run_scoped3A : memref<!tpu.dma_semaphore, #tpu.memory_space<semaphore_mem>>) src(%dma_wait3A_292 : memref<768xi32, #tpu.memory_space<hbm>>) dst(%arg5 : memref<768xi32, #tpu.memory_space<vmem>>)
      tpu.yield
    }) : () -> ()
    %dma_start3A = arith.constant 0 : i32
    %dma_start3A_3 = arith.constant 0 : i32
    %dma_start3A_4 = arith.constant 0 : i32
    %dma_start3A_5 = tpu.memref_slice %arg6[%dma_start3A, %dma_start3A_3, %dma_start3A_4] : memref<2x128x384xf32, #tpu.memory_space<vmem>> -> memref<1x128x384xf32, #tpu.memory_space<vmem>>
    %dma_start3A_6 = tpu.memref_squeeze %dma_start3A_5 : memref<1x128x384xf32, #tpu.memory_space<vmem>> -> memref<128x384xf32, #tpu.memory_space<vmem>>
    %dma_start3A_7 = arith.constant 0 : i32
    %dma_start3A_8 = tpu.memref_slice %arg5[%dma_start3A_7] : memref<768xi32, #tpu.memory_space<vmem>> -> memref<128xi32, #tpu.memory_space<vmem>>
    %dma_start3A_9 = arith.constant 0 : i32
    %dma_start3A_10 = arith.constant 0 : i32
    %dma_start3A_11 = tpu.memref_slice %arg3[%dma_start3A_9, %dma_start3A_10] : memref<100000x384xf32, #tpu.memory_space<hbm>> -> memref<100000x384xf32, #tpu.memory_space<hbm>>
    tpu.enqueue_indirect_dma source(%dma_start3A_11 : memref<100000x384xf32, #tpu.memory_space<hbm>>) target(%dma_start3A_6 : memref<128x384xf32, #tpu.memory_space<vmem>>) offsets(%dma_start3A_8 : memref<128xi32, #tpu.memory_space<vmem>>) semaphore(%arg7 : memref<!tpu.dma_semaphore, #tpu.memory_space<semaphore_mem>>)
    %dma_start3A_12 = arith.constant 1 : i32
    %dma_start3A_13 = arith.constant 0 : i32
    %dma_start3A_14 = arith.constant 0 : i32
    %dma_start3A_15 = tpu.memref_slice %arg6[%dma_start3A_12, %dma_start3A_13, %dma_start3A_14] : memref<2x128x384xf32, #tpu.memory_space<vmem>> -> memref<1x128x384xf32, #tpu.memory_space<vmem>>
    %dma_start3A_16 = tpu.memref_squeeze %dma_start3A_15 : memref<1x128x384xf32, #tpu.memory_space<vmem>> -> memref<128x384xf32, #tpu.memory_space<vmem>>
    %dma_start3A_17 = arith.constant 128 : i32
    %dma_start3A_18 = tpu.memref_slice %arg5[%dma_start3A_17] : memref<768xi32, #tpu.memory_space<vmem>> -> memref<128xi32, #tpu.memory_space<vmem>>
    %dma_start3A_19 = arith.constant 0 : i32
    %dma_start3A_20 = arith.constant 0 : i32
    %dma_start3A_21 = tpu.memref_slice %arg3[%dma_start3A_19, %dma_start3A_20] : memref<100000x384xf32, #tpu.memory_space<hbm>> -> memref<100000x384xf32, #tpu.memory_space<hbm>>
    tpu.enqueue_indirect_dma source(%dma_start3A_21 : memref<100000x384xf32, #tpu.memory_space<hbm>>) target(%dma_start3A_16 : memref<128x384xf32, #tpu.memory_space<vmem>>) offsets(%dma_start3A_18 : memref<128xi32, #tpu.memory_space<vmem>>) semaphore(%arg8 : memref<!tpu.dma_semaphore, #tpu.memory_space<semaphore_mem>>)
    %dma_wait3A = arith.constant 0 : i32
    %dma_wait3A_22 = arith.constant 0 : i32
    %dma_wait3A_23 = arith.constant 0 : i32
    %dma_wait3A_24 = tpu.memref_slice %arg6[%dma_wait3A, %dma_wait3A_22, %dma_wait3A_23] : memref<2x128x384xf32, #tpu.memory_space<vmem>> -> memref<1x128x384xf32, #tpu.memory_space<vmem>>
    %dma_wait3A_25 = tpu.memref_squeeze %dma_wait3A_24 : memref<1x128x384xf32, #tpu.memory_space<vmem>> -> memref<128x384xf32, #tpu.memory_space<vmem>>
    %dma_wait3A_26 = arith.constant 0 : i32
    %dma_wait3A_27 = tpu.memref_slice %arg5[%dma_wait3A_26] : memref<768xi32, #tpu.memory_space<vmem>> -> memref<128xi32, #tpu.memory_space<vmem>>
    %dma_wait3A_28 = arith.constant 0 : i32
    %dma_wait3A_29 = arith.constant 0 : i32
    %dma_wait3A_30 = tpu.memref_slice %arg3[%dma_wait3A_28, %dma_wait3A_29] : memref<100000x384xf32, #tpu.memory_space<hbm>> -> memref<100000x384xf32, #tpu.memory_space<hbm>>
    tpu.wait_indirect_dma semaphore(%arg7 : memref<!tpu.dma_semaphore, #tpu.memory_space<semaphore_mem>>) src(%dma_wait3A_30 : memref<100000x384xf32, #tpu.memory_space<hbm>>) dst(%dma_wait3A_25 : memref<128x384xf32, #tpu.memory_space<vmem>>)
    %add3A_31 = arith.constant 0 : i32
    %add3A_32 = arith.addi %mul3A_2, %add3A_31 : i32
    %dma_start3A_33 = arith.constant 0 : i32
    %dma_start3A_34 = arith.constant 0 : i32
    %dma_start3A_35 = arith.constant 0 : i32
    %dma_start3A_36 = tpu.memref_slice %arg6[%dma_start3A_33, %dma_start3A_34, %dma_start3A_35] : memref<2x128x384xf32, #tpu.memory_space<vmem>> -> memref<1x128x384xf32, #tpu.memory_space<vmem>>
    %dma_start3A_37 = tpu.memref_squeeze %dma_start3A_36 : memref<1x128x384xf32, #tpu.memory_space<vmem>> -> memref<128x384xf32, #tpu.memory_space<vmem>>
    %dma_start3A_38 = arith.constant 0 : i32
    %dma_start3A_39 = tpu.memref_slice %arg4[%add3A_32, %dma_start3A_38] : memref<24576x384xf32, #tpu.memory_space<hbm>> -> memref<128x384xf32, #tpu.memory_space<hbm>>
    %dma_start3A_40 = arith.constant 0 : i32
    %dma_start3A_41 = tpu.memref_slice %arg4[%add3A_32, %dma_start3A_40] : memref<24576x384xf32, #tpu.memory_space<hbm>> -> memref<128x384xf32, #tpu.memory_space<hbm>>
    %dma_start3A_42 = arith.constant 0 : i32
    %dma_start3A_43 = arith.constant 0 : i32
    %dma_start3A_44 = tpu.memref_slice %arg6[%dma_start3A_33, %dma_start3A_42, %dma_start3A_43] : memref<2x128x384xf32, #tpu.memory_space<vmem>> -> memref<1x128x384xf32, #tpu.memory_space<vmem>>
    %dma_start3A_45 = tpu.memref_squeeze %dma_start3A_44 : memref<1x128x384xf32, #tpu.memory_space<vmem>> -> memref<128x384xf32, #tpu.memory_space<vmem>>
    tpu.enqueue_dma source(%dma_start3A_45 : memref<128x384xf32, #tpu.memory_space<vmem>>) target(%dma_start3A_41 : memref<128x384xf32, #tpu.memory_space<hbm>>) target_semaphore(%arg9 : memref<!tpu.dma_semaphore, #tpu.memory_space<semaphore_mem>>)
    %dma_wait3A_46 = arith.constant 0 : i32
    %dma_wait3A_47 = arith.constant 0 : i32
    %dma_wait3A_48 = arith.constant 0 : i32
    %dma_wait3A_49 = tpu.memref_slice %arg6[%dma_wait3A_46, %dma_wait3A_47, %dma_wait3A_48] : memref<2x128x384xf32, #tpu.memory_space<vmem>> -> memref<1x128x384xf32, #tpu.memory_space<vmem>>
    %dma_wait3A_50 = tpu.memref_squeeze %dma_wait3A_49 : memref<1x128x384xf32, #tpu.memory_space<vmem>> -> memref<128x384xf32, #tpu.memory_space<vmem>>
    %dma_wait3A_51 = arith.constant 0 : i32
    %dma_wait3A_52 = tpu.memref_slice %arg4[%add3A_32, %dma_wait3A_51] : memref<24576x384xf32, #tpu.memory_space<hbm>> -> memref<128x384xf32, #tpu.memory_space<hbm>>
    %dma_wait3A_53 = arith.constant 0 : i32
    %dma_wait3A_54 = tpu.memref_slice %arg4[%add3A_32, %dma_wait3A_53] : memref<24576x384xf32, #tpu.memory_space<hbm>> -> memref<128x384xf32, #tpu.memory_space<hbm>>
    %dma_wait3A_55 = arith.constant 0 : i32
    %dma_wait3A_56 = arith.constant 0 : i32
    %dma_wait3A_57 = tpu.memref_slice %arg6[%dma_wait3A_46, %dma_wait3A_55, %dma_wait3A_56] : memref<2x128x384xf32, #tpu.memory_space<vmem>> -> memref<1x128x384xf32, #tpu.memory_space<vmem>>
    %dma_wait3A_58 = tpu.memref_squeeze %dma_wait3A_57 : memref<1x128x384xf32, #tpu.memory_space<vmem>> -> memref<128x384xf32, #tpu.memory_space<vmem>>
    tpu.wait_dma2 semaphore(%arg9 : memref<!tpu.dma_semaphore, #tpu.memory_space<semaphore_mem>>) src(%dma_wait3A_58 : memref<128x384xf32, #tpu.memory_space<vmem>>) dst(%dma_wait3A_54 : memref<128x384xf32, #tpu.memory_space<hbm>>)
    %dma_start3A_59 = arith.constant 0 : i32
    %dma_start3A_60 = arith.constant 0 : i32
    %dma_start3A_61 = arith.constant 0 : i32
    %dma_start3A_62 = tpu.memref_slice %arg6[%dma_start3A_59, %dma_start3A_60, %dma_start3A_61] : memref<2x128x384xf32, #tpu.memory_space<vmem>> -> memref<1x128x384xf32, #tpu.memory_space<vmem>>
    %dma_start3A_63 = tpu.memref_squeeze %dma_start3A_62 : memref<1x128x384xf32, #tpu.memory_space<vmem>> -> memref<128x384xf32, #tpu.memory_space<vmem>>
    %dma_start3A_64 = arith.constant 256 : i32
    %dma_start3A_65 = tpu.memref_slice %arg5[%dma_start3A_64] : memref<768xi32, #tpu.memory_space<vmem>> -> memref<128xi32, #tpu.memory_space<vmem>>
    %dma_start3A_66 = arith.constant 0 : i32
    %dma_start3A_67 = arith.constant 0 : i32
    %dma_start3A_68 = tpu.memref_slice %arg3[%dma_start3A_66, %dma_start3A_67] : memref<100000x384xf32, #tpu.memory_space<hbm>> -> memref<100000x384xf32, #tpu.memory_space<hbm>>
    tpu.enqueue_indirect_dma source(%dma_start3A_68 : memref<100000x384xf32, #tpu.memory_space<hbm>>) target(%dma_start3A_63 : memref<128x384xf32, #tpu.memory_space<vmem>>) offsets(%dma_start3A_65 : memref<128xi32, #tpu.memory_space<vmem>>) semaphore(%arg7 : memref<!tpu.dma_semaphore, #tpu.memory_space<semaphore_mem>>)
    %dma_wait3A_69 = arith.constant 1 : i32
    %dma_wait3A_70 = arith.constant 0 : i32
    %dma_wait3A_71 = arith.constant 0 : i32
    %dma_wait3A_72 = tpu.memref_slice %arg6[%dma_wait3A_69, %dma_wait3A_70, %dma_wait3A_71] : memref<2x128x384xf32, #tpu.memory_space<vmem>> -> memref<1x128x384xf32, #tpu.memory_space<vmem>>
    %dma_wait3A_73 = tpu.memref_squeeze %dma_wait3A_72 : memref<1x128x384xf32, #tpu.memory_space<vmem>> -> memref<128x384xf32, #tpu.memory_space<vmem>>
    %dma_wait3A_74 = arith.constant 128 : i32
    %dma_wait3A_75 = tpu.memref_slice %arg5[%dma_wait3A_74] : memref<768xi32, #tpu.memory_space<vmem>> -> memref<128xi32, #tpu.memory_space<vmem>>
    %dma_wait3A_76 = arith.constant 0 : i32
    %dma_wait3A_77 = arith.constant 0 : i32
    %dma_wait3A_78 = tpu.memref_slice %arg3[%dma_wait3A_76, %dma_wait3A_77] : memref<100000x384xf32, #tpu.memory_space<hbm>> -> memref<100000x384xf32, #tpu.memory_space<hbm>>
    tpu.wait_indirect_dma semaphore(%arg8 : memref<!tpu.dma_semaphore, #tpu.memory_space<semaphore_mem>>) src(%dma_wait3A_78 : memref<100000x384xf32, #tpu.memory_space<hbm>>) dst(%dma_wait3A_73 : memref<128x384xf32, #tpu.memory_space<vmem>>)
    %add3A_79 = arith.constant 128 : i32
    %add3A_80 = arith.addi %mul3A_2, %add3A_79 : i32
    %dma_start3A_81 = arith.constant 1 : i32
    %dma_start3A_82 = arith.constant 0 : i32
    %dma_start3A_83 = arith.constant 0 : i32
    %dma_start3A_84 = tpu.memref_slice %arg6[%dma_start3A_81, %dma_start3A_82, %dma_start3A_83] : memref<2x128x384xf32, #tpu.memory_space<vmem>> -> memref<1x128x384xf32, #tpu.memory_space<vmem>>
    %dma_start3A_85 = tpu.memref_squeeze %dma_start3A_84 : memref<1x128x384xf32, #tpu.memory_space<vmem>> -> memref<128x384xf32, #tpu.memory_space<vmem>>
    %dma_start3A_86 = arith.constant 0 : i32
    %dma_start3A_87 = tpu.memref_slice %arg4[%add3A_80, %dma_start3A_86] : memref<24576x384xf32, #tpu.memory_space<hbm>> -> memref<128x384xf32, #tpu.memory_space<hbm>>
    %dma_start3A_88 = arith.constant 0 : i32
    %dma_start3A_89 = tpu.memref_slice %arg4[%add3A_80, %dma_start3A_88] : memref<24576x384xf32, #tpu.memory_space<hbm>> -> memref<128x384xf32, #tpu.memory_space<hbm>>
    %dma_start3A_90 = arith.constant 0 : i32
    %dma_start3A_91 = arith.constant 0 : i32
    %dma_start3A_92 = tpu.memref_slice %arg6[%dma_start3A_81, %dma_start3A_90, %dma_start3A_91] : memref<2x128x384xf32, #tpu.memory_space<vmem>> -> memref<1x128x384xf32, #tpu.memory_space<vmem>>
    %dma_start3A_93 = tpu.memref_squeeze %dma_start3A_92 : memref<1x128x384xf32, #tpu.memory_space<vmem>> -> memref<128x384xf32, #tpu.memory_space<vmem>>
    tpu.enqueue_dma source(%dma_start3A_93 : memref<128x384xf32, #tpu.memory_space<vmem>>) target(%dma_start3A_89 : memref<128x384xf32, #tpu.memory_space<hbm>>) target_semaphore(%arg10 : memref<!tpu.dma_semaphore, #tpu.memory_space<semaphore_mem>>)
    %dma_wait3A_94 = arith.constant 1 : i32
    %dma_wait3A_95 = arith.constant 0 : i32
    %dma_wait3A_96 = arith.constant 0 : i32
    %dma_wait3A_97 = tpu.memref_slice %arg6[%dma_wait3A_94, %dma_wait3A_95, %dma_wait3A_96] : memref<2x128x384xf32, #tpu.memory_space<vmem>> -> memref<1x128x384xf32, #tpu.memory_space<vmem>>
    %dma_wait3A_98 = tpu.memref_squeeze %dma_wait3A_97 : memref<1x128x384xf32, #tpu.memory_space<vmem>> -> memref<128x384xf32, #tpu.memory_space<vmem>>
    %dma_wait3A_99 = arith.constant 0 : i32
    %dma_wait3A_100 = tpu.memref_slice %arg4[%add3A_80, %dma_wait3A_99] : memref<24576x384xf32, #tpu.memory_space<hbm>> -> memref<128x384xf32, #tpu.memory_space<hbm>>
    %dma_wait3A_101 = arith.constant 0 : i32
    %dma_wait3A_102 = tpu.memref_slice %arg4[%add3A_80, %dma_wait3A_101] : memref<24576x384xf32, #tpu.memory_space<hbm>> -> memref<128x384xf32, #tpu.memory_space<hbm>>
    %dma_wait3A_103 = arith.constant 0 : i32
    %dma_wait3A_104 = arith.constant 0 : i32
    %dma_wait3A_105 = tpu.memref_slice %arg6[%dma_wait3A_94, %dma_wait3A_103, %dma_wait3A_104] : memref<2x128x384xf32, #tpu.memory_space<vmem>> -> memref<1x128x384xf32, #tpu.memory_space<vmem>>
    %dma_wait3A_106 = tpu.memref_squeeze %dma_wait3A_105 : memref<1x128x384xf32, #tpu.memory_space<vmem>> -> memref<128x384xf32, #tpu.memory_space<vmem>>
    tpu.wait_dma2 semaphore(%arg10 : memref<!tpu.dma_semaphore, #tpu.memory_space<semaphore_mem>>) src(%dma_wait3A_106 : memref<128x384xf32, #tpu.memory_space<vmem>>) dst(%dma_wait3A_102 : memref<128x384xf32, #tpu.memory_space<hbm>>)
    %dma_start3A_107 = arith.constant 1 : i32
    %dma_start3A_108 = arith.constant 0 : i32
    %dma_start3A_109 = arith.constant 0 : i32
    %dma_start3A_110 = tpu.memref_slice %arg6[%dma_start3A_107, %dma_start3A_108, %dma_start3A_109] : memref<2x128x384xf32, #tpu.memory_space<vmem>> -> memref<1x128x384xf32, #tpu.memory_space<vmem>>
    %dma_start3A_111 = tpu.memref_squeeze %dma_start3A_110 : memref<1x128x384xf32, #tpu.memory_space<vmem>> -> memref<128x384xf32, #tpu.memory_space<vmem>>
    %dma_start3A_112 = arith.constant 384 : i32
    %dma_start3A_113 = tpu.memref_slice %arg5[%dma_start3A_112] : memref<768xi32, #tpu.memory_space<vmem>> -> memref<128xi32, #tpu.memory_space<vmem>>
    %dma_start3A_114 = arith.constant 0 : i32
    %dma_start3A_115 = arith.constant 0 : i32
    %dma_start3A_116 = tpu.memref_slice %arg3[%dma_start3A_114, %dma_start3A_115] : memref<100000x384xf32, #tpu.memory_space<hbm>> -> memref<100000x384xf32, #tpu.memory_space<hbm>>
    tpu.enqueue_indirect_dma source(%dma_start3A_116 : memref<100000x384xf32, #tpu.memory_space<hbm>>) target(%dma_start3A_111 : memref<128x384xf32, #tpu.memory_space<vmem>>) offsets(%dma_start3A_113 : memref<128xi32, #tpu.memory_space<vmem>>) semaphore(%arg8 : memref<!tpu.dma_semaphore, #tpu.memory_space<semaphore_mem>>)
    %dma_wait3A_117 = arith.constant 0 : i32
    %dma_wait3A_118 = arith.constant 0 : i32
    %dma_wait3A_119 = arith.constant 0 : i32
    %dma_wait3A_120 = tpu.memref_slice %arg6[%dma_wait3A_117, %dma_wait3A_118, %dma_wait3A_119] : memref<2x128x384xf32, #tpu.memory_space<vmem>> -> memref<1x128x384xf32, #tpu.memory_space<vmem>>
    %dma_wait3A_121 = tpu.memref_squeeze %dma_wait3A_120 : memref<1x128x384xf32, #tpu.memory_space<vmem>> -> memref<128x384xf32, #tpu.memory_space<vmem>>
    %dma_wait3A_122 = arith.constant 256 : i32
    %dma_wait3A_123 = tpu.memref_slice %arg5[%dma_wait3A_122] : memref<768xi32, #tpu.memory_space<vmem>> -> memref<128xi32, #tpu.memory_space<vmem>>
    %dma_wait3A_124 = arith.constant 0 : i32
    %dma_wait3A_125 = arith.constant 0 : i32
    %dma_wait3A_126 = tpu.memref_slice %arg3[%dma_wait3A_124, %dma_wait3A_125] : memref<100000x384xf32, #tpu.memory_space<hbm>> -> memref<100000x384xf32, #tpu.memory_space<hbm>>
    tpu.wait_indirect_dma semaphore(%arg7 : memref<!tpu.dma_semaphore, #tpu.memory_space<semaphore_mem>>) src(%dma_wait3A_126 : memref<100000x384xf32, #tpu.memory_space<hbm>>) dst(%dma_wait3A_121 : memref<128x384xf32, #tpu.memory_space<vmem>>)
    %add3A_127 = arith.constant 256 : i32
    %add3A_128 = arith.addi %mul3A_2, %add3A_127 : i32
    %dma_start3A_129 = arith.constant 0 : i32
    %dma_start3A_130 = arith.constant 0 : i32
    %dma_start3A_131 = arith.constant 0 : i32
    %dma_start3A_132 = tpu.memref_slice %arg6[%dma_start3A_129, %dma_start3A_130, %dma_start3A_131] : memref<2x128x384xf32, #tpu.memory_space<vmem>> -> memref<1x128x384xf32, #tpu.memory_space<vmem>>
    %dma_start3A_133 = tpu.memref_squeeze %dma_start3A_132 : memref<1x128x384xf32, #tpu.memory_space<vmem>> -> memref<128x384xf32, #tpu.memory_space<vmem>>
    %dma_start3A_134 = arith.constant 0 : i32
    %dma_start3A_135 = tpu.memref_slice %arg4[%add3A_128, %dma_start3A_134] : memref<24576x384xf32, #tpu.memory_space<hbm>> -> memref<128x384xf32, #tpu.memory_space<hbm>>
    %dma_start3A_136 = arith.constant 0 : i32
    %dma_start3A_137 = tpu.memref_slice %arg4[%add3A_128, %dma_start3A_136] : memref<24576x384xf32, #tpu.memory_space<hbm>> -> memref<128x384xf32, #tpu.memory_space<hbm>>
    %dma_start3A_138 = arith.constant 0 : i32
    %dma_start3A_139 = arith.constant 0 : i32
    %dma_start3A_140 = tpu.memref_slice %arg6[%dma_start3A_129, %dma_start3A_138, %dma_start3A_139] : memref<2x128x384xf32, #tpu.memory_space<vmem>> -> memref<1x128x384xf32, #tpu.memory_space<vmem>>
    %dma_start3A_141 = tpu.memref_squeeze %dma_start3A_140 : memref<1x128x384xf32, #tpu.memory_space<vmem>> -> memref<128x384xf32, #tpu.memory_space<vmem>>
    tpu.enqueue_dma source(%dma_start3A_141 : memref<128x384xf32, #tpu.memory_space<vmem>>) target(%dma_start3A_137 : memref<128x384xf32, #tpu.memory_space<hbm>>) target_semaphore(%arg9 : memref<!tpu.dma_semaphore, #tpu.memory_space<semaphore_mem>>)
    %dma_wait3A_142 = arith.constant 0 : i32
    %dma_wait3A_143 = arith.constant 0 : i32
    %dma_wait3A_144 = arith.constant 0 : i32
    %dma_wait3A_145 = tpu.memref_slice %arg6[%dma_wait3A_142, %dma_wait3A_143, %dma_wait3A_144] : memref<2x128x384xf32, #tpu.memory_space<vmem>> -> memref<1x128x384xf32, #tpu.memory_space<vmem>>
    %dma_wait3A_146 = tpu.memref_squeeze %dma_wait3A_145 : memref<1x128x384xf32, #tpu.memory_space<vmem>> -> memref<128x384xf32, #tpu.memory_space<vmem>>
    %dma_wait3A_147 = arith.constant 0 : i32
    %dma_wait3A_148 = tpu.memref_slice %arg4[%add3A_128, %dma_wait3A_147] : memref<24576x384xf32, #tpu.memory_space<hbm>> -> memref<128x384xf32, #tpu.memory_space<hbm>>
    %dma_wait3A_149 = arith.constant 0 : i32
    %dma_wait3A_150 = tpu.memref_slice %arg4[%add3A_128, %dma_wait3A_149] : memref<24576x384xf32, #tpu.memory_space<hbm>> -> memref<128x384xf32, #tpu.memory_space<hbm>>
    %dma_wait3A_151 = arith.constant 0 : i32
    %dma_wait3A_152 = arith.constant 0 : i32
    %dma_wait3A_153 = tpu.memref_slice %arg6[%dma_wait3A_142, %dma_wait3A_151, %dma_wait3A_152] : memref<2x128x384xf32, #tpu.memory_space<vmem>> -> memref<1x128x384xf32, #tpu.memory_space<vmem>>
    %dma_wait3A_154 = tpu.memref_squeeze %dma_wait3A_153 : memref<1x128x384xf32, #tpu.memory_space<vmem>> -> memref<128x384xf32, #tpu.memory_space<vmem>>
    tpu.wait_dma2 semaphore(%arg9 : memref<!tpu.dma_semaphore, #tpu.memory_space<semaphore_mem>>) src(%dma_wait3A_154 : memref<128x384xf32, #tpu.memory_space<vmem>>) dst(%dma_wait3A_150 : memref<128x384xf32, #tpu.memory_space<hbm>>)
    %dma_start3A_155 = arith.constant 0 : i32
    %dma_start3A_156 = arith.constant 0 : i32
    %dma_start3A_157 = arith.constant 0 : i32
    %dma_start3A_158 = tpu.memref_slice %arg6[%dma_start3A_155, %dma_start3A_156, %dma_start3A_157] : memref<2x128x384xf32, #tpu.memory_space<vmem>> -> memref<1x128x384xf32, #tpu.memory_space<vmem>>
    %dma_start3A_159 = tpu.memref_squeeze %dma_start3A_158 : memref<1x128x384xf32, #tpu.memory_space<vmem>> -> memref<128x384xf32, #tpu.memory_space<vmem>>
    %dma_start3A_160 = arith.constant 512 : i32
    %dma_start3A_161 = tpu.memref_slice %arg5[%dma_start3A_160] : memref<768xi32, #tpu.memory_space<vmem>> -> memref<128xi32, #tpu.memory_space<vmem>>
    %dma_start3A_162 = arith.constant 0 : i32
    %dma_start3A_163 = arith.constant 0 : i32
    %dma_start3A_164 = tpu.memref_slice %arg3[%dma_start3A_162, %dma_start3A_163] : memref<100000x384xf32, #tpu.memory_space<hbm>> -> memref<100000x384xf32, #tpu.memory_space<hbm>>
    tpu.enqueue_indirect_dma source(%dma_start3A_164 : memref<100000x384xf32, #tpu.memory_space<hbm>>) target(%dma_start3A_159 : memref<128x384xf32, #tpu.memory_space<vmem>>) offsets(%dma_start3A_161 : memref<128xi32, #tpu.memory_space<vmem>>) semaphore(%arg7 : memref<!tpu.dma_semaphore, #tpu.memory_space<semaphore_mem>>)
    %dma_wait3A_165 = arith.constant 1 : i32
    %dma_wait3A_166 = arith.constant 0 : i32
    %dma_wait3A_167 = arith.constant 0 : i32
    %dma_wait3A_168 = tpu.memref_slice %arg6[%dma_wait3A_165, %dma_wait3A_166, %dma_wait3A_167] : memref<2x128x384xf32, #tpu.memory_space<vmem>> -> memref<1x128x384xf32, #tpu.memory_space<vmem>>
    %dma_wait3A_169 = tpu.memref_squeeze %dma_wait3A_168 : memref<1x128x384xf32, #tpu.memory_space<vmem>> -> memref<128x384xf32, #tpu.memory_space<vmem>>
    %dma_wait3A_170 = arith.constant 384 : i32
    %dma_wait3A_171 = tpu.memref_slice %arg5[%dma_wait3A_170] : memref<768xi32, #tpu.memory_space<vmem>> -> memref<128xi32, #tpu.memory_space<vmem>>
    %dma_wait3A_172 = arith.constant 0 : i32
    %dma_wait3A_173 = arith.constant 0 : i32
    %dma_wait3A_174 = tpu.memref_slice %arg3[%dma_wait3A_172, %dma_wait3A_173] : memref<100000x384xf32, #tpu.memory_space<hbm>> -> memref<100000x384xf32, #tpu.memory_space<hbm>>
    tpu.wait_indirect_dma semaphore(%arg8 : memref<!tpu.dma_semaphore, #tpu.memory_space<semaphore_mem>>) src(%dma_wait3A_174 : memref<100000x384xf32, #tpu.memory_space<hbm>>) dst(%dma_wait3A_169 : memref<128x384xf32, #tpu.memory_space<vmem>>)
    %add3A_175 = arith.constant 384 : i32
    %add3A_176 = arith.addi %mul3A_2, %add3A_175 : i32
    %dma_start3A_177 = arith.constant 1 : i32
    %dma_start3A_178 = arith.constant 0 : i32
    %dma_start3A_179 = arith.constant 0 : i32
    %dma_start3A_180 = tpu.memref_slice %arg6[%dma_start3A_177, %dma_start3A_178, %dma_start3A_179] : memref<2x128x384xf32, #tpu.memory_space<vmem>> -> memref<1x128x384xf32, #tpu.memory_space<vmem>>
    %dma_start3A_181 = tpu.memref_squeeze %dma_start3A_180 : memref<1x128x384xf32, #tpu.memory_space<vmem>> -> memref<128x384xf32, #tpu.memory_space<vmem>>
    %dma_start3A_182 = arith.constant 0 : i32
    %dma_start3A_183 = tpu.memref_slice %arg4[%add3A_176, %dma_start3A_182] : memref<24576x384xf32, #tpu.memory_space<hbm>> -> memref<128x384xf32, #tpu.memory_space<hbm>>
    %dma_start3A_184 = arith.constant 0 : i32
    %dma_start3A_185 = tpu.memref_slice %arg4[%add3A_176, %dma_start3A_184] : memref<24576x384xf32, #tpu.memory_space<hbm>> -> memref<128x384xf32, #tpu.memory_space<hbm>>
    %dma_start3A_186 = arith.constant 0 : i32
    %dma_start3A_187 = arith.constant 0 : i32
    %dma_start3A_188 = tpu.memref_slice %arg6[%dma_start3A_177, %dma_start3A_186, %dma_start3A_187] : memref<2x128x384xf32, #tpu.memory_space<vmem>> -> memref<1x128x384xf32, #tpu.memory_space<vmem>>
    %dma_start3A_189 = tpu.memref_squeeze %dma_start3A_188 : memref<1x128x384xf32, #tpu.memory_space<vmem>> -> memref<128x384xf32, #tpu.memory_space<vmem>>
    tpu.enqueue_dma source(%dma_start3A_189 : memref<128x384xf32, #tpu.memory_space<vmem>>) target(%dma_start3A_185 : memref<128x384xf32, #tpu.memory_space<hbm>>) target_semaphore(%arg10 : memref<!tpu.dma_semaphore, #tpu.memory_space<semaphore_mem>>)
    %dma_wait3A_190 = arith.constant 1 : i32
    %dma_wait3A_191 = arith.constant 0 : i32
    %dma_wait3A_192 = arith.constant 0 : i32
    %dma_wait3A_193 = tpu.memref_slice %arg6[%dma_wait3A_190, %dma_wait3A_191, %dma_wait3A_192] : memref<2x128x384xf32, #tpu.memory_space<vmem>> -> memref<1x128x384xf32, #tpu.memory_space<vmem>>
    %dma_wait3A_194 = tpu.memref_squeeze %dma_wait3A_193 : memref<1x128x384xf32, #tpu.memory_space<vmem>> -> memref<128x384xf32, #tpu.memory_space<vmem>>
    %dma_wait3A_195 = arith.constant 0 : i32
    %dma_wait3A_196 = tpu.memref_slice %arg4[%add3A_176, %dma_wait3A_195] : memref<24576x384xf32, #tpu.memory_space<hbm>> -> memref<128x384xf32, #tpu.memory_space<hbm>>
    %dma_wait3A_197 = arith.constant 0 : i32
    %dma_wait3A_198 = tpu.memref_slice %arg4[%add3A_176, %dma_wait3A_197] : memref<24576x384xf32, #tpu.memory_space<hbm>> -> memref<128x384xf32, #tpu.memory_space<hbm>>
    %dma_wait3A_199 = arith.constant 0 : i32
    %dma_wait3A_200 = arith.constant 0 : i32
    %dma_wait3A_201 = tpu.memref_slice %arg6[%dma_wait3A_190, %dma_wait3A_199, %dma_wait3A_200] : memref<2x128x384xf32, #tpu.memory_space<vmem>> -> memref<1x128x384xf32, #tpu.memory_space<vmem>>
    %dma_wait3A_202 = tpu.memref_squeeze %dma_wait3A_201 : memref<1x128x384xf32, #tpu.memory_space<vmem>> -> memref<128x384xf32, #tpu.memory_space<vmem>>
    tpu.wait_dma2 semaphore(%arg10 : memref<!tpu.dma_semaphore, #tpu.memory_space<semaphore_mem>>) src(%dma_wait3A_202 : memref<128x384xf32, #tpu.memory_space<vmem>>) dst(%dma_wait3A_198 : memref<128x384xf32, #tpu.memory_space<hbm>>)
    %dma_start3A_203 = arith.constant 1 : i32
    %dma_start3A_204 = arith.constant 0 : i32
    %dma_start3A_205 = arith.constant 0 : i32
    %dma_start3A_206 = tpu.memref_slice %arg6[%dma_start3A_203, %dma_start3A_204, %dma_start3A_205] : memref<2x128x384xf32, #tpu.memory_space<vmem>> -> memref<1x128x384xf32, #tpu.memory_space<vmem>>
    %dma_start3A_207 = tpu.memref_squeeze %dma_start3A_206 : memref<1x128x384xf32, #tpu.memory_space<vmem>> -> memref<128x384xf32, #tpu.memory_space<vmem>>
    %dma_start3A_208 = arith.constant 640 : i32
    %dma_start3A_209 = tpu.memref_slice %arg5[%dma_start3A_208] : memref<768xi32, #tpu.memory_space<vmem>> -> memref<128xi32, #tpu.memory_space<vmem>>
    %dma_start3A_210 = arith.constant 0 : i32
    %dma_start3A_211 = arith.constant 0 : i32
    %dma_start3A_212 = tpu.memref_slice %arg3[%dma_start3A_210, %dma_start3A_211] : memref<100000x384xf32, #tpu.memory_space<hbm>> -> memref<100000x384xf32, #tpu.memory_space<hbm>>
    tpu.enqueue_indirect_dma source(%dma_start3A_212 : memref<100000x384xf32, #tpu.memory_space<hbm>>) target(%dma_start3A_207 : memref<128x384xf32, #tpu.memory_space<vmem>>) offsets(%dma_start3A_209 : memref<128xi32, #tpu.memory_space<vmem>>) semaphore(%arg8 : memref<!tpu.dma_semaphore, #tpu.memory_space<semaphore_mem>>)
    %dma_wait3A_213 = arith.constant 0 : i32
    %dma_wait3A_214 = arith.constant 0 : i32
    %dma_wait3A_215 = arith.constant 0 : i32
    %dma_wait3A_216 = tpu.memref_slice %arg6[%dma_wait3A_213, %dma_wait3A_214, %dma_wait3A_215] : memref<2x128x384xf32, #tpu.memory_space<vmem>> -> memref<1x128x384xf32, #tpu.memory_space<vmem>>
    %dma_wait3A_217 = tpu.memref_squeeze %dma_wait3A_216 : memref<1x128x384xf32, #tpu.memory_space<vmem>> -> memref<128x384xf32, #tpu.memory_space<vmem>>
    %dma_wait3A_218 = arith.constant 512 : i32
    %dma_wait3A_219 = tpu.memref_slice %arg5[%dma_wait3A_218] : memref<768xi32, #tpu.memory_space<vmem>> -> memref<128xi32, #tpu.memory_space<vmem>>
    %dma_wait3A_220 = arith.constant 0 : i32
    %dma_wait3A_221 = arith.constant 0 : i32
    %dma_wait3A_222 = tpu.memref_slice %arg3[%dma_wait3A_220, %dma_wait3A_221] : memref<100000x384xf32, #tpu.memory_space<hbm>> -> memref<100000x384xf32, #tpu.memory_space<hbm>>
    tpu.wait_indirect_dma semaphore(%arg7 : memref<!tpu.dma_semaphore, #tpu.memory_space<semaphore_mem>>) src(%dma_wait3A_222 : memref<100000x384xf32, #tpu.memory_space<hbm>>) dst(%dma_wait3A_217 : memref<128x384xf32, #tpu.memory_space<vmem>>)
    %add3A_223 = arith.constant 512 : i32
    %add3A_224 = arith.addi %mul3A_2, %add3A_223 : i32
    %dma_start3A_225 = arith.constant 0 : i32
    %dma_start3A_226 = arith.constant 0 : i32
    %dma_start3A_227 = arith.constant 0 : i32
    %dma_start3A_228 = tpu.memref_slice %arg6[%dma_start3A_225, %dma_start3A_226, %dma_start3A_227] : memref<2x128x384xf32, #tpu.memory_space<vmem>> -> memref<1x128x384xf32, #tpu.memory_space<vmem>>
    %dma_start3A_229 = tpu.memref_squeeze %dma_start3A_228 : memref<1x128x384xf32, #tpu.memory_space<vmem>> -> memref<128x384xf32, #tpu.memory_space<vmem>>
    %dma_start3A_230 = arith.constant 0 : i32
    %dma_start3A_231 = tpu.memref_slice %arg4[%add3A_224, %dma_start3A_230] : memref<24576x384xf32, #tpu.memory_space<hbm>> -> memref<128x384xf32, #tpu.memory_space<hbm>>
    %dma_start3A_232 = arith.constant 0 : i32
    %dma_start3A_233 = tpu.memref_slice %arg4[%add3A_224, %dma_start3A_232] : memref<24576x384xf32, #tpu.memory_space<hbm>> -> memref<128x384xf32, #tpu.memory_space<hbm>>
    %dma_start3A_234 = arith.constant 0 : i32
    %dma_start3A_235 = arith.constant 0 : i32
    %dma_start3A_236 = tpu.memref_slice %arg6[%dma_start3A_225, %dma_start3A_234, %dma_start3A_235] : memref<2x128x384xf32, #tpu.memory_space<vmem>> -> memref<1x128x384xf32, #tpu.memory_space<vmem>>
    %dma_start3A_237 = tpu.memref_squeeze %dma_start3A_236 : memref<1x128x384xf32, #tpu.memory_space<vmem>> -> memref<128x384xf32, #tpu.memory_space<vmem>>
    tpu.enqueue_dma source(%dma_start3A_237 : memref<128x384xf32, #tpu.memory_space<vmem>>) target(%dma_start3A_233 : memref<128x384xf32, #tpu.memory_space<hbm>>) target_semaphore(%arg9 : memref<!tpu.dma_semaphore, #tpu.memory_space<semaphore_mem>>)
    %dma_wait3A_238 = arith.constant 1 : i32
    %dma_wait3A_239 = arith.constant 0 : i32
    %dma_wait3A_240 = arith.constant 0 : i32
    %dma_wait3A_241 = tpu.memref_slice %arg6[%dma_wait3A_238, %dma_wait3A_239, %dma_wait3A_240] : memref<2x128x384xf32, #tpu.memory_space<vmem>> -> memref<1x128x384xf32, #tpu.memory_space<vmem>>
    %dma_wait3A_242 = tpu.memref_squeeze %dma_wait3A_241 : memref<1x128x384xf32, #tpu.memory_space<vmem>> -> memref<128x384xf32, #tpu.memory_space<vmem>>
    %dma_wait3A_243 = arith.constant 640 : i32
    %dma_wait3A_244 = tpu.memref_slice %arg5[%dma_wait3A_243] : memref<768xi32, #tpu.memory_space<vmem>> -> memref<128xi32, #tpu.memory_space<vmem>>
    %dma_wait3A_245 = arith.constant 0 : i32
    %dma_wait3A_246 = arith.constant 0 : i32
    %dma_wait3A_247 = tpu.memref_slice %arg3[%dma_wait3A_245, %dma_wait3A_246] : memref<100000x384xf32, #tpu.memory_space<hbm>> -> memref<100000x384xf32, #tpu.memory_space<hbm>>
    tpu.wait_indirect_dma semaphore(%arg8 : memref<!tpu.dma_semaphore, #tpu.memory_space<semaphore_mem>>) src(%dma_wait3A_247 : memref<100000x384xf32, #tpu.memory_space<hbm>>) dst(%dma_wait3A_242 : memref<128x384xf32, #tpu.memory_space<vmem>>)
    %add3A_248 = arith.constant 640 : i32
    %add3A_249 = arith.addi %mul3A_2, %add3A_248 : i32
    %dma_start3A_250 = arith.constant 1 : i32
    %dma_start3A_251 = arith.constant 0 : i32
    %dma_start3A_252 = arith.constant 0 : i32
    %dma_start3A_253 = tpu.memref_slice %arg6[%dma_start3A_250, %dma_start3A_251, %dma_start3A_252] : memref<2x128x384xf32, #tpu.memory_space<vmem>> -> memref<1x128x384xf32, #tpu.memory_space<vmem>>
    %dma_start3A_254 = tpu.memref_squeeze %dma_start3A_253 : memref<1x128x384xf32, #tpu.memory_space<vmem>> -> memref<128x384xf32, #tpu.memory_space<vmem>>
    %dma_start3A_255 = arith.constant 0 : i32
    %dma_start3A_256 = tpu.memref_slice %arg4[%add3A_249, %dma_start3A_255] : memref<24576x384xf32, #tpu.memory_space<hbm>> -> memref<128x384xf32, #tpu.memory_space<hbm>>
    %dma_start3A_257 = arith.constant 0 : i32
    %dma_start3A_258 = tpu.memref_slice %arg4[%add3A_249, %dma_start3A_257] : memref<24576x384xf32, #tpu.memory_space<hbm>> -> memref<128x384xf32, #tpu.memory_space<hbm>>
    %dma_start3A_259 = arith.constant 0 : i32
    %dma_start3A_260 = arith.constant 0 : i32
    %dma_start3A_261 = tpu.memref_slice %arg6[%dma_start3A_250, %dma_start3A_259, %dma_start3A_260] : memref<2x128x384xf32, #tpu.memory_space<vmem>> -> memref<1x128x384xf32, #tpu.memory_space<vmem>>
    %dma_start3A_262 = tpu.memref_squeeze %dma_start3A_261 : memref<1x128x384xf32, #tpu.memory_space<vmem>> -> memref<128x384xf32, #tpu.memory_space<vmem>>
    tpu.enqueue_dma source(%dma_start3A_262 : memref<128x384xf32, #tpu.memory_space<vmem>>) target(%dma_start3A_258 : memref<128x384xf32, #tpu.memory_space<hbm>>) target_semaphore(%arg10 : memref<!tpu.dma_semaphore, #tpu.memory_space<semaphore_mem>>)
    %dma_wait3A_263 = arith.constant 0 : i32
    %dma_wait3A_264 = arith.constant 0 : i32
    %dma_wait3A_265 = arith.constant 0 : i32
    %dma_wait3A_266 = tpu.memref_slice %arg6[%dma_wait3A_263, %dma_wait3A_264, %dma_wait3A_265] : memref<2x128x384xf32, #tpu.memory_space<vmem>> -> memref<1x128x384xf32, #tpu.memory_space<vmem>>
    %dma_wait3A_267 = tpu.memref_squeeze %dma_wait3A_266 : memref<1x128x384xf32, #tpu.memory_space<vmem>> -> memref<128x384xf32, #tpu.memory_space<vmem>>
    %dma_wait3A_268 = arith.constant 0 : i32
    %dma_wait3A_269 = tpu.memref_slice %arg4[%add3A_224, %dma_wait3A_268] : memref<24576x384xf32, #tpu.memory_space<hbm>> -> memref<128x384xf32, #tpu.memory_space<hbm>>
    %dma_wait3A_270 = arith.constant 0 : i32
    %dma_wait3A_271 = tpu.memref_slice %arg4[%add3A_224, %dma_wait3A_270] : memref<24576x384xf32, #tpu.memory_space<hbm>> -> memref<128x384xf32, #tpu.memory_space<hbm>>
    %dma_wait3A_272 = arith.constant 0 : i32
    %dma_wait3A_273 = arith.constant 0 : i32
    %dma_wait3A_274 = tpu.memref_slice %arg6[%dma_wait3A_263, %dma_wait3A_272, %dma_wait3A_273] : memref<2x128x384xf32, #tpu.memory_space<vmem>> -> memref<1x128x384xf32, #tpu.memory_space<vmem>>
    %dma_wait3A_275 = tpu.memref_squeeze %dma_wait3A_274 : memref<1x128x384xf32, #tpu.memory_space<vmem>> -> memref<128x384xf32, #tpu.memory_space<vmem>>
    tpu.wait_dma2 semaphore(%arg9 : memref<!tpu.dma_semaphore, #tpu.memory_space<semaphore_mem>>) src(%dma_wait3A_275 : memref<128x384xf32, #tpu.memory_space<vmem>>) dst(%dma_wait3A_271 : memref<128x384xf32, #tpu.memory_space<hbm>>)
    %dma_wait3A_276 = arith.constant 1 : i32
    %dma_wait3A_277 = arith.constant 0 : i32
    %dma_wait3A_278 = arith.constant 0 : i32
    %dma_wait3A_279 = tpu.memref_slice %arg6[%dma_wait3A_276, %dma_wait3A_277, %dma_wait3A_278] : memref<2x128x384xf32, #tpu.memory_space<vmem>> -> memref<1x128x384xf32, #tpu.memory_space<vmem>>
    %dma_wait3A_280 = tpu.memref_squeeze %dma_wait3A_279 : memref<1x128x384xf32, #tpu.memory_space<vmem>> -> memref<128x384xf32, #tpu.memory_space<vmem>>
    %dma_wait3A_281 = arith.constant 0 : i32
    %dma_wait3A_282 = tpu.memref_slice %arg4[%add3A_249, %dma_wait3A_281] : memref<24576x384xf32, #tpu.memory_space<hbm>> -> memref<128x384xf32, #tpu.memory_space<hbm>>
    %dma_wait3A_283 = arith.constant 0 : i32
    %dma_wait3A_284 = tpu.memref_slice %arg4[%add3A_249, %dma_wait3A_283] : memref<24576x384xf32, #tpu.memory_space<hbm>> -> memref<128x384xf32, #tpu.memory_space<hbm>>
    %dma_wait3A_285 = arith.constant 0 : i32
    %dma_wait3A_286 = arith.constant 0 : i32
    %dma_wait3A_287 = tpu.memref_slice %arg6[%dma_wait3A_276, %dma_wait3A_285, %dma_wait3A_286] : memref<2x128x384xf32, #tpu.memory_space<vmem>> -> memref<1x128x384xf32, #tpu.memory_space<vmem>>
    %dma_wait3A_288 = tpu.memref_squeeze %dma_wait3A_287 : memref<1x128x384xf32, #tpu.memory_space<vmem>> -> memref<128x384xf32, #tpu.memory_space<vmem>>
    tpu.wait_dma2 semaphore(%arg10 : memref<!tpu.dma_semaphore, #tpu.memory_space<semaphore_mem>>) src(%dma_wait3A_288 : memref<128x384xf32, #tpu.memory_space<vmem>>) dst(%dma_wait3A_284 : memref<128x384xf32, #tpu.memory_space<hbm>>)
    return
  }
}

module attributes {stable_mosaic.version = 14 : i64} {
  func.func @_repack_half_body(%arg0: i32, %arg1: memref<512x384xf32, #tpu.memory_space<vmem>>, %arg2: memref<512x384xf32, #tpu.memory_space<vmem>>, %arg3: memref<512x384xf32, #tpu.memory_space<vmem>>, %arg4: memref<900x512xf32, #tpu.memory_space<vmem>>) attributes {dimension_semantics = [#tpu.dimension_semantics<arbitrary>], iteration_bounds = array<i64: 16>, scalar_prefetch = 0 : i64, scratch_operands = 0 : i64, tpu.core_type = #tpu.core_type<tc>, window_params = [{transform_indices = @transform_0, window_bounds = array<i64: 512, 384>}, {transform_indices = @transform_1, window_bounds = array<i64: 512, 384>}, {transform_indices = @transform_2, window_bounds = array<i64: 512, 384>}, {transform_indices = @transform_3, window_bounds = array<i64: 900, 512>}]} {
    %get3A = arith.constant 0 : index
    %get3A_0 = arith.constant 0 : index
    %get3A_1 = vector.load %arg1[%get3A, %get3A_0] : memref<512x384xf32, #tpu.memory_space<vmem>>, vector<512x300xf32>
    %get3A_2 = arith.constant 0 : index
    %get3A_3 = arith.constant 0 : index
    %get3A_4 = vector.load %arg2[%get3A_2, %get3A_3] : memref<512x384xf32, #tpu.memory_space<vmem>>, vector<512x300xf32>
    %get3A_5 = arith.constant 0 : index
    %get3A_6 = arith.constant 0 : index
    %get3A_7 = vector.load %arg3[%get3A_5, %get3A_6] : memref<512x384xf32, #tpu.memory_space<vmem>>, vector<512x300xf32>
    %concatenate3A = tpu.concatenate %get3A_1, %get3A_4, %get3A_7 in 1 : vector<512x300xf32>, vector<512x300xf32>, vector<512x300xf32> -> vector<512x900xf32>
    %transpose3A = tpu.transpose %concatenate3A, [1, 0] : vector<512x900xf32> -> vector<900x512xf32>
    %swap3A = arith.constant 0 : index
    %swap3A_8 = arith.constant 0 : index
    %swap3A_9 = vector.load %arg4[%swap3A, %swap3A_8] : memref<900x512xf32, #tpu.memory_space<vmem>>, vector<900x512xf32>
    tpu.vector_store %arg4[%swap3A, %swap3A_8], %transpose3A {strides = array<i32>} : memref<900x512xf32, #tpu.memory_space<vmem>>, vector<900x512xf32>,
    return
  }
  func.func @transform_0(%arg0: i32) -> (i32, i32) {
    %add3A = arith.constant 0 : i32
    %add3A_0 = arith.addi %add3A, %arg0 : i32
    %c0_i32 = arith.constant 0 : i32
    %c0_i32_1 = arith.constant 0 : i32
    return %add3A_0, %c0_i32 : i32, i32
  }
  func.func @transform_1(%arg0: i32) -> (i32, i32) {
    %add3A = arith.constant 16 : i32
    %add3A_0 = arith.addi %add3A, %arg0 : i32
    %c0_i32 = arith.constant 0 : i32
    %c0_i32_1 = arith.constant 0 : i32
    return %add3A_0, %c0_i32 : i32, i32
  }
  func.func @transform_2(%arg0: i32) -> (i32, i32) {
    %add3A = arith.constant 32 : i32
    %add3A_0 = arith.addi %add3A, %arg0 : i32
    %c0_i32 = arith.constant 0 : i32
    %c0_i32_1 = arith.constant 0 : i32
    return %add3A_0, %c0_i32 : i32, i32
  }
  func.func @transform_3(%arg0: i32) -> (i32, i32) {
    %add3A = arith.constant 0 : i32
    %add3A_0 = arith.addi %add3A, %arg0 : i32
    %c0_i32 = arith.constant 0 : i32
    %c0_i32_1 = arith.constant 0 : i32
    return %c0_i32, %add3A_0 : i32, i32
  }
}

module attributes {stable_mosaic.version = 14 : i64} {
  func.func @_transpose_pad_body(%arg0: i32, %arg1: memref<300x4096xf32, #tpu.memory_space<vmem>>, %arg2: memref<4096x384xf32, #tpu.memory_space<vmem>>) attributes {dimension_semantics = [#tpu.dimension_semantics<arbitrary>], iteration_bounds = array<i64: 25>, scalar_prefetch = 0 : i64, scratch_operands = 0 : i64, tpu.core_type = #tpu.core_type<tc>, window_params = [{transform_indices = @transform_0, window_bounds = array<i64: 300, 4096>}, {transform_indices = @transform_1, window_bounds = array<i64: 4096, 384>}]} {
    %get3A = arith.constant 0 : index
    %get3A_0 = arith.constant 0 : index
    %get3A_1 = vector.load %arg1[%get3A, %get3A_0] : memref<300x4096xf32, #tpu.memory_space<vmem>>, vector<300x4096xf32>
    %transpose3A = tpu.transpose %get3A_1, [1, 0] : vector<300x4096xf32> -> vector<4096x300xf32>
    %swap3A = arith.constant 0 : index
    %swap3A_2 = arith.constant 0 : index
    %swap3A_3 = vector.load %arg2[%swap3A, %swap3A_2] : memref<4096x384xf32, #tpu.memory_space<vmem>>, vector<4096x300xf32>
    tpu.vector_store %arg2[%swap3A, %swap3A_2], %transpose3A {strides = array<i32>} : memref<4096x384xf32, #tpu.memory_space<vmem>>, vector<4096x300xf32>,
    %broadcast_in_dim3A = arith.constant 0.000000e+00 : f32
    %broadcast_in_dim3A_4 = vector.broadcast %broadcast_in_dim3A : f32 to vector<4096x84xf32>
    %swap3A_5 = arith.constant 0 : index
    %swap3A_6 = arith.constant 300 : index
    %swap3A_7 = vector.load %arg2[%swap3A_5, %swap3A_6] : memref<4096x384xf32, #tpu.memory_space<vmem>>, vector<4096x84xf32>
    tpu.vector_store %arg2[%swap3A_5, %swap3A_6], %broadcast_in_dim3A_4 {strides = array<i32>} : memref<4096x384xf32, #tpu.memory_space<vmem>>, vector<4096x84xf32>,
    return
  }
  func.func @transform_0(%arg0: i32) -> (i32, i32) {
    %c0_i32 = arith.constant 0 : i32
    %c0_i32_0 = arith.constant 0 : i32
    return %c0_i32, %arg0 : i32, i32
  }
  func.func @transform_1(%arg0: i32) -> (i32, i32) {
    %c0_i32 = arith.constant 0 : i32
    %c0_i32_0 = arith.constant 0 : i32
    return %arg0, %c0_i32 : i32, i32
  }
}

module attributes {stable_mosaic.version = 14 : i64} {
  func.func @_acc_repack_half_body(%arg0: i32, %arg1: memref<900x16384xf32, #tpu.memory_space<hbm>>, %arg2: memref<512x384xf32, #tpu.memory_space<vmem>>, %arg3: memref<512x384xf32, #tpu.memory_space<vmem>>, %arg4: memref<512x384xf32, #tpu.memory_space<vmem>>, %arg5: memref<900x512xf32, #tpu.memory_space<vmem>>) attributes {dimension_semantics = [#tpu.dimension_semantics<arbitrary>], iteration_bounds = array<i64: 16>, scalar_prefetch = 0 : i64, scratch_operands = 0 : i64, tpu.core_type = #tpu.core_type<tc>, window_params = [{}, {transform_indices = @transform_1, window_bounds = array<i64: 512, 384>}, {transform_indices = @transform_2, window_bounds = array<i64: 512, 384>}, {transform_indices = @transform_3, window_bounds = array<i64: 512, 384>}, {transform_indices = @transform_4, window_bounds = array<i64: 900, 512>}]} {
    %get3A = arith.constant 0 : index
    %get3A_0 = arith.constant 0 : index
    %get3A_1 = vector.load %arg2[%get3A, %get3A_0] : memref<512x384xf32, #tpu.memory_space<vmem>>, vector<512x300xf32>
    %get3A_2 = arith.constant 0 : index
    %get3A_3 = arith.constant 0 : index
    %get3A_4 = vector.load %arg3[%get3A_2, %get3A_3] : memref<512x384xf32, #tpu.memory_space<vmem>>, vector<512x300xf32>
    %get3A_5 = arith.constant 0 : index
    %get3A_6 = arith.constant 0 : index
    %get3A_7 = vector.load %arg4[%get3A_5, %get3A_6] : memref<512x384xf32, #tpu.memory_space<vmem>>, vector<512x300xf32>
    %concatenate3A = tpu.concatenate %get3A_1, %get3A_4, %get3A_7 in 1 : vector<512x300xf32>, vector<512x300xf32>, vector<512x300xf32> -> vector<512x900xf32>
    %transpose3A = tpu.transpose %concatenate3A, [1, 0] : vector<512x900xf32> -> vector<900x512xf32>
    %swap3A = arith.constant 0 : index
    %swap3A_8 = arith.constant 0 : index
    %swap3A_9 = vector.load %arg5[%swap3A, %swap3A_8] : memref<900x512xf32, #tpu.memory_space<vmem>>, vector<900x512xf32>
    tpu.vector_store %arg5[%swap3A, %swap3A_8], %transpose3A {strides = array<i32>} : memref<900x512xf32, #tpu.memory_space<vmem>>, vector<900x512xf32>,
    return
  }
  func.func @transform_1(%arg0: i32) -> (i32, i32) {
    %add3A = arith.constant 0 : i32
    %add3A_0 = arith.addi %add3A, %arg0 : i32
    %c0_i32 = arith.constant 0 : i32
    %c0_i32_1 = arith.constant 0 : i32
    return %add3A_0, %c0_i32 : i32, i32
  }
  func.func @transform_2(%arg0: i32) -> (i32, i32) {
    %add3A = arith.constant 16 : i32
    %add3A_0 = arith.addi %add3A, %arg0 : i32
    %c0_i32 = arith.constant 0 : i32
    %c0_i32_1 = arith.constant 0 : i32
    return %add3A_0, %c0_i32 : i32, i32
  }
  func.func @transform_3(%arg0: i32) -> (i32, i32) {
    %add3A = arith.constant 32 : i32
    %add3A_0 = arith.addi %add3A, %arg0 : i32
    %c0_i32 = arith.constant 0 : i32
    %c0_i32_1 = arith.constant 0 : i32
    return %add3A_0, %c0_i32 : i32, i32
  }
  func.func @transform_4(%arg0: i32) -> (i32, i32) {
    %add3A = arith.constant 16 : i32
    %add3A_0 = arith.addi %add3A, %arg0 : i32
    %c0_i32 = arith.constant 0 : i32
    %c0_i32_1 = arith.constant 0 : i32
    return %c0_i32, %add3A_0 : i32, i32
  }
}

</mosaic_0001>

<sc_bundles>
// kernel: kernel.10.cloned.1.call-start
scs
__scs_entry_jumppad:
0x0: {  	(pc) =	sbr.rel $0x88, $3  }
0x1: {  	(tag) =	ssettag $0x0;
	lr =	simm.s32 $0x1  }
0x2: {  	[smem:$0x3F9F] =	sst lr;
	_ =	strace $0xD0000000  }
0x3: {  	_ = 	snop  }
0x4: {  	_ = 	snop  }
0x5: {  	_ = 	snop  }
0x6: {  	_ = 	snop  }
0x7: {  	_ = 	snop  }
__scs_overlays_trampoline_lowered:
0x8: {  	[smem:$0x3FAE] =	sst s0  }
0x9: {  	[smem:$0x3FAF] =	sst s1  }
0xa: {  	[smem:$0x3FB0] =	sst s2  }
0xb: {  	[smem:$0x3FB1] =	sst s3  }
0xc: {  	[smem:$0x3FB2] =	sst s4  }
0xd: {  	[smem:$0x3FB3] =	sst s5  }
0xe: {  	[smem:$0x3FB4] =	sst s6  }
0xf: {  	[smem:$0x3FB5] =	sst s7  }
0x10: {  	[smem:$0x3FB6] =	sst s8  }
0x11: {  	[smem:$0x3FB7] =	sst s9;
	s0 =	simm.s32 @!p0 $0x0  }
0x12: {  	s1 =	sld [smem:$0x3F9D];
	s0 =	simm.s32 @p0 $0x1  }
0x13: {  	[smem:$0x3FB8] =	sst s0;
	s0 =	simm.s32 @!p1 $0x0  }
0x14: {  	s2 =	sld [smem:$0x3F9C];
	s0 =	simm.s32 @p1 $0x1  }
0x15: {  	[smem:$0x3FB9] =	sst s0;
	s0 =	simm.s32 @!p2 $0x0  }
0x16: {  	s3 =	sld [smem:$0x3FDB];
	s0 =	simm.s32 @p2 $0x1  }
0x17: {  	s4 =	simm.s32 $0x1BF5;
	[smem:$0x3FBB] =	sst s0  }
0x18: {  	s0 =	sld [smem:$0x3F9E];
	_ =	swait.ge [sflag:s4], $0x0  }
0x19: {  	s7 =	sld [smem:$0x3F9F]  }
0x1a: {  	s8 =	sadd.s32 $0xFFFFE003, lr  }
0x1b: {  	s9 =	sadd.s32 $0xFFFFFEF7, lr;
	s5 =	simm.s32 $0xFFFFFFFF;
	p2 =	slt.u32 s8, $0xFFFFF086  }
0x1c: {  	p1 =	slt.u32 s9, $0xF7A;
	s5 =	simm.s32 @!p2 $0x0  }
0x1d: {  	s5 =	simm.s32 @p1 $0x1;
	p0 =	seq.s32 s7, s2  }
0x1e: {  	s7 =	smul.u32 @!p0 $0xF7A, s2;
	p2 =	seq.s32 @!p0 s5, $0x0  }
0x1f: {  	s9 =	smul.u32 $0xF7A, s1;
	s8 =	simm.s32 @!p0 $0x1BF5;
	p2 =	por !p2, p0  }
0x20: {  	[sflag:s8] =	ssyncset.s32 @!p0 $0xFFFFF086;
	s6 =	sadd.s32 @!p0 s3, s7;
	s7 =	simm.s32 @!p0 $0x108  }
0x21: {  	s3 =	sadd.s32 s3, s9;
	s6 =	sadd.s32 @!p0 $0x88, s6;
	s7 =	simm.s32 @p2 $0x1082  }
0x22: {  	[simem:s7], [sflag:s8] =	dma.local @!p0 [hbm:s6], $0xF7A  }
0x23: {  	s9 =	sor.u32 $0xD0000000, s2;
	s6 =	simm.s32 $0x108;
	_ =	swait.ge @!p0 [sflag:s8], $0x0  }
0x24: {  	s3 =	sadd.s32 $0x88, s3;
	s6 =	simm.s32 @!p1 $0x1082;
	[sflag:s4] =	ssyncset.s32 $0xFFFFF086  }
0x25: {  	[simem:s6], [sflag:s4] =	dma.local [hbm:s3], $0xF7A  }
0x26: {  	[smem:$0x3F9F] =	sst s1;
	(tag) =	ssettag s2;
	_ =	strace s9  }
0x27: {  	s1 =	sld [smem:$0x3FAF]  }
0x28: {  	s2 =	sld [smem:$0x3FB0]  }
0x29: {  	s4 =	sld [smem:$0x3FB2]  }
0x2a: {  	p0 =	seq.s32 s5, $0x0;
	s5 =	sld [smem:$0x3FB3]  }
0x2b: {  	s6 =	sld [smem:$0x3FB4]  }
0x2c: {  	s7 =	sld [smem:$0x3FB5]  }
0x2d: {  	s3 =	simm.s32 $0x108;
	s8 =	sld [smem:$0x3FB6]  }
0x2e: {  	s3 =	simm.s32 @!p0 $0x1082;
	s9 =	sld [smem:$0x3FB7]  }
0x2f: {  	lr =	sadd.s32 s0, s3;
	s0 =	sld [smem:$0x3FAE]  }
0x30: {  	s3 =	sld [smem:$0x3FB1]  }
0x31: {  	[smem:$0x3FBA] =	sst s10  }
0x32: {  	s10 =	sld [smem:$0x3FB8];
	_ =	sdelay $0x3  }
0x33: {  	p0 =	seq.s32 s10, $0x1;
	s10 =	sld [smem:$0x3FBA];
	_ =	sdelay $0x3  }
0x34: {  	[smem:$0x3FBA] =	sst s10  }
0x35: {  	s10 =	sld [smem:$0x3FB9];
	_ =	sdelay $0x3  }
0x36: {  	p1 =	seq.s32 s10, $0x1;
	s10 =	sld [smem:$0x3FBA];
	_ =	sdelay $0x3  }
0x37: {  	[smem:$0x3FBA] =	sst s10  }
0x38: {  	s10 =	sld [smem:$0x3FBB]  }
0x39: {  	_ = 	snop;
	(pc) =	sbr.ind lr, $3  }
0x3a: {  	_ = 	snop  }
0x3b: {  	_ = 	snop  }
0x3c: {  	p2 =	seq.s32 s10, $0x1;
	s10 =	sld [smem:$0x3FBA]  }
0x3d: {  	_ =	shalt  }
0x3e: {  	_ =	shalt  }
0x3f: {  	_ =	shalt  }
0x40: {  	_ =	shalt  }
0x41: {  	_ =	shalt  }
0x42: {  	_ =	shalt  }
0x43: {  	_ =	shalt  }
0x44: {  	_ =	shalt  }
0x45: {  	_ =	shalt  }
0x46: {  	_ =	shalt  }
0x47: {  	_ =	shalt  }
0x48: {  	_ =	shalt  }
0x49: {  	_ =	shalt  }
0x4a: {  	_ =	shalt  }
0x4b: {  	_ =	shalt  }
0x4c: {  	_ =	shalt  }
0x4d: {  	_ =	shalt  }
0x4e: {  	_ =	shalt  }
0x4f: {  	_ =	shalt  }
0x50: {  	_ =	shalt  }
0x51: {  	_ =	shalt  }
0x52: {  	_ =	shalt  }
0x53: {  	_ =	shalt  }
0x54: {  	_ =	shalt  }
0x55: {  	_ =	shalt  }
0x56: {  	_ =	shalt  }
0x57: {  	_ =	shalt  }
0x58: {  	_ =	shalt  }
0x59: {  	_ =	shalt  }
0x5a: {  	_ =	shalt  }
0x5b: {  	_ =	shalt  }
0x5c: {  	_ =	shalt  }
0x5d: {  	_ =	shalt  }
0x5e: {  	_ =	shalt  }
0x5f: {  	_ =	shalt  }
0x60: {  	_ =	shalt  }
0x61: {  	_ =	shalt  }
0x62: {  	_ =	shalt  }
0x63: {  	_ =	shalt  }
0x64: {  	_ =	shalt  }
0x65: {  	_ =	shalt  }
0x66: {  	_ =	shalt  }
0x67: {  	_ =	shalt  }
0x68: {  	_ =	shalt  }
0x69: {  	_ =	shalt  }
0x6a: {  	_ =	shalt  }
0x6b: {  	_ =	shalt  }
0x6c: {  	_ =	shalt  }
0x6d: {  	_ =	shalt  }
0x6e: {  	_ =	shalt  }
0x6f: {  	_ =	shalt  }
0x70: {  	_ =	shalt  }
0x71: {  	_ =	shalt  }
0x72: {  	_ =	shalt  }
0x73: {  	_ =	shalt  }
0x74: {  	_ =	shalt  }
0x75: {  	_ =	shalt  }
0x76: {  	_ =	shalt  }
0x77: {  	_ =	shalt  }
0x78: {  	_ =	shalt  }
0x79: {  	_ =	shalt  }
0x7a: {  	_ =	shalt  }
0x7b: {  	_ =	shalt  }
0x7c: {  	_ =	shalt  }
0x7d: {  	_ =	shalt  }
0x7e: {  	_ =	shalt  }
0x7f: {  	_ =	shalt  }
0x80: {  	_ =	shalt  }
0x81: {  	_ =	shalt  }
0x82: {  	_ =	shalt  }
0x83: {  	_ =	shalt  }
0x84: {  	_ =	shalt  }
0x85: {  	_ =	shalt  }
0x86: {  	_ =	shalt  }
0x87: {  	_ =	shalt  }
.Lfunc_end0:
.L_simem_size_0:
called_computation.1_lowered:
.L_overlay_start_0:
0x88: {  	s2 =	sld [smem:$0x3FD9]  }
0x89: {  	s3 =	sld [smem:$0x3FFE];
	_ =	sdelay $0x1  }
0x8a: {  	s1 =	srdreg.scid  }
0x8b: {  	s0 =	sand.u32 $0x1, s1  }
0x8c: {  	s17 =	sshll.u32 s0, $0xA;
	s2 =	sadd.s32 s3, s2  }
0x8d: {  	s2 =	sadd.s32 s2, s17  }
0x8e: {  	[smem:$0x3FC6] =	sst s2  }
0x8f: {  	_ = 	snop  }
0x90: {  	(tm) =	ssettm $0x1  }
0x91: {  	s18 =	sld [smem:$0x3FFB];
	_ =	sdelay $0x3  }
0x92: {  	_ =	strace s18  }
0x93: {  	s2 =	sld [smem:$0x3FFC];
	_ =	sdelay $0x3  }
0x94: {  	_ =	strace s2  }
0x95: {  	s2 =	sld [smem:$0x3FFD];
	_ =	sdelay $0x3  }
0x96: {  	_ =	strace s2  }
0x97: {  	_ =	strace $0x8FFFFFFF  }
0x98: {  	s19 =	sld [smem:$0x3FDB];
	_ =	sdelay $0x1  }
0x99: {  	s20 =	simm.s32 $_scs_section_size  }
0x9a: {  	s4 =	simm.s32 $_size__tile_overlayer_lowered;
	s5 =	simm.s32 $_tile_overlayer_lowered  }
0x9b: {  	s6 =	simm.s32 $0x1BFF;
	s21 =	sshll.u32 s5, $0x1;
	s3 =	sadd.s32 s20, s19  }
0x9c: {  	s22 =	simm.s32 $0x0;
	s4 =	sshll.u32 s4, $0x1;
	s5 =	sadd.s32 s21, s3  }
0x9d: {  	[timem:s22], [sflag:s6] =	dma.local [hbm:s5], s4  }
0x9e: {  	_ =	swait.ge [sflag:s6], s4  }
0x9f: {  	s4 =	ssub.s32 $0x0, s4;
	[sflag:s6] =	ssyncset.done $0x0  }
0xa0: {  	[sflag:s6] =	ssyncadd.s32 s4;
	_ =	sdelay $0x1  }
0xa1: {  	s23 =	simm.s32 $0x1B8B  }
0xa2: {  	_ =	swait.ge [sflag:s23], $0x1  }
0xa3: {  	[sflag:s23] =	ssyncset.done $0x0  }
0xa4: {  	[sflag:s23] =	ssyncadd.s32 $0xFFFFFFFF  }
0xa5: {  	s4 =	sld [smem:$0x0]  }
0xa6: {  	s5 =	sand.u32 $0xFFFFFFFE, s1  }
0xa7: {  	p0 =	sne.s32 s1, s5  }
0xa8: {  	s5 =	sshll.u32 @p0 s5, $0xE  }
0xa9: {  	s5 =	sadd.s32 @p0 $0x11B8D, s5;
	s6 =	sshll.u32 @p0 s4, $0x11  }
0xaa: {  	s5 =	sor.u32 @p0 s6, s5  }
0xab: {  	[sflag:s5] =	ssyncadd.remote.s32 @p0 $0x1;
	_ =	sdelay $0x1  }
0xac: {  	s5 =	simm.s32 @p0 $0x1B8D  }
0xad: {  	_ =	swait.eq @p0 [sflag:s5], $0x1  }
0xae: {  	[sflag:s5] =	ssyncadd.s32 @p0 $0xFFFFFFFF  }
0xaf: {  	s6 =	sshll.u32 @!p0 s1, $0xE  }
0xb0: {  	s6 =	sor.u32 @!p0 $0x4000, s6;
	s5 =	simm.s32 @!p0 $0x1B8D  }
0xb1: {  	s4 =	sshll.u32 @!p0 s4, $0x11;
	s6 =	sadd.s32 @!p0 $0x11B8D, s6;
	_ =	swait.eq @!p0 [sflag:s5], $0x1  }
0xb2: {  	s4 =	sor.u32 @!p0 s4, s6;
	[sflag:s5] =	ssyncadd.s32 @!p0 $0xFFFFFFFF  }
0xb3: {  	s25 =	simm.s32 $0x1B8E;
	s24 =	sld [smem:$0x3FFE];
	[sflag:s4] =	ssyncadd.remote.s32 @!p0 $0x1  }
0xb4: {  	s26 =	simm.s32 $execute0_lowered;
	[smem:$0x3FD2] =	sst s25  }
0xb5: {  	s5 =	sshll.u32 s26, $0x1;
	_ =	strace $0x80000049;
	[dreg:$0x1] =	wrdreg $0xFFFFFFFF  }
0xb6: {  	s28 =	simm.s32 $_size_execute0_lowered;
	s3 =	sadd.s32 s3, s5;
	[dreg:$0x0] =	wrdreg $0x0  }
0xb7: {  	s5 =	sshll.u32 s28, $0x1;
	[dreg:$0x2] =	wrdreg s3  }
0xb8: {  	[dreg:$0x3] =	wrdreg s5  }
0xb9: {  	[dreg:$0x4] =	wrdreg $0xC0  }
0xba: {  	_ =	task [dreg:s22], $0x5FFFF  }
0xbb: {  	[dreg:$0x1] =	wrdreg $0xFFFFFFFF  }
0xbc: {  	[dreg:$0x0] =	wrdreg $0x60  }
0xbd: {  	[dreg:$0x2] =	wrdreg s24  }
0xbe: {  	[dreg:$0x3] =	wrdreg $0xA  }
0xbf: {  	_ =	task.clear_ibuf [dreg:s22], $0x4FFFF;
	_ =	strace $0x90000049  }
0xc0: {  	s29 =	simm.s32 $0xA;
	_ =	strace $0x8000004B  }
0xc1: {  	_ =	swait.ge [sflag:s29], $0x1  }
0xc2: {  	[sflag:s29] =	ssyncadd.s32 $0xFFFFFFFF  }
0xc3: {  	_ =	strace $0x9000004B  }
0xc4: {  	_ =	sfence  }
0xc5: {  	s30 =	sld [smem:$0x0];
	_ =	sdelay $0x2  }
0xc6: {  	s31 =	sshll.u32 s1, $0xD;
	s1 =	sshrl.u32 s1, $0x2  }
0xc7: {  	s4 =	sand.u32 $0x4000, s31;
	s1 =	sadd.s32 s1, s30  }
0xc8: {  	s0 =	sor.u32 s4, s0;
	s1 =	sshll.u32 s1, $0x11  }
0xc9: {  	s0 =	sor.u32 s1, s0  }
0xca: {  	s0 =	sadd.s32 $0x8F2B, s0  }
0xcb: {  	[sflag:s0] =	ssyncadd.remote.s32 $0x1  }
0xcc: {  	_ =	sfence.sel $0xFFFF  }
0xcd: {  	[dreg:$0x0] =	wrdreg $0xFFFFFFFF;
	(pc) =	sbr.abs _section_cstart, $3  }
0xce: {  	[dreg:$0x1] =	wrdreg $0xFFFFFFFF  }
0xcf: {  	_ =	task.clear_ibuf [dreg:s22], $0x2FFFF;
	_ =	strace $0x9FFFFFFF  }
0xd0: {  	(tm) =	ssettm $0x7FFFFFFF  }
0xd1: {  	_ =	shalt  }
tec
execute0_lowered:
.L_overlay_start_1:
0x0: {  	(tag) =	ssettag $0x1  }
0x1: {  	s0 =	srdreg.scid  }
0x2: {  	s1 =	stileid.u32;
	s3 =	rddreg [dreg:$0x0];
	s2 =	simm.s32 $0x0  }
0x3: {  	s14 =	simm.s32 $0x300;
	s28 =	simm.s32 $0xF00;
	s29 =	simm.s32 $0x1700  }
0x4: {  	s30 =	simm.s32 $0x1B00;
	s31 =	simm.s32 $0x2300;
	s7 =	simm.s32 $0x3B00  }
0x5: {  	s9 =	simm.s32 $0x3F00;
	s10 =	simm.s32 $0x4700;
	s11 =	simm.s32 $0x4B00  }
0x6: {  	s12 =	simm.s32 $0x5300;
	s0 =	sand.u32 $0x1, s0;
	s1 =	sshll.u32 s1, $0x1  }
0x7: {  	s13 =	simm.s32 $0x5700;
	s15 =	simm.s32 $0x5F00;
	s1 =	sor.u32 s0, s1  }
0x8: {  	s16 =	simm.s32 $0x6300;
	s17 =	simm.s32 $0x6B00;
	s1 =	smul.u32 $0x300, s1  }
0x9: {  	s18 =	simm.s32 $0x6F00;
	s19 =	simm.s32 $0x7700;
	s20 =	simm.s32 $0x7B00  }
0xa: {  	[smem:$0x7FF] =	sst s2;
	s6 =	sadd.s32 $0x5B6200, s3;
	s1 =	sshrl.u32 s1, $0x3  }
0xb: {  	s8 =	simm.s32 $0x8300;
	_ =	strace $0x8000004A;
	s4 =	smul.u32 $0xC00, s1  }
0xc: {  	s0 =	ssub.s32 $0x2, s0;
	s5 =	sadd.s32 s1, s3;
	s1 =	smul.u32 $0x180, s1  }
0xd: {  	s24 =	sshrl.u32 s0, $0x1;
	s5 =	sadd.s32 $0x5B5600, s5;
	s4 =	sshrl.u32 s4, $0x3  }
0xe: {  	[dreg:$0x2] =	wrdreg s5;
	s4 =	sadd.s32 s6, s4;
	s6 =	sadd.s32 s6, s1  }
0xf: {  	s0 =	ssub.s32 s0, s24;
	s21 =	sadd.s32 $0x1800, s4;
	[dreg:$0x8] =	wrdreg s6  }
0x10: {  	s24 =	simm.s32 $0x4;
	s22 =	sadd.s32 $0x3000, s6;
	[dreg:$0x3] =	wrdreg s21  }
0x11: {  	s5 =	sadd.s32 $0x1900, s3;
	s23 =	sadd.s32 $0x4800, s6;
	[dreg:$0x4] =	wrdreg s22  }
0x12: {  	s4 =	sadd.s32 $0x1800, s3;
	s25 =	sadd.s32 $0x6000, s6;
	[dreg:$0x5] =	wrdreg s23  }
0x13: {  	v2 =	vlaneseq.u32;
	s26 =	sadd.s32 $0x7800, s6;
	s6 =	smax.u32 s0, $0x1;
	[dreg:$0x6] =	wrdreg s25  }
0x14: {  	vm0 =	vmmov $0xffff;
	vm1 =	vmmov $0xff;
	v1 =	vshrl.u32 v2, $0x3;
	s3 =	simm.s32 $0x3300;
	[dreg:$0x7] =	wrdreg s26;
	s21 =	simm.s32 $0x1  }
0x15: {  	v0 =	vand.u32 $0x7, v2;
	v2 =	vor.u32 $0x8, v2;
	v1 =	vmul.u32 $0x8, v1;
	s22 =	simm.s32 $0x3;
	s23 =	simm.s32 $0x2;
	s26 =	simm.s32 $0xB00  }
.LBB2_1:
0x16: {  	s25 =	rddreg [dreg:$0x2];
	s1 =	simm.s32 $0x5  }
0x17: {  	[tilespmem:s2], [sflag:$0x5] =	stream.linear.gather [hbm4b:s25+s2], $0x300, $0x38;
	[tilespmem:$0x18300] =	vst v63  }
0x18: {  	_ =	swait.ge [sflag:s1], $0x300  }
0x19: {  	[sflag:s1] =	ssyncset.done $0x0  }
0x1a: {  	[sflag:s1] =	ssyncadd.s32 $0xFFFFFD00  }
0x1b: {  	v3 =	vld [tilespmem:$0x0];
	_ =	sdelay $0x4  }
0x1c: {  	v4 =	vshrl.u32 v3, $0x3  }
0x1d: {  	v4 =	vmul.u32 $0x18, v4  }
0x1e: {  	v3 =	vand.u32 $0x7, v3  }
0x1f: {  	v3 =	vor.u32 v3, v4  }
0x20: {  	v4 =	vperm.xlane v3, v0;
	_ =	sdelay $0x1  }
0x21: {  	v4 =	vadd.s32 v1, v4;
	_ =	sdelay $0x1  }
0x22: {  	v3 =	vperm.xlane v3, v2;
	_ =	sdelay $0x1  }
0x23: {  	v3 =	vadd.s32 v1, v3  }
0x24: {  	[tilespmem:s14], [sflag:$0x1] =	stream.indirect_vreg.gather [hbm4b:s4+s2], $0x80, v4, vm0, $0xb8;
	[tilespmem:$0x18300] =	vst v63  }
0x25: {  	_ = 	snop  }
0x26: {  	[tilespmem:s26], [sflag:$0x1] =	stream.indirect_vreg.gather [hbm4b:s5+s2], $0x80, v4, vm1, $0xb8;
	[tilespmem:$0x18300] =	vst v63  }
0x27: {  	_ = 	snop  }
0x28: {  	[tilespmem:s28], [sflag:$0x1] =	stream.indirect_vreg.gather [hbm4b:s4+s2], $0x80, v3, vm0, $0xb8;
	[tilespmem:$0x18300] =	vst v63  }
0x29: {  	_ = 	snop  }
0x2a: {  	[tilespmem:s29], [sflag:$0x1] =	stream.indirect_vreg.gather [hbm4b:s5+s2], $0x80, v3, vm1, $0xb8;
	[tilespmem:$0x18300] =	vst v63  }
0x2b: {  	v3 =	vld [tilespmem:$0x10];
	_ =	sdelay $0x4  }
0x2c: {  	v17 =	vshrl.u32 v3, $0x3  }
0x2d: {  	v4 =	vmul.u32 $0x18, v17  }
0x2e: {  	v3 =	vand.u32 $0x7, v3  }
0x2f: {  	v3 =	vor.u32 v3, v4  }
0x30: {  	v4 =	vperm.xlane v3, v0;
	_ =	sdelay $0x1  }
0x31: {  	v4 =	vadd.s32 v1, v4;
	_ =	sdelay $0x1  }
0x32: {  	v3 =	vperm.xlane v3, v2;
	_ =	sdelay $0x1  }
0x33: {  	v3 =	vadd.s32 v1, v3  }
0x34: {  	[tilespmem:s30], [sflag:$0x1] =	stream.indirect_vreg.gather [hbm4b:s4+s2], $0x80, v4, vm0, $0xb8;
	[tilespmem:$0x18300] =	vst v63  }
0x35: {  	_ = 	snop  }
0x36: {  	[tilespmem:s31], [sflag:$0x1] =	stream.indirect_vreg.gather [hbm4b:s5+s2], $0x80, v4, vm1, $0xb8;
	[tilespmem:$0x18300] =	vst v63  }
0x37: {  	s1 =	simm.s32 $0x2700  }
0x38: {  	[tilespmem:s1], [sflag:$0x1] =	stream.indirect_vreg.gather [hbm4b:s4+s2], $0x80, v3, vm0, $0xb8;
	[tilespmem:$0x18300] =	vst v63  }
0x39: {  	s0 =	simm.s32 $0x2F00  }
0x3a: {  	[tilespmem:s0], [sflag:$0x1] =	stream.indirect_vreg.gather [hbm4b:s5+s2], $0x80, v3, vm1, $0xb8;
	[tilespmem:$0x18300] =	vst v63  }
0x3b: {  	v3 =	vld [tilespmem:$0x20];
	_ =	sdelay $0x4  }
0x3c: {  	v18 =	vshrl.u32 v3, $0x3  }
0x3d: {  	v4 =	vmul.u32 $0x18, v18  }
0x3e: {  	v3 =	vand.u32 $0x7, v3  }
0x3f: {  	v3 =	vor.u32 v3, v4  }
0x40: {  	v4 =	vperm.xlane v3, v0;
	_ =	sdelay $0x1  }
0x41: {  	v4 =	vadd.s32 v1, v4;
	_ =	sdelay $0x1  }
0x42: {  	v3 =	vperm.xlane v3, v2;
	_ =	sdelay $0x1  }
0x43: {  	v3 =	vadd.s32 v1, v3  }
0x44: {  	[tilespmem:s3], [sflag:$0x1] =	stream.indirect_vreg.gather [hbm4b:s4+s2], $0x80, v4, vm0, $0xb8;
	[tilespmem:$0x18300] =	vst v63  }
0x45: {  	_ = 	snop  }
0x46: {  	[tilespmem:s7], [sflag:$0x1] =	stream.indirect_vreg.gather [hbm4b:s5+s2], $0x80, v4, vm1, $0xb8;
	[tilespmem:$0x18300] =	vst v63  }
0x47: {  	_ = 	snop  }
0x48: {  	[tilespmem:s9], [sflag:$0x1] =	stream.indirect_vreg.gather [hbm4b:s4+s2], $0x80, v3, vm0, $0xb8;
	[tilespmem:$0x18300] =	vst v63  }
0x49: {  	_ = 	snop  }
0x4a: {  	[tilespmem:s10], [sflag:$0x1] =	stream.indirect_vreg.gather [hbm4b:s5+s2], $0x80, v3, vm1, $0xb8;
	[tilespmem:$0x18300] =	vst v63  }
0x4b: {  	v3 =	vld [tilespmem:$0x30];
	_ =	sdelay $0x4  }
0x4c: {  	v19 =	vshrl.u32 v3, $0x3  }
0x4d: {  	v4 =	vmul.u32 $0x18, v19  }
0x4e: {  	v3 =	vand.u32 $0x7, v3  }
0x4f: {  	v3 =	vor.u32 v3, v4  }
0x50: {  	v4 =	vperm.xlane v3, v0;
	_ =	sdelay $0x1  }
0x51: {  	v4 =	vadd.s32 v1, v4;
	_ =	sdelay $0x1  }
0x52: {  	v3 =	vperm.xlane v3, v2;
	_ =	sdelay $0x1  }
0x53: {  	v3 =	vadd.s32 v1, v3  }
0x54: {  	[tilespmem:s11], [sflag:$0x1] =	stream.indirect_vreg.gather [hbm4b:s4+s2], $0x80, v4, vm0, $0xb8;
	[tilespmem:$0x18300] =	vst v63  }
0x55: {  	_ = 	snop  }
0x56: {  	[tilespmem:s12], [sflag:$0x1] =	stream.indirect_vreg.gather [hbm4b:s5+s2], $0x80, v4, vm1, $0xb8;
	[tilespmem:$0x18300] =	vst v63  }
0x57: {  	_ = 	snop  }
0x58: {  	[tilespmem:s13], [sflag:$0x1] =	stream.indirect_vreg.gather [hbm4b:s4+s2], $0x80, v3, vm0, $0xb8;
	[tilespmem:$0x18300] =	vst v63  }
0x59: {  	_ = 	snop  }
0x5a: {  	[tilespmem:s15], [sflag:$0x1] =	stream.indirect_vreg.gather [hbm4b:s5+s2], $0x80, v3, vm1, $0xb8;
	[tilespmem:$0x18300] =	vst v63  }
0x5b: {  	v3 =	vld [tilespmem:$0x40];
	_ =	sdelay $0x4  }
0x5c: {  	v20 =	vshrl.u32 v3, $0x3  }
0x5d: {  	v4 =	vmul.u32 $0x18, v20  }
0x5e: {  	v3 =	vand.u32 $0x7, v3  }
0x5f: {  	v3 =	vor.u32 v3, v4  }
0x60: {  	v4 =	vperm.xlane v3, v0;
	_ =	sdelay $0x1  }
0x61: {  	v4 =	vadd.s32 v1, v4;
	_ =	sdelay $0x1  }
0x62: {  	v3 =	vperm.xlane v3, v2;
	_ =	sdelay $0x1  }
0x63: {  	v3 =	vadd.s32 v1, v3  }
0x64: {  	[tilespmem:s16], [sflag:$0x1] =	stream.indirect_vreg.gather [hbm4b:s4+s2], $0x80, v4, vm0, $0xb8;
	[tilespmem:$0x18300] =	vst v63  }
0x65: {  	_ = 	snop  }
0x66: {  	[tilespmem:s17], [sflag:$0x1] =	stream.indirect_vreg.gather [hbm4b:s5+s2], $0x80, v4, vm1, $0xb8;
	[tilespmem:$0x18300] =	vst v63  }
0x67: {  	_ = 	snop  }
0x68: {  	[tilespmem:s18], [sflag:$0x1] =	stream.indirect_vreg.gather [hbm4b:s4+s2], $0x80, v3, vm0, $0xb8;
	[tilespmem:$0x18300] =	vst v63  }
0x69: {  	_ = 	snop  }
0x6a: {  	[tilespmem:s19], [sflag:$0x1] =	stream.indirect_vreg.gather [hbm4b:s5+s2], $0x80, v3, vm1, $0xb8;
	[tilespmem:$0x18300] =	vst v63  }
0x6b: {  	v3 =	vld [tilespmem:$0x50];
	_ =	sdelay $0x4  }
0x6c: {  	v21 =	vshrl.u32 v3, $0x3  }
0x6d: {  	v4 =	vmul.u32 $0x18, v21  }
0x6e: {  	v3 =	vand.u32 $0x7, v3  }
0x6f: {  	v3 =	vor.u32 v3, v4  }
0x70: {  	v4 =	vperm.xlane v3, v0;
	_ =	sdelay $0x1  }
0x71: {  	v4 =	vadd.s32 v1, v4;
	_ =	sdelay $0x1  }
0x72: {  	v3 =	vperm.xlane v3, v2;
	_ =	sdelay $0x1  }
0x73: {  	v3 =	vadd.s32 v1, v3  }
0x74: {  	[tilespmem:s20], [sflag:$0x1] =	stream.indirect_vreg.gather [hbm4b:s4+s2], $0x80, v4, vm0, $0xb8;
	[tilespmem:$0x18300] =	vst v63  }
0x75: {  	_ = 	snop  }
0x76: {  	[tilespmem:s8], [sflag:$0x1] =	stream.indirect_vreg.gather [hbm4b:s5+s2], $0x80, v4, vm1, $0xb8;
	[tilespmem:$0x18300] =	vst v63  }
0x77: {  	s25 =	simm.s32 $0x8700  }
0x78: {  	[tilespmem:s25], [sflag:$0x1] =	stream.indirect_vreg.gather [hbm4b:s4+s2], $0x80, v3, vm0, $0xb8;
	[tilespmem:$0x18300] =	vst v63  }
0x79: {  	s25 =	simm.s32 $0x8F00  }
0x7a: {  	[tilespmem:s25], [sflag:$0x1] =	stream.indirect_vreg.gather [hbm4b:s5+s2], $0x80, v3, vm1, $0xb8;
	[tilespmem:$0x18300] =	vst v63  }
0x7b: {  	v3 =	vld [tilespmem:$0x60];
	_ =	sdelay $0x4  }
0x7c: {  	v22 =	vshrl.u32 v3, $0x3  }
0x7d: {  	v4 =	vmul.u32 $0x18, v22  }
0x7e: {  	v3 =	vand.u32 $0x7, v3  }
0x7f: {  	v3 =	vor.u32 v3, v4  }
0x80: {  	v4 =	vperm.xlane v3, v0;
	_ =	sdelay $0x1  }
0x81: {  	v4 =	vadd.s32 v1, v4;
	_ =	sdelay $0x1  }
0x82: {  	v3 =	vperm.xlane v3, v2;
	_ =	sdelay $0x1  }
0x83: {  	s25 =	simm.s32 $0x9300;
	v3 =	vadd.s32 v1, v3  }
0x84: {  	[tilespmem:s25], [sflag:$0x1] =	stream.indirect_vreg.gather [hbm4b:s4+s2], $0x80, v4, vm0, $0xb8;
	[tilespmem:$0x18300] =	vst v63  }
0x85: {  	s25 =	simm.s32 $0x9B00  }
0x86: {  	[tilespmem:s25], [sflag:$0x1] =	stream.indirect_vreg.gather [hbm4b:s5+s2], $0x80, v4, vm1, $0xb8;
	[tilespmem:$0x18300] =	vst v63  }
0x87: {  	s25 =	simm.s32 $0x9F00  }
0x88: {  	[tilespmem:s25], [sflag:$0x1] =	stream.indirect_vreg.gather [hbm4b:s4+s2], $0x80, v3, vm0, $0xb8;
	[tilespmem:$0x18300] =	vst v63  }
0x89: {  	s25 =	simm.s32 $0xA700  }
0x8a: {  	[tilespmem:s25], [sflag:$0x1] =	stream.indirect_vreg.gather [hbm4b:s5+s2], $0x80, v3, vm1, $0xb8;
	[tilespmem:$0x18300] =	vst v63  }
0x8b: {  	v3 =	vld [tilespmem:$0x70];
	_ =	sdelay $0x4  }
0x8c: {  	v23 =	vshrl.u32 v3, $0x3  }
0x8d: {  	v4 =	vmul.u32 $0x18, v23  }
0x8e: {  	v3 =	vand.u32 $0x7, v3  }
0x8f: {  	v3 =	vor.u32 v3, v4  }
0x90: {  	v4 =	vperm.xlane v3, v0;
	_ =	sdelay $0x1  }
0x91: {  	v4 =	vadd.s32 v1, v4;
	_ =	sdelay $0x1  }
0x92: {  	v3 =	vperm.xlane v3, v2;
	_ =	sdelay $0x1  }
0x93: {  	s25 =	simm.s32 $0xAB00;
	v3 =	vadd.s32 v1, v3  }
0x94: {  	[tilespmem:s25], [sflag:$0x1] =	stream.indirect_vreg.gather [hbm4b:s4+s2], $0x80, v4, vm0, $0xb8;
	[tilespmem:$0x18300] =	vst v63  }
0x95: {  	s25 =	simm.s32 $0xB300  }
0x96: {  	[tilespmem:s25], [sflag:$0x1] =	stream.indirect_vreg.gather [hbm4b:s5+s2], $0x80, v4, vm1, $0xb8;
	[tilespmem:$0x18300] =	vst v63  }
0x97: {  	s25 =	simm.s32 $0xB700  }
0x98: {  	[tilespmem:s25], [sflag:$0x1] =	stream.indirect_vreg.gather [hbm4b:s4+s2], $0x80, v3, vm0, $0xb8;
	[tilespmem:$0x18300] =	vst v63  }
0x99: {  	s25 =	simm.s32 $0xBF00  }
0x9a: {  	[tilespmem:s25], [sflag:$0x1] =	stream.indirect_vreg.gather [hbm4b:s5+s2], $0x80, v3, vm1, $0xb8;
	[tilespmem:$0x18300] =	vst v63  }
0x9b: {  	v3 =	vld [tilespmem:$0x80];
	_ =	sdelay $0x4  }
0x9c: {  	v24 =	vshrl.u32 v3, $0x3  }
0x9d: {  	v4 =	vmul.u32 $0x18, v24  }
0x9e: {  	v3 =	vand.u32 $0x7, v3  }
0x9f: {  	v3 =	vor.u32 v3, v4  }
0xa0: {  	v4 =	vperm.xlane v3, v0;
	_ =	sdelay $0x1  }
0xa1: {  	v4 =	vadd.s32 v1, v4;
	_ =	sdelay $0x1  }
0xa2: {  	v3 =	vperm.xlane v3, v2;
	_ =	sdelay $0x1  }
0xa3: {  	s0 =	simm.s32 $0xC300;
	v3 =	vadd.s32 v1, v3  }
0xa4: {  	[tilespmem:s0], [sflag:$0x2] =	stream.indirect_vreg.gather [hbm4b:s4+s2], $0x80, v4, vm0, $0xb8;
	[tilespmem:$0x18300] =	vst v63  }
0xa5: {  	s25 =	simm.s32 $0xCB00  }
0xa6: {  	[tilespmem:s25], [sflag:$0x2] =	stream.indirect_vreg.gather [hbm4b:s5+s2], $0x80, v4, vm1, $0xb8;
	[tilespmem:$0x18300] =	vst v63  }
0xa7: {  	s25 =	simm.s32 $0xCF00  }
0xa8: {  	[tilespmem:s25], [sflag:$0x2] =	stream.indirect_vreg.gather [hbm4b:s4+s2], $0x80, v3, vm0, $0xb8;
	[tilespmem:$0x18300] =	vst v63  }
0xa9: {  	s25 =	simm.s32 $0xD700  }
0xaa: {  	[tilespmem:s25], [sflag:$0x2] =	stream.indirect_vreg.gather [hbm4b:s5+s2], $0x80, v3, vm1, $0xb8;
	[tilespmem:$0x18300] =	vst v63  }
0xab: {  	v3 =	vld [tilespmem:$0x90];
	_ =	sdelay $0x4  }
0xac: {  	v25 =	vshrl.u32 v3, $0x3  }
0xad: {  	v4 =	vmul.u32 $0x18, v25  }
0xae: {  	v3 =	vand.u32 $0x7, v3  }
0xaf: {  	v3 =	vor.u32 v3, v4  }
0xb0: {  	v4 =	vperm.xlane v3, v0;
	_ =	sdelay $0x1  }
0xb1: {  	v4 =	vadd.s32 v1, v4;
	_ =	sdelay $0x1  }
0xb2: {  	v3 =	vperm.xlane v3, v2;
	_ =	sdelay $0x1  }
0xb3: {  	s25 =	simm.s32 $0xDB00;
	v3 =	vadd.s32 v1, v3  }
0xb4: {  	[tilespmem:s25], [sflag:$0x2] =	stream.indirect_vreg.gather [hbm4b:s4+s2], $0x80, v4, vm0, $0xb8;
	[tilespmem:$0x18300] =	vst v63  }
0xb5: {  	s25 =	simm.s32 $0xE300  }
0xb6: {  	[tilespmem:s25], [sflag:$0x2] =	stream.indirect_vreg.gather [hbm4b:s5+s2], $0x80, v4, vm1, $0xb8;
	[tilespmem:$0x18300] =	vst v63  }
0xb7: {  	s25 =	simm.s32 $0xE700  }
0xb8: {  	[tilespmem:s25], [sflag:$0x2] =	stream.indirect_vreg.gather [hbm4b:s4+s2], $0x80, v3, vm0, $0xb8;
	[tilespmem:$0x18300] =	vst v63  }
0xb9: {  	s25 =	simm.s32 $0xEF00  }
0xba: {  	[tilespmem:s25], [sflag:$0x2] =	stream.indirect_vreg.gather [hbm4b:s5+s2], $0x80, v3, vm1, $0xb8;
	[tilespmem:$0x18300] =	vst v63  }
0xbb: {  	v3 =	vld [tilespmem:$0xA0];
	_ =	sdelay $0x4  }
0xbc: {  	v26 =	vshrl.u32 v3, $0x3  }
0xbd: {  	v4 =	vmul.u32 $0x18, v26  }
0xbe: {  	v3 =	vand.u32 $0x7, v3  }
0xbf: {  	v3 =	vor.u32 v3, v4  }
0xc0: {  	v4 =	vperm.xlane v3, v0;
	_ =	sdelay $0x1  }
0xc1: {  	v4 =	vadd.s32 v1, v4;
	_ =	sdelay $0x1  }
0xc2: {  	v3 =	vperm.xlane v3, v2;
	_ =	sdelay $0x1  }
0xc3: {  	s25 =	simm.s32 $0xF300;
	v3 =	vadd.s32 v1, v3  }
0xc4: {  	[tilespmem:s25], [sflag:$0x2] =	stream.indirect_vreg.gather [hbm4b:s4+s2], $0x80, v4, vm0, $0xb8;
	[tilespmem:$0x18300] =	vst v63  }
0xc5: {  	s25 =	simm.s32 $0xFB00  }
0xc6: {  	[tilespmem:s25], [sflag:$0x2] =	stream.indirect_vreg.gather [hbm4b:s5+s2], $0x80, v4, vm1, $0xb8;
	[tilespmem:$0x18300] =	vst v63  }
0xc7: {  	s25 =	simm.s32 $0xFF00  }
0xc8: {  	[tilespmem:s25], [sflag:$0x2] =	stream.indirect_vreg.gather [hbm4b:s4+s2], $0x80, v3, vm0, $0xb8;
	[tilespmem:$0x18300] =	vst v63  }
0xc9: {  	s25 =	simm.s32 $0x10700  }
0xca: {  	[tilespmem:s25], [sflag:$0x2] =	stream.indirect_vreg.gather [hbm4b:s5+s2], $0x80, v3, vm1, $0xb8;
	[tilespmem:$0x18300] =	vst v63  }
0xcb: {  	v3 =	vld [tilespmem:$0xB0];
	_ =	sdelay $0x4  }
0xcc: {  	v27 =	vshrl.u32 v3, $0x3  }
0xcd: {  	v4 =	vmul.u32 $0x18, v27  }
0xce: {  	v3 =	vand.u32 $0x7, v3  }
0xcf: {  	v3 =	vor.u32 v3, v4  }
0xd0: {  	v4 =	vperm.xlane v3, v0;
	_ =	sdelay $0x1  }
0xd1: {  	v4 =	vadd.s32 v1, v4;
	_ =	sdelay $0x1  }
0xd2: {  	v3 =	vperm.xlane v3, v2;
	_ =	sdelay $0x1  }
0xd3: {  	s25 =	simm.s32 $0x10B00;
	v3 =	vadd.s32 v1, v3  }
0xd4: {  	[tilespmem:s25], [sflag:$0x2] =	stream.indirect_vreg.gather [hbm4b:s4+s2], $0x80, v4, vm0, $0xb8;
	[tilespmem:$0x18300] =	vst v63  }
0xd5: {  	s25 =	simm.s32 $0x11300  }
0xd6: {  	[tilespmem:s25], [sflag:$0x2] =	stream.indirect_vreg.gather [hbm4b:s5+s2], $0x80, v4, vm1, $0xb8;
	[tilespmem:$0x18300] =	vst v63  }
0xd7: {  	s25 =	simm.s32 $0x11700  }
0xd8: {  	[tilespmem:s25], [sflag:$0x2] =	stream.indirect_vreg.gather [hbm4b:s4+s2], $0x80, v3, vm0, $0xb8;
	[tilespmem:$0x18300] =	vst v63  }
0xd9: {  	s25 =	simm.s32 $0x11F00  }
0xda: {  	[tilespmem:s25], [sflag:$0x2] =	stream.indirect_vreg.gather [hbm4b:s5+s2], $0x80, v3, vm1, $0xb8;
	[tilespmem:$0x18300] =	vst v63  }
0xdb: {  	v3 =	vld [tilespmem:$0xC0];
	_ =	sdelay $0x4  }
0xdc: {  	v28 =	vshrl.u32 v3, $0x3  }
0xdd: {  	v4 =	vmul.u32 $0x18, v28  }
0xde: {  	v3 =	vand.u32 $0x7, v3  }
0xdf: {  	v3 =	vor.u32 v3, v4  }
0xe0: {  	v4 =	vperm.xlane v3, v0;
	_ =	sdelay $0x1  }
0xe1: {  	v4 =	vadd.s32 v1, v4;
	_ =	sdelay $0x1  }
0xe2: {  	v3 =	vperm.xlane v3, v2;
	_ =	sdelay $0x1  }
0xe3: {  	s25 =	simm.s32 $0x12300;
	v3 =	vadd.s32 v1, v3  }
0xe4: {  	[tilespmem:s25], [sflag:$0x2] =	stream.indirect_vreg.gather [hbm4b:s4+s2], $0x80, v4, vm0, $0xb8;
	[tilespmem:$0x18300] =	vst v63  }
0xe5: {  	s25 =	simm.s32 $0x12B00  }
0xe6: {  	[tilespmem:s25], [sflag:$0x2] =	stream.indirect_vreg.gather [hbm4b:s5+s2], $0x80, v4, vm1, $0xb8;
	[tilespmem:$0x18300] =	vst v63  }
0xe7: {  	s25 =	simm.s32 $0x12F00  }
0xe8: {  	[tilespmem:s25], [sflag:$0x2] =	stream.indirect_vreg.gather [hbm4b:s4+s2], $0x80, v3, vm0, $0xb8;
	[tilespmem:$0x18300] =	vst v63  }
0xe9: {  	s25 =	simm.s32 $0x13700  }
0xea: {  	[tilespmem:s25], [sflag:$0x2] =	stream.indirect_vreg.gather [hbm4b:s5+s2], $0x80, v3, vm1, $0xb8;
	[tilespmem:$0x18300] =	vst v63  }
0xeb: {  	v3 =	vld [tilespmem:$0xD0];
	_ =	sdelay $0x4  }
0xec: {  	v29 =	vshrl.u32 v3, $0x3  }
0xed: {  	v4 =	vmul.u32 $0x18, v29  }
0xee: {  	v3 =	vand.u32 $0x7, v3  }
0xef: {  	v3 =	vor.u32 v3, v4  }
0xf0: {  	v4 =	vperm.xlane v3, v0;
	_ =	sdelay $0x1  }
0xf1: {  	v4 =	vadd.s32 v1, v4;
	_ =	sdelay $0x1  }
0xf2: {  	v3 =	vperm.xlane v3, v2;
	_ =	sdelay $0x1  }
0xf3: {  	s25 =	simm.s32 $0x13B00;
	v3 =	vadd.s32 v1, v3  }
0xf4: {  	[tilespmem:s25], [sflag:$0x2] =	stream.indirect_vreg.gather [hbm4b:s4+s2], $0x80, v4, vm0, $0xb8;
	[tilespmem:$0x18300] =	vst v63  }
0xf5: {  	s25 =	simm.s32 $0x14300  }
0xf6: {  	[tilespmem:s25], [sflag:$0x2] =	stream.indirect_vreg.gather [hbm4b:s5+s2], $0x80, v4, vm1, $0xb8;
	[tilespmem:$0x18300] =	vst v63  }
0xf7: {  	s25 =	simm.s32 $0x14700  }
0xf8: {  	[tilespmem:s25], [sflag:$0x2] =	stream.indirect_vreg.gather [hbm4b:s4+s2], $0x80, v3, vm0, $0xb8;
	[tilespmem:$0x18300] =	vst v63  }
0xf9: {  	s25 =	simm.s32 $0x14F00  }
0xfa: {  	[tilespmem:s25], [sflag:$0x2] =	stream.indirect_vreg.gather [hbm4b:s5+s2], $0x80, v3, vm1, $0xb8;
	[tilespmem:$0x18300] =	vst v63  }
0xfb: {  	v3 =	vld [tilespmem:$0xE0];
	_ =	sdelay $0x4  }
0xfc: {  	v30 =	vshrl.u32 v3, $0x3  }
0xfd: {  	v4 =	vmul.u32 $0x18, v30  }
0xfe: {  	v3 =	vand.u32 $0x7, v3  }
0xff: {  	v3 =	vor.u32 v3, v4  }
0x100: {  	v4 =	vperm.xlane v3, v0;
	_ =	sdelay $0x1  }
0x101: {  	v4 =	vadd.s32 v1, v4;
	_ =	sdelay $0x1  }
0x102: {  	v3 =	vperm.xlane v3, v2;
	_ =	sdelay $0x1  }
0x103: {  	s25 =	simm.s32 $0x15300;
	v3 =	vadd.s32 v1, v3  }
0x104: {  	[tilespmem:s25], [sflag:$0x2] =	stream.indirect_vreg.gather [hbm4b:s4+s2], $0x80, v4, vm0, $0xb8;
	[tilespmem:$0x18300] =	vst v63  }
0x105: {  	s25 =	simm.s32 $0x15B00  }
0x106: {  	[tilespmem:s25], [sflag:$0x2] =	stream.indirect_vreg.gather [hbm4b:s5+s2], $0x80, v4, vm1, $0xb8;
	[tilespmem:$0x18300] =	vst v63  }
0x107: {  	s25 =	simm.s32 $0x15F00  }
0x108: {  	[tilespmem:s25], [sflag:$0x2] =	stream.indirect_vreg.gather [hbm4b:s4+s2], $0x80, v3, vm0, $0xb8;
	[tilespmem:$0x18300] =	vst v63  }
0x109: {  	s25 =	simm.s32 $0x16700  }
0x10a: {  	[tilespmem:s25], [sflag:$0x2] =	stream.indirect_vreg.gather [hbm4b:s5+s2], $0x80, v3, vm1, $0xb8;
	[tilespmem:$0x18300] =	vst v63  }
0x10b: {  	v3 =	vld [tilespmem:$0xF0];
	_ =	sdelay $0x4  }
0x10c: {  	v31 =	vshrl.u32 v3, $0x3  }
0x10d: {  	v4 =	vmul.u32 $0x18, v31  }
0x10e: {  	v3 =	vand.u32 $0x7, v3  }
0x10f: {  	v3 =	vor.u32 v3, v4  }
0x110: {  	v4 =	vperm.xlane v3, v0;
	_ =	sdelay $0x1  }
0x111: {  	v4 =	vadd.s32 v1, v4;
	_ =	sdelay $0x1  }
0x112: {  	v3 =	vperm.xlane v3, v2;
	_ =	sdelay $0x1  }
0x113: {  	s25 =	simm.s32 $0x16B00;
	v3 =	vadd.s32 v1, v3  }
0x114: {  	[tilespmem:s25], [sflag:$0x2] =	stream.indirect_vreg.gather [hbm4b:s4+s2], $0x80, v4, vm0, $0xb8;
	[tilespmem:$0x18300] =	vst v63  }
0x115: {  	s25 =	simm.s32 $0x17300  }
0x116: {  	[tilespmem:s25], [sflag:$0x2] =	stream.indirect_vreg.gather [hbm4b:s5+s2], $0x80, v4, vm1, $0xb8;
	[tilespmem:$0x18300] =	vst v63  }
0x117: {  	s25 =	simm.s32 $0x17700  }
0x118: {  	[tilespmem:s25], [sflag:$0x2] =	stream.indirect_vreg.gather [hbm4b:s4+s2], $0x80, v3, vm0, $0xb8;
	[tilespmem:$0x18300] =	vst v63  }
0x119: {  	s25 =	simm.s32 $0x17F00  }
0x11a: {  	[tilespmem:s25], [sflag:$0x2] =	stream.indirect_vreg.gather [hbm4b:s5+s2], $0x80, v3, vm1, $0xb8;
	[tilespmem:$0x18300] =	vst v63  }
0x11b: {  	_ =	swait.ge [sflag:s21], $0xC000  }
0x11c: {  	[sflag:s21] =	ssyncset.done $0x0  }
0x11d: {  	s25 =	rddreg [dreg:$0x8];
	[sflag:s21] =	ssyncadd.s32 $0xFFFF4000  }
0x11e: {  	[hbm4b:s25+s2] =	stream.linear.scatter [tilespmem:s14], [sflag:$0x3], $0xC000, $0x38;
	[tilespmem:$0x18300] =	vst v63  }
0x11f: {  	_ =	swait.ge [sflag:s22], $0xC000  }
0x120: {  	[sflag:s22] =	ssyncset.done $0x0  }
0x121: {  	[sflag:s22] =	ssyncadd.s32 $0xFFFF4000  }
0x122: {  	v3 =	vld [tilespmem:$0x100];
	_ =	sdelay $0x4  }
0x123: {  	v32 =	vshrl.u32 v3, $0x3  }
0x124: {  	v4 =	vmul.u32 $0x18, v32  }
0x125: {  	v3 =	vand.u32 $0x7, v3  }
0x126: {  	v3 =	vor.u32 v3, v4  }
0x127: {  	v4 =	vperm.xlane v3, v0;
	_ =	sdelay $0x1  }
0x128: {  	v4 =	vadd.s32 v1, v4;
	_ =	sdelay $0x1  }
0x129: {  	v3 =	vperm.xlane v3, v2;
	_ =	sdelay $0x1  }
0x12a: {  	v3 =	vadd.s32 v1, v3  }
0x12b: {  	[tilespmem:s14], [sflag:$0x1] =	stream.indirect_vreg.gather [hbm4b:s4+s2], $0x80, v4, vm0, $0xb8;
	[tilespmem:$0x18300] =	vst v63  }
0x12c: {  	_ = 	snop  }
0x12d: {  	[tilespmem:s26], [sflag:$0x1] =	stream.indirect_vreg.gather [hbm4b:s5+s2], $0x80, v4, vm1, $0xb8;
	[tilespmem:$0x18300] =	vst v63  }
0x12e: {  	_ = 	snop  }
0x12f: {  	[tilespmem:s28], [sflag:$0x1] =	stream.indirect_vreg.gather [hbm4b:s4+s2], $0x80, v3, vm0, $0xb8;
	[tilespmem:$0x18300] =	vst v63  }
0x130: {  	_ = 	snop  }
0x131: {  	[tilespmem:s29], [sflag:$0x1] =	stream.indirect_vreg.gather [hbm4b:s5+s2], $0x80, v3, vm1, $0xb8;
	[tilespmem:$0x18300] =	vst v63  }
0x132: {  	v3 =	vld [tilespmem:$0x110];
	_ =	sdelay $0x4  }
0x133: {  	v33 =	vshrl.u32 v3, $0x3  }
0x134: {  	v4 =	vmul.u32 $0x18, v33  }
0x135: {  	v3 =	vand.u32 $0x7, v3  }
0x136: {  	v3 =	vor.u32 v3, v4  }
0x137: {  	v4 =	vperm.xlane v3, v0;
	_ =	sdelay $0x1  }
0x138: {  	v4 =	vadd.s32 v1, v4;
	_ =	sdelay $0x1  }
0x139: {  	v3 =	vperm.xlane v3, v2;
	_ =	sdelay $0x1  }
0x13a: {  	v3 =	vadd.s32 v1, v3  }
0x13b: {  	[tilespmem:s30], [sflag:$0x1] =	stream.indirect_vreg.gather [hbm4b:s4+s2], $0x80, v4, vm0, $0xb8;
	[tilespmem:$0x18300] =	vst v63  }
0x13c: {  	_ = 	snop  }
0x13d: {  	[tilespmem:s31], [sflag:$0x1] =	stream.indirect_vreg.gather [hbm4b:s5+s2], $0x80, v4, vm1, $0xb8;
	[tilespmem:$0x18300] =	vst v63  }
0x13e: {  	_ = 	snop  }
0x13f: {  	[tilespmem:s1], [sflag:$0x1] =	stream.indirect_vreg.gather [hbm4b:s4+s2], $0x80, v3, vm0, $0xb8;
	[tilespmem:$0x18300] =	vst v63  }
0x140: {  	s25 =	simm.s32 $0x2F00  }
0x141: {  	[tilespmem:s25], [sflag:$0x1] =	stream.indirect_vreg.gather [hbm4b:s5+s2], $0x80, v3, vm1, $0xb8;
	[tilespmem:$0x18300] =	vst v63  }
0x142: {  	v3 =	vld [tilespmem:$0x120];
	_ =	sdelay $0x4  }
0x143: {  	v34 =	vshrl.u32 v3, $0x3  }
0x144: {  	v4 =	vmul.u32 $0x18, v34  }
0x145: {  	v3 =	vand.u32 $0x7, v3  }
0x146: {  	v3 =	vor.u32 v3, v4  }
0x147: {  	v4 =	vperm.xlane v3, v0;
	_ =	sdelay $0x1  }
0x148: {  	v4 =	vadd.s32 v1, v4;
	_ =	sdelay $0x1  }
0x149: {  	v3 =	vperm.xlane v3, v2;
	_ =	sdelay $0x1  }
0x14a: {  	v3 =	vadd.s32 v1, v3  }
0x14b: {  	[tilespmem:s3], [sflag:$0x1] =	stream.indirect_vreg.gather [hbm4b:s4+s2], $0x80, v4, vm0, $0xb8;
	[tilespmem:$0x18300] =	vst v63  }
0x14c: {  	_ = 	snop  }
0x14d: {  	[tilespmem:s7], [sflag:$0x1] =	stream.indirect_vreg.gather [hbm4b:s5+s2], $0x80, v4, vm1, $0xb8;
	[tilespmem:$0x18300] =	vst v63  }
0x14e: {  	_ = 	snop  }
0x14f: {  	[tilespmem:s9], [sflag:$0x1] =	stream.indirect_vreg.gather [hbm4b:s4+s2], $0x80, v3, vm0, $0xb8;
	[tilespmem:$0x18300] =	vst v63  }
0x150: {  	_ = 	snop  }
0x151: {  	[tilespmem:s10], [sflag:$0x1] =	stream.indirect_vreg.gather [hbm4b:s5+s2], $0x80, v3, vm1, $0xb8;
	[tilespmem:$0x18300] =	vst v63  }
0x152: {  	v3 =	vld [tilespmem:$0x130];
	_ =	sdelay $0x4  }
0x153: {  	v35 =	vshrl.u32 v3, $0x3  }
0x154: {  	v4 =	vmul.u32 $0x18, v35  }
0x155: {  	v3 =	vand.u32 $0x7, v3  }
0x156: {  	v3 =	vor.u32 v3, v4  }
0x157: {  	v4 =	vperm.xlane v3, v0;
	_ =	sdelay $0x1  }
0x158: {  	v4 =	vadd.s32 v1, v4;
	_ =	sdelay $0x1  }
0x159: {  	v3 =	vperm.xlane v3, v2;
	_ =	sdelay $0x1  }
0x15a: {  	v3 =	vadd.s32 v1, v3  }
0x15b: {  	[tilespmem:s11], [sflag:$0x1] =	stream.indirect_vreg.gather [hbm4b:s4+s2], $0x80, v4, vm0, $0xb8;
	[tilespmem:$0x18300] =	vst v63  }
0x15c: {  	_ = 	snop  }
0x15d: {  	[tilespmem:s12], [sflag:$0x1] =	stream.indirect_vreg.gather [hbm4b:s5+s2], $0x80, v4, vm1, $0xb8;
	[tilespmem:$0x18300] =	vst v63  }
0x15e: {  	_ = 	snop  }
0x15f: {  	[tilespmem:s13], [sflag:$0x1] =	stream.indirect_vreg.gather [hbm4b:s4+s2], $0x80, v3, vm0, $0xb8;
	[tilespmem:$0x18300] =	vst v63  }
0x160: {  	_ = 	snop  }
0x161: {  	[tilespmem:s15], [sflag:$0x1] =	stream.indirect_vreg.gather [hbm4b:s5+s2], $0x80, v3, vm1, $0xb8;
	[tilespmem:$0x18300] =	vst v63  }
0x162: {  	v3 =	vld [tilespmem:$0x140];
	_ =	sdelay $0x4  }
0x163: {  	v36 =	vshrl.u32 v3, $0x3  }
0x164: {  	v4 =	vmul.u32 $0x18, v36  }
0x165: {  	v3 =	vand.u32 $0x7, v3  }
0x166: {  	v3 =	vor.u32 v3, v4  }
0x167: {  	v4 =	vperm.xlane v3, v0;
	_ =	sdelay $0x1  }
0x168: {  	v4 =	vadd.s32 v1, v4;
	_ =	sdelay $0x1  }
0x169: {  	v3 =	vperm.xlane v3, v2;
	_ =	sdelay $0x1  }
0x16a: {  	v3 =	vadd.s32 v1, v3  }
0x16b: {  	[tilespmem:s16], [sflag:$0x1] =	stream.indirect_vreg.gather [hbm4b:s4+s2], $0x80, v4, vm0, $0xb8;
	[tilespmem:$0x18300] =	vst v63  }
0x16c: {  	_ = 	snop  }
0x16d: {  	[tilespmem:s17], [sflag:$0x1] =	stream.indirect_vreg.gather [hbm4b:s5+s2], $0x80, v4, vm1, $0xb8;
	[tilespmem:$0x18300] =	vst v63  }
0x16e: {  	_ = 	snop  }
0x16f: {  	[tilespmem:s18], [sflag:$0x1] =	stream.indirect_vreg.gather [hbm4b:s4+s2], $0x80, v3, vm0, $0xb8;
	[tilespmem:$0x18300] =	vst v63  }
0x170: {  	_ = 	snop  }
0x171: {  	[tilespmem:s19], [sflag:$0x1] =	stream.indirect_vreg.gather [hbm4b:s5+s2], $0x80, v3, vm1, $0xb8;
	[tilespmem:$0x18300] =	vst v63  }
0x172: {  	v3 =	vld [tilespmem:$0x150];
	_ =	sdelay $0x4  }
0x173: {  	v37 =	vshrl.u32 v3, $0x3  }
0x174: {  	v4 =	vmul.u32 $0x18, v37  }
0x175: {  	v3 =	vand.u32 $0x7, v3  }
0x176: {  	v3 =	vor.u32 v3, v4  }
0x177: {  	v4 =	vperm.xlane v3, v0;
	_ =	sdelay $0x1  }
0x178: {  	v4 =	vadd.s32 v1, v4;
	_ =	sdelay $0x1  }
0x179: {  	v3 =	vperm.xlane v3, v2;
	_ =	sdelay $0x1  }
0x17a: {  	v3 =	vadd.s32 v1, v3  }
0x17b: {  	[tilespmem:s20], [sflag:$0x1] =	stream.indirect_vreg.gather [hbm4b:s4+s2], $0x80, v4, vm0, $0xb8;
	[tilespmem:$0x18300] =	vst v63  }
0x17c: {  	_ = 	snop  }
0x17d: {  	[tilespmem:s8], [sflag:$0x1] =	stream.indirect_vreg.gather [hbm4b:s5+s2], $0x80, v4, vm1, $0xb8;
	[tilespmem:$0x18300] =	vst v63  }
0x17e: {  	s25 =	simm.s32 $0x8700  }
0x17f: {  	[tilespmem:s25], [sflag:$0x1] =	stream.indirect_vreg.gather [hbm4b:s4+s2], $0x80, v3, vm0, $0xb8;
	[tilespmem:$0x18300] =	vst v63  }
0x180: {  	s25 =	simm.s32 $0x8F00  }
0x181: {  	[tilespmem:s25], [sflag:$0x1] =	stream.indirect_vreg.gather [hbm4b:s5+s2], $0x80, v3, vm1, $0xb8;
	[tilespmem:$0x18300] =	vst v63  }
0x182: {  	v3 =	vld [tilespmem:$0x160];
	_ =	sdelay $0x4  }
0x183: {  	v38 =	vshrl.u32 v3, $0x3  }
0x184: {  	v4 =	vmul.u32 $0x18, v38  }
0x185: {  	v3 =	vand.u32 $0x7, v3  }
0x186: {  	v3 =	vor.u32 v3, v4  }
0x187: {  	v4 =	vperm.xlane v3, v0;
	_ =	sdelay $0x1  }
0x188: {  	v4 =	vadd.s32 v1, v4;
	_ =	sdelay $0x1  }
0x189: {  	v3 =	vperm.xlane v3, v2;
	_ =	sdelay $0x1  }
0x18a: {  	s25 =	simm.s32 $0x9300;
	v3 =	vadd.s32 v1, v3  }
0x18b: {  	[tilespmem:s25], [sflag:$0x1] =	stream.indirect_vreg.gather [hbm4b:s4+s2], $0x80, v4, vm0, $0xb8;
	[tilespmem:$0x18300] =	vst v63  }
0x18c: {  	s25 =	simm.s32 $0x9B00  }
0x18d: {  	[tilespmem:s25], [sflag:$0x1] =	stream.indirect_vreg.gather [hbm4b:s5+s2], $0x80, v4, vm1, $0xb8;
	[tilespmem:$0x18300] =	vst v63  }
0x18e: {  	s25 =	simm.s32 $0x9F00  }
0x18f: {  	[tilespmem:s25], [sflag:$0x1] =	stream.indirect_vreg.gather [hbm4b:s4+s2], $0x80, v3, vm0, $0xb8;
	[tilespmem:$0x18300] =	vst v63  }
0x190: {  	s25 =	simm.s32 $0xA700  }
0x191: {  	[tilespmem:s25], [sflag:$0x1] =	stream.indirect_vreg.gather [hbm4b:s5+s2], $0x80, v3, vm1, $0xb8;
	[tilespmem:$0x18300] =	vst v63  }
0x192: {  	v3 =	vld [tilespmem:$0x170];
	_ =	sdelay $0x4  }
0x193: {  	v39 =	vshrl.u32 v3, $0x3  }
0x194: {  	v4 =	vmul.u32 $0x18, v39  }
0x195: {  	v3 =	vand.u32 $0x7, v3  }
0x196: {  	v3 =	vor.u32 v3, v4  }
0x197: {  	v4 =	vperm.xlane v3, v0;
	_ =	sdelay $0x1  }
0x198: {  	v4 =	vadd.s32 v1, v4;
	_ =	sdelay $0x1  }
0x199: {  	v3 =	vperm.xlane v3, v2;
	_ =	sdelay $0x1  }
0x19a: {  	s25 =	simm.s32 $0xAB00;
	v3 =	vadd.s32 v1, v3  }
0x19b: {  	[tilespmem:s25], [sflag:$0x1] =	stream.indirect_vreg.gather [hbm4b:s4+s2], $0x80, v4, vm0, $0xb8;
	[tilespmem:$0x18300] =	vst v63  }
0x19c: {  	s25 =	simm.s32 $0xB300  }
0x19d: {  	[tilespmem:s25], [sflag:$0x1] =	stream.indirect_vreg.gather [hbm4b:s5+s2], $0x80, v4, vm1, $0xb8;
	[tilespmem:$0x18300] =	vst v63  }
0x19e: {  	s25 =	simm.s32 $0xB700  }
0x19f: {  	[tilespmem:s25], [sflag:$0x1] =	stream.indirect_vreg.gather [hbm4b:s4+s2], $0x80, v3, vm0, $0xb8;
	[tilespmem:$0x18300] =	vst v63  }
0x1a0: {  	s25 =	simm.s32 $0xBF00  }
0x1a1: {  	[tilespmem:s25], [sflag:$0x1] =	stream.indirect_vreg.gather [hbm4b:s5+s2], $0x80, v3, vm1, $0xb8;
	[tilespmem:$0x18300] =	vst v63  }
0x1a2: {  	_ =	swait.ge [sflag:s23], $0xC000  }
0x1a3: {  	[sflag:s23] =	ssyncset.done $0x0  }
0x1a4: {  	s25 =	rddreg [dreg:$0x3];
	[sflag:s23] =	ssyncadd.s32 $0xFFFF4000  }
0x1a5: {  	[hbm4b:s25+s2] =	stream.linear.scatter [tilespmem:s0], [sflag:$0x4], $0xC000, $0x38;
	[tilespmem:$0x18300] =	vst v63  }
0x1a6: {  	_ =	swait.ge [sflag:s24], $0xC000  }
0x1a7: {  	[sflag:s24] =	ssyncset.done $0x0  }
0x1a8: {  	[sflag:s24] =	ssyncadd.s32 $0xFFFF4000  }
0x1a9: {  	v3 =	vld [tilespmem:$0x180];
	_ =	sdelay $0x4  }
0x1aa: {  	v40 =	vshrl.u32 v3, $0x3  }
0x1ab: {  	v4 =	vmul.u32 $0x18, v40  }
0x1ac: {  	v3 =	vand.u32 $0x7, v3  }
0x1ad: {  	v3 =	vor.u32 v3, v4  }
0x1ae: {  	v4 =	vperm.xlane v3, v0;
	_ =	sdelay $0x1  }
0x1af: {  	v4 =	vadd.s32 v1, v4;
	_ =	sdelay $0x1  }
0x1b0: {  	v3 =	vperm.xlane v3, v2;
	_ =	sdelay $0x1  }
0x1b1: {  	v3 =	vadd.s32 v1, v3  }
0x1b2: {  	[tilespmem:s0], [sflag:$0x2] =	stream.indirect_vreg.gather [hbm4b:s4+s2], $0x80, v4, vm0, $0xb8;
	[tilespmem:$0x18300] =	vst v63  }
0x1b3: {  	s25 =	simm.s32 $0xCB00  }
0x1b4: {  	[tilespmem:s25], [sflag:$0x2] =	stream.indirect_vreg.gather [hbm4b:s5+s2], $0x80, v4, vm1, $0xb8;
	[tilespmem:$0x18300] =	vst v63  }
0x1b5: {  	s25 =	simm.s32 $0xCF00  }
0x1b6: {  	[tilespmem:s25], [sflag:$0x2] =	stream.indirect_vreg.gather [hbm4b:s4+s2], $0x80, v3, vm0, $0xb8;
	[tilespmem:$0x18300] =	vst v63  }
0x1b7: {  	s25 =	simm.s32 $0xD700  }
0x1b8: {  	[tilespmem:s25], [sflag:$0x2] =	stream.indirect_vreg.gather [hbm4b:s5+s2], $0x80, v3, vm1, $0xb8;
	[tilespmem:$0x18300] =	vst v63  }
0x1b9: {  	v3 =	vld [tilespmem:$0x190];
	_ =	sdelay $0x4  }
0x1ba: {  	v41 =	vshrl.u32 v3, $0x3  }
0x1bb: {  	v4 =	vmul.u32 $0x18, v41  }
0x1bc: {  	v3 =	vand.u32 $0x7, v3  }
0x1bd: {  	v3 =	vor.u32 v3, v4  }
0x1be: {  	v4 =	vperm.xlane v3, v0;
	_ =	sdelay $0x1  }
0x1bf: {  	v4 =	vadd.s32 v1, v4;
	_ =	sdelay $0x1  }
0x1c0: {  	v3 =	vperm.xlane v3, v2;
	_ =	sdelay $0x1  }
0x1c1: {  	s25 =	simm.s32 $0xDB00;
	v3 =	vadd.s32 v1, v3  }
0x1c2: {  	[tilespmem:s25], [sflag:$0x2] =	stream.indirect_vreg.gather [hbm4b:s4+s2], $0x80, v4, vm0, $0xb8;
	[tilespmem:$0x18300] =	vst v63  }
0x1c3: {  	s25 =	simm.s32 $0xE300  }
0x1c4: {  	[tilespmem:s25], [sflag:$0x2] =	stream.indirect_vreg.gather [hbm4b:s5+s2], $0x80, v4, vm1, $0xb8;
	[tilespmem:$0x18300] =	vst v63  }
0x1c5: {  	s25 =	simm.s32 $0xE700  }
0x1c6: {  	[tilespmem:s25], [sflag:$0x2] =	stream.indirect_vreg.gather [hbm4b:s4+s2], $0x80, v3, vm0, $0xb8;
	[tilespmem:$0x18300] =	vst v63  }
0x1c7: {  	s25 =	simm.s32 $0xEF00  }
0x1c8: {  	[tilespmem:s25], [sflag:$0x2] =	stream.indirect_vreg.gather [hbm4b:s5+s2], $0x80, v3, vm1, $0xb8;
	[tilespmem:$0x18300] =	vst v63  }
0x1c9: {  	v3 =	vld [tilespmem:$0x1A0];
	_ =	sdelay $0x4  }
0x1ca: {  	v42 =	vshrl.u32 v3, $0x3  }
0x1cb: {  	v4 =	vmul.u32 $0x18, v42  }
0x1cc: {  	v3 =	vand.u32 $0x7, v3  }
0x1cd: {  	v3 =	vor.u32 v3, v4  }
0x1ce: {  	v4 =	vperm.xlane v3, v0;
	_ =	sdelay $0x1  }
0x1cf: {  	v4 =	vadd.s32 v1, v4;
	_ =	sdelay $0x1  }
0x1d0: {  	v3 =	vperm.xlane v3, v2;
	_ =	sdelay $0x1  }
0x1d1: {  	s25 =	simm.s32 $0xF300;
	v3 =	vadd.s32 v1, v3  }
0x1d2: {  	[tilespmem:s25], [sflag:$0x2] =	stream.indirect_vreg.gather [hbm4b:s4+s2], $0x80, v4, vm0, $0xb8;
	[tilespmem:$0x18300] =	vst v63  }
0x1d3: {  	s25 =	simm.s32 $0xFB00  }
0x1d4: {  	[tilespmem:s25], [sflag:$0x2] =	stream.indirect_vreg.gather [hbm4b:s5+s2], $0x80, v4, vm1, $0xb8;
	[tilespmem:$0x18300] =	vst v63  }
0x1d5: {  	s25 =	simm.s32 $0xFF00  }
0x1d6: {  	[tilespmem:s25], [sflag:$0x2] =	stream.indirect_vreg.gather [hbm4b:s4+s2], $0x80, v3, vm0, $0xb8;
	[tilespmem:$0x18300] =	vst v63  }
0x1d7: {  	s25 =	simm.s32 $0x10700  }
0x1d8: {  	[tilespmem:s25], [sflag:$0x2] =	stream.indirect_vreg.gather [hbm4b:s5+s2], $0x80, v3, vm1, $0xb8;
	[tilespmem:$0x18300] =	vst v63  }
0x1d9: {  	v3 =	vld [tilespmem:$0x1B0];
	_ =	sdelay $0x4  }
0x1da: {  	v43 =	vshrl.u32 v3, $0x3  }
0x1db: {  	v4 =	vmul.u32 $0x18, v43  }
0x1dc: {  	v3 =	vand.u32 $0x7, v3  }
0x1dd: {  	v3 =	vor.u32 v3, v4  }
0x1de: {  	v4 =	vperm.xlane v3, v0;
	_ =	sdelay $0x1  }
0x1df: {  	v4 =	vadd.s32 v1, v4;
	_ =	sdelay $0x1  }
0x1e0: {  	v3 =	vperm.xlane v3, v2;
	_ =	sdelay $0x1  }
0x1e1: {  	s25 =	simm.s32 $0x10B00;
	v3 =	vadd.s32 v1, v3  }
0x1e2: {  	[tilespmem:s25], [sflag:$0x2] =	stream.indirect_vreg.gather [hbm4b:s4+s2], $0x80, v4, vm0, $0xb8;
	[tilespmem:$0x18300] =	vst v63  }
0x1e3: {  	s25 =	simm.s32 $0x11300  }
0x1e4: {  	[tilespmem:s25], [sflag:$0x2] =	stream.indirect_vreg.gather [hbm4b:s5+s2], $0x80, v4, vm1, $0xb8;
	[tilespmem:$0x18300] =	vst v63  }
0x1e5: {  	s25 =	simm.s32 $0x11700  }
0x1e6: {  	[tilespmem:s25], [sflag:$0x2] =	stream.indirect_vreg.gather [hbm4b:s4+s2], $0x80, v3, vm0, $0xb8;
	[tilespmem:$0x18300] =	vst v63  }
0x1e7: {  	s25 =	simm.s32 $0x11F00  }
0x1e8: {  	[tilespmem:s25], [sflag:$0x2] =	stream.indirect_vreg.gather [hbm4b:s5+s2], $0x80, v3, vm1, $0xb8;
	[tilespmem:$0x18300] =	vst v63  }
0x1e9: {  	v3 =	vld [tilespmem:$0x1C0];
	_ =	sdelay $0x4  }
0x1ea: {  	v44 =	vshrl.u32 v3, $0x3  }
0x1eb: {  	v4 =	vmul.u32 $0x18, v44  }
0x1ec: {  	v3 =	vand.u32 $0x7, v3  }
0x1ed: {  	v3 =	vor.u32 v3, v4  }
0x1ee: {  	v4 =	vperm.xlane v3, v0;
	_ =	sdelay $0x1  }
0x1ef: {  	v4 =	vadd.s32 v1, v4;
	_ =	sdelay $0x1  }
0x1f0: {  	v3 =	vperm.xlane v3, v2;
	_ =	sdelay $0x1  }
0x1f1: {  	s25 =	simm.s32 $0x12300;
	v3 =	vadd.s32 v1, v3  }
0x1f2: {  	[tilespmem:s25], [sflag:$0x2] =	stream.indirect_vreg.gather [hbm4b:s4+s2], $0x80, v4, vm0, $0xb8;
	[tilespmem:$0x18300] =	vst v63  }
0x1f3: {  	s25 =	simm.s32 $0x12B00  }
0x1f4: {  	[tilespmem:s25], [sflag:$0x2] =	stream.indirect_vreg.gather [hbm4b:s5+s2], $0x80, v4, vm1, $0xb8;
	[tilespmem:$0x18300] =	vst v63  }
0x1f5: {  	s25 =	simm.s32 $0x12F00  }
0x1f6: {  	[tilespmem:s25], [sflag:$0x2] =	stream.indirect_vreg.gather [hbm4b:s4+s2], $0x80, v3, vm0, $0xb8;
	[tilespmem:$0x18300] =	vst v63  }
0x1f7: {  	s25 =	simm.s32 $0x13700  }
0x1f8: {  	[tilespmem:s25], [sflag:$0x2] =	stream.indirect_vreg.gather [hbm4b:s5+s2], $0x80, v3, vm1, $0xb8;
	[tilespmem:$0x18300] =	vst v63  }
0x1f9: {  	v3 =	vld [tilespmem:$0x1D0];
	_ =	sdelay $0x4  }
0x1fa: {  	v45 =	vshrl.u32 v3, $0x3  }
0x1fb: {  	v4 =	vmul.u32 $0x18, v45  }
0x1fc: {  	v3 =	vand.u32 $0x7, v3  }
0x1fd: {  	v3 =	vor.u32 v3, v4  }
0x1fe: {  	v4 =	vperm.xlane v3, v0;
	_ =	sdelay $0x1  }
0x1ff: {  	v4 =	vadd.s32 v1, v4;
	_ =	sdelay $0x1  }
0x200: {  	v3 =	vperm.xlane v3, v2;
	_ =	sdelay $0x1  }
0x201: {  	s25 =	simm.s32 $0x13B00;
	v3 =	vadd.s32 v1, v3  }
0x202: {  	[tilespmem:s25], [sflag:$0x2] =	stream.indirect_vreg.gather [hbm4b:s4+s2], $0x80, v4, vm0, $0xb8;
	[tilespmem:$0x18300] =	vst v63  }
0x203: {  	s25 =	simm.s32 $0x14300  }
0x204: {  	[tilespmem:s25], [sflag:$0x2] =	stream.indirect_vreg.gather [hbm4b:s5+s2], $0x80, v4, vm1, $0xb8;
	[tilespmem:$0x18300] =	vst v63  }
0x205: {  	s25 =	simm.s32 $0x14700  }
0x206: {  	[tilespmem:s25], [sflag:$0x2] =	stream.indirect_vreg.gather [hbm4b:s4+s2], $0x80, v3, vm0, $0xb8;
	[tilespmem:$0x18300] =	vst v63  }
0x207: {  	s25 =	simm.s32 $0x14F00  }
0x208: {  	[tilespmem:s25], [sflag:$0x2] =	stream.indirect_vreg.gather [hbm4b:s5+s2], $0x80, v3, vm1, $0xb8;
	[tilespmem:$0x18300] =	vst v63  }
0x209: {  	v3 =	vld [tilespmem:$0x1E0];
	_ =	sdelay $0x4  }
0x20a: {  	v46 =	vshrl.u32 v3, $0x3  }
0x20b: {  	v4 =	vmul.u32 $0x18, v46  }
0x20c: {  	v3 =	vand.u32 $0x7, v3  }
0x20d: {  	v3 =	vor.u32 v3, v4  }
0x20e: {  	v4 =	vperm.xlane v3, v0;
	_ =	sdelay $0x1  }
0x20f: {  	v4 =	vadd.s32 v1, v4;
	_ =	sdelay $0x1  }
0x210: {  	v3 =	vperm.xlane v3, v2;
	_ =	sdelay $0x1  }
0x211: {  	s25 =	simm.s32 $0x15300;
	v3 =	vadd.s32 v1, v3  }
0x212: {  	[tilespmem:s25], [sflag:$0x2] =	stream.indirect_vreg.gather [hbm4b:s4+s2], $0x80, v4, vm0, $0xb8;
	[tilespmem:$0x18300] =	vst v63  }
0x213: {  	s25 =	simm.s32 $0x15B00  }
0x214: {  	[tilespmem:s25], [sflag:$0x2] =	stream.indirect_vreg.gather [hbm4b:s5+s2], $0x80, v4, vm1, $0xb8;
	[tilespmem:$0x18300] =	vst v63  }
0x215: {  	s25 =	simm.s32 $0x15F00  }
0x216: {  	[tilespmem:s25], [sflag:$0x2] =	stream.indirect_vreg.gather [hbm4b:s4+s2], $0x80, v3, vm0, $0xb8;
	[tilespmem:$0x18300] =	vst v63  }
0x217: {  	s25 =	simm.s32 $0x16700  }
0x218: {  	[tilespmem:s25], [sflag:$0x2] =	stream.indirect_vreg.gather [hbm4b:s5+s2], $0x80, v3, vm1, $0xb8;
	[tilespmem:$0x18300] =	vst v63  }
0x219: {  	v3 =	vld [tilespmem:$0x1F0];
	_ =	sdelay $0x4  }
0x21a: {  	v47 =	vshrl.u32 v3, $0x3  }
0x21b: {  	v4 =	vmul.u32 $0x18, v47  }
0x21c: {  	v3 =	vand.u32 $0x7, v3  }
0x21d: {  	v3 =	vor.u32 v3, v4  }
0x21e: {  	v4 =	vperm.xlane v3, v0;
	_ =	sdelay $0x1  }
0x21f: {  	v4 =	vadd.s32 v1, v4;
	_ =	sdelay $0x1  }
0x220: {  	v3 =	vperm.xlane v3, v2;
	_ =	sdelay $0x1  }
0x221: {  	s25 =	simm.s32 $0x16B00;
	v3 =	vadd.s32 v1, v3  }
0x222: {  	[tilespmem:s25], [sflag:$0x2] =	stream.indirect_vreg.gather [hbm4b:s4+s2], $0x80, v4, vm0, $0xb8;
	[tilespmem:$0x18300] =	vst v63  }
0x223: {  	s25 =	simm.s32 $0x17300  }
0x224: {  	[tilespmem:s25], [sflag:$0x2] =	stream.indirect_vreg.gather [hbm4b:s5+s2], $0x80, v4, vm1, $0xb8;
	[tilespmem:$0x18300] =	vst v63  }
0x225: {  	s25 =	simm.s32 $0x17700  }
0x226: {  	[tilespmem:s25], [sflag:$0x2] =	stream.indirect_vreg.gather [hbm4b:s4+s2], $0x80, v3, vm0, $0xb8;
	[tilespmem:$0x18300] =	vst v63  }
0x227: {  	s25 =	simm.s32 $0x17F00  }
0x228: {  	[tilespmem:s25], [sflag:$0x2] =	stream.indirect_vreg.gather [hbm4b:s5+s2], $0x80, v3, vm1, $0xb8;
	[tilespmem:$0x18300] =	vst v63  }
0x229: {  	_ =	swait.ge [sflag:s21], $0xC000  }
0x22a: {  	[sflag:s21] =	ssyncset.done $0x0  }
0x22b: {  	s25 =	rddreg [dreg:$0x4];
	[sflag:s21] =	ssyncadd.s32 $0xFFFF4000  }
0x22c: {  	[hbm4b:s25+s2] =	stream.linear.scatter [tilespmem:s14], [sflag:$0x3], $0xC000, $0x38;
	[tilespmem:$0x18300] =	vst v63  }
0x22d: {  	_ =	swait.ge [sflag:s22], $0xC000  }
0x22e: {  	[sflag:s22] =	ssyncset.done $0x0  }
0x22f: {  	[sflag:s22] =	ssyncadd.s32 $0xFFFF4000  }
0x230: {  	v3 =	vld [tilespmem:$0x200];
	_ =	sdelay $0x4  }
0x231: {  	v48 =	vshrl.u32 v3, $0x3  }
0x232: {  	v4 =	vmul.u32 $0x18, v48  }
0x233: {  	v3 =	vand.u32 $0x7, v3  }
0x234: {  	v3 =	vor.u32 v3, v4  }
0x235: {  	v4 =	vperm.xlane v3, v0;
	_ =	sdelay $0x1  }
0x236: {  	v4 =	vadd.s32 v1, v4;
	_ =	sdelay $0x1  }
0x237: {  	v3 =	vperm.xlane v3, v2;
	_ =	sdelay $0x1  }
0x238: {  	v3 =	vadd.s32 v1, v3  }
0x239: {  	[tilespmem:s14], [sflag:$0x1] =	stream.indirect_vreg.gather [hbm4b:s4+s2], $0x80, v4, vm0, $0xb8;
	[tilespmem:$0x18300] =	vst v63  }
0x23a: {  	_ = 	snop  }
0x23b: {  	[tilespmem:s26], [sflag:$0x1] =	stream.indirect_vreg.gather [hbm4b:s5+s2], $0x80, v4, vm1, $0xb8;
	[tilespmem:$0x18300] =	vst v63  }
0x23c: {  	_ = 	snop  }
0x23d: {  	[tilespmem:s28], [sflag:$0x1] =	stream.indirect_vreg.gather [hbm4b:s4+s2], $0x80, v3, vm0, $0xb8;
	[tilespmem:$0x18300] =	vst v63  }
0x23e: {  	_ = 	snop  }
0x23f: {  	[tilespmem:s29], [sflag:$0x1] =	stream.indirect_vreg.gather [hbm4b:s5+s2], $0x80, v3, vm1, $0xb8;
	[tilespmem:$0x18300] =	vst v63  }
0x240: {  	v3 =	vld [tilespmem:$0x210];
	_ =	sdelay $0x4  }
0x241: {  	v49 =	vshrl.u32 v3, $0x3  }
0x242: {  	v4 =	vmul.u32 $0x18, v49  }
0x243: {  	v3 =	vand.u32 $0x7, v3  }
0x244: {  	v3 =	vor.u32 v3, v4  }
0x245: {  	v4 =	vperm.xlane v3, v0;
	_ =	sdelay $0x1  }
0x246: {  	v4 =	vadd.s32 v1, v4;
	_ =	sdelay $0x1  }
0x247: {  	v3 =	vperm.xlane v3, v2;
	_ =	sdelay $0x1  }
0x248: {  	v3 =	vadd.s32 v1, v3  }
0x249: {  	[tilespmem:s30], [sflag:$0x1] =	stream.indirect_vreg.gather [hbm4b:s4+s2], $0x80, v4, vm0, $0xb8;
	[tilespmem:$0x18300] =	vst v63  }
0x24a: {  	_ = 	snop  }
0x24b: {  	[tilespmem:s31], [sflag:$0x1] =	stream.indirect_vreg.gather [hbm4b:s5+s2], $0x80, v4, vm1, $0xb8;
	[tilespmem:$0x18300] =	vst v63  }
0x24c: {  	_ = 	snop  }
0x24d: {  	[tilespmem:s1], [sflag:$0x1] =	stream.indirect_vreg.gather [hbm4b:s4+s2], $0x80, v3, vm0, $0xb8;
	[tilespmem:$0x18300] =	vst v63  }
0x24e: {  	s25 =	simm.s32 $0x2F00  }
0x24f: {  	[tilespmem:s25], [sflag:$0x1] =	stream.indirect_vreg.gather [hbm4b:s5+s2], $0x80, v3, vm1, $0xb8;
	[tilespmem:$0x18300] =	vst v63  }
0x250: {  	v3 =	vld [tilespmem:$0x220];
	_ =	sdelay $0x4  }
0x251: {  	v50 =	vshrl.u32 v3, $0x3  }
0x252: {  	v4 =	vmul.u32 $0x18, v50  }
0x253: {  	v3 =	vand.u32 $0x7, v3  }
0x254: {  	v3 =	vor.u32 v3, v4  }
0x255: {  	v4 =	vperm.xlane v3, v0;
	_ =	sdelay $0x1  }
0x256: {  	v4 =	vadd.s32 v1, v4;
	_ =	sdelay $0x1  }
0x257: {  	v3 =	vperm.xlane v3, v2;
	_ =	sdelay $0x1  }
0x258: {  	v3 =	vadd.s32 v1, v3  }
0x259: {  	[tilespmem:s3], [sflag:$0x1] =	stream.indirect_vreg.gather [hbm4b:s4+s2], $0x80, v4, vm0, $0xb8;
	[tilespmem:$0x18300] =	vst v63  }
0x25a: {  	_ = 	snop  }
0x25b: {  	[tilespmem:s7], [sflag:$0x1] =	stream.indirect_vreg.gather [hbm4b:s5+s2], $0x80, v4, vm1, $0xb8;
	[tilespmem:$0x18300] =	vst v63  }
0x25c: {  	_ = 	snop  }
0x25d: {  	[tilespmem:s9], [sflag:$0x1] =	stream.indirect_vreg.gather [hbm4b:s4+s2], $0x80, v3, vm0, $0xb8;
	[tilespmem:$0x18300] =	vst v63  }
0x25e: {  	_ = 	snop  }
0x25f: {  	[tilespmem:s10], [sflag:$0x1] =	stream.indirect_vreg.gather [hbm4b:s5+s2], $0x80, v3, vm1, $0xb8;
	[tilespmem:$0x18300] =	vst v63  }
0x260: {  	v3 =	vld [tilespmem:$0x230];
	_ =	sdelay $0x4  }
0x261: {  	v51 =	vshrl.u32 v3, $0x3  }
0x262: {  	v4 =	vmul.u32 $0x18, v51  }
0x263: {  	v3 =	vand.u32 $0x7, v3  }
0x264: {  	v3 =	vor.u32 v3, v4  }
0x265: {  	v4 =	vperm.xlane v3, v0;
	_ =	sdelay $0x1  }
0x266: {  	v4 =	vadd.s32 v1, v4;
	_ =	sdelay $0x1  }
0x267: {  	v3 =	vperm.xlane v3, v2;
	_ =	sdelay $0x1  }
0x268: {  	v3 =	vadd.s32 v1, v3  }
0x269: {  	[tilespmem:s11], [sflag:$0x1] =	stream.indirect_vreg.gather [hbm4b:s4+s2], $0x80, v4, vm0, $0xb8;
	[tilespmem:$0x18300] =	vst v63  }
0x26a: {  	_ = 	snop  }
0x26b: {  	[tilespmem:s12], [sflag:$0x1] =	stream.indirect_vreg.gather [hbm4b:s5+s2], $0x80, v4, vm1, $0xb8;
	[tilespmem:$0x18300] =	vst v63  }
0x26c: {  	_ = 	snop  }
0x26d: {  	[tilespmem:s13], [sflag:$0x1] =	stream.indirect_vreg.gather [hbm4b:s4+s2], $0x80, v3, vm0, $0xb8;
	[tilespmem:$0x18300] =	vst v63  }
0x26e: {  	_ = 	snop  }
0x26f: {  	[tilespmem:s15], [sflag:$0x1] =	stream.indirect_vreg.gather [hbm4b:s5+s2], $0x80, v3, vm1, $0xb8;
	[tilespmem:$0x18300] =	vst v63  }
0x270: {  	v3 =	vld [tilespmem:$0x240];
	_ =	sdelay $0x4  }
0x271: {  	v52 =	vshrl.u32 v3, $0x3  }
0x272: {  	v4 =	vmul.u32 $0x18, v52  }
0x273: {  	v3 =	vand.u32 $0x7, v3  }
0x274: {  	v3 =	vor.u32 v3, v4  }
0x275: {  	v4 =	vperm.xlane v3, v0;
	_ =	sdelay $0x1  }
0x276: {  	v4 =	vadd.s32 v1, v4;
	_ =	sdelay $0x1  }
0x277: {  	v3 =	vperm.xlane v3, v2;
	_ =	sdelay $0x1  }
0x278: {  	v3 =	vadd.s32 v1, v3  }
0x279: {  	[tilespmem:s16], [sflag:$0x1] =	stream.indirect_vreg.gather [hbm4b:s4+s2], $0x80, v4, vm0, $0xb8;
	[tilespmem:$0x18300] =	vst v63  }
0x27a: {  	_ = 	snop  }
0x27b: {  	[tilespmem:s17], [sflag:$0x1] =	stream.indirect_vreg.gather [hbm4b:s5+s2], $0x80, v4, vm1, $0xb8;
	[tilespmem:$0x18300] =	vst v63  }
0x27c: {  	_ = 	snop  }
0x27d: {  	[tilespmem:s18], [sflag:$0x1] =	stream.indirect_vreg.gather [hbm4b:s4+s2], $0x80, v3, vm0, $0xb8;
	[tilespmem:$0x18300] =	vst v63  }
0x27e: {  	_ = 	snop  }
0x27f: {  	[tilespmem:s19], [sflag:$0x1] =	stream.indirect_vreg.gather [hbm4b:s5+s2], $0x80, v3, vm1, $0xb8;
	[tilespmem:$0x18300] =	vst v63  }
0x280: {  	v3 =	vld [tilespmem:$0x250];
	_ =	sdelay $0x4  }
0x281: {  	v53 =	vshrl.u32 v3, $0x3  }
0x282: {  	v4 =	vmul.u32 $0x18, v53  }
0x283: {  	v3 =	vand.u32 $0x7, v3  }
0x284: {  	v3 =	vor.u32 v3, v4  }
0x285: {  	v4 =	vperm.xlane v3, v0;
	_ =	sdelay $0x1  }
0x286: {  	v4 =	vadd.s32 v1, v4;
	_ =	sdelay $0x1  }
0x287: {  	v3 =	vperm.xlane v3, v2;
	_ =	sdelay $0x1  }
0x288: {  	v3 =	vadd.s32 v1, v3  }
0x289: {  	[tilespmem:s20], [sflag:$0x1] =	stream.indirect_vreg.gather [hbm4b:s4+s2], $0x80, v4, vm0, $0xb8;
	[tilespmem:$0x18300] =	vst v63  }
0x28a: {  	_ = 	snop  }
0x28b: {  	[tilespmem:s8], [sflag:$0x1] =	stream.indirect_vreg.gather [hbm4b:s5+s2], $0x80, v4, vm1, $0xb8;
	[tilespmem:$0x18300] =	vst v63  }
0x28c: {  	s25 =	simm.s32 $0x8700  }
0x28d: {  	[tilespmem:s25], [sflag:$0x1] =	stream.indirect_vreg.gather [hbm4b:s4+s2], $0x80, v3, vm0, $0xb8;
	[tilespmem:$0x18300] =	vst v63  }
0x28e: {  	s25 =	simm.s32 $0x8F00  }
0x28f: {  	[tilespmem:s25], [sflag:$0x1] =	stream.indirect_vreg.gather [hbm4b:s5+s2], $0x80, v3, vm1, $0xb8;
	[tilespmem:$0x18300] =	vst v63  }
0x290: {  	v3 =	vld [tilespmem:$0x260];
	_ =	sdelay $0x4  }
0x291: {  	v54 =	vshrl.u32 v3, $0x3  }
0x292: {  	v4 =	vmul.u32 $0x18, v54  }
0x293: {  	v3 =	vand.u32 $0x7, v3  }
0x294: {  	v3 =	vor.u32 v3, v4  }
0x295: {  	v4 =	vperm.xlane v3, v0;
	_ =	sdelay $0x1  }
0x296: {  	v4 =	vadd.s32 v1, v4;
	_ =	sdelay $0x1  }
0x297: {  	v3 =	vperm.xlane v3, v2;
	_ =	sdelay $0x1  }
0x298: {  	s25 =	simm.s32 $0x9300;
	v3 =	vadd.s32 v1, v3  }
0x299: {  	[tilespmem:s25], [sflag:$0x1] =	stream.indirect_vreg.gather [hbm4b:s4+s2], $0x80, v4, vm0, $0xb8;
	[tilespmem:$0x18300] =	vst v63  }
0x29a: {  	s25 =	simm.s32 $0x9B00  }
0x29b: {  	[tilespmem:s25], [sflag:$0x1] =	stream.indirect_vreg.gather [hbm4b:s5+s2], $0x80, v4, vm1, $0xb8;
	[tilespmem:$0x18300] =	vst v63  }
0x29c: {  	s25 =	simm.s32 $0x9F00  }
0x29d: {  	[tilespmem:s25], [sflag:$0x1] =	stream.indirect_vreg.gather [hbm4b:s4+s2], $0x80, v3, vm0, $0xb8;
	[tilespmem:$0x18300] =	vst v63  }
0x29e: {  	s25 =	simm.s32 $0xA700  }
0x29f: {  	[tilespmem:s25], [sflag:$0x1] =	stream.indirect_vreg.gather [hbm4b:s5+s2], $0x80, v3, vm1, $0xb8;
	[tilespmem:$0x18300] =	vst v63  }
0x2a0: {  	v3 =	vld [tilespmem:$0x270];
	_ =	sdelay $0x4  }
0x2a1: {  	v55 =	vshrl.u32 v3, $0x3  }
0x2a2: {  	v4 =	vmul.u32 $0x18, v55  }
0x2a3: {  	v3 =	vand.u32 $0x7, v3  }
0x2a4: {  	v3 =	vor.u32 v3, v4  }
0x2a5: {  	v4 =	vperm.xlane v3, v0;
	_ =	sdelay $0x1  }
0x2a6: {  	v4 =	vadd.s32 v1, v4;
	_ =	sdelay $0x1  }
0x2a7: {  	v3 =	vperm.xlane v3, v2;
	_ =	sdelay $0x1  }
0x2a8: {  	s25 =	simm.s32 $0xAB00;
	v3 =	vadd.s32 v1, v3  }
0x2a9: {  	[tilespmem:s25], [sflag:$0x1] =	stream.indirect_vreg.gather [hbm4b:s4+s2], $0x80, v4, vm0, $0xb8;
	[tilespmem:$0x18300] =	vst v63  }
0x2aa: {  	s25 =	simm.s32 $0xB300  }
0x2ab: {  	[tilespmem:s25], [sflag:$0x1] =	stream.indirect_vreg.gather [hbm4b:s5+s2], $0x80, v4, vm1, $0xb8;
	[tilespmem:$0x18300] =	vst v63  }
0x2ac: {  	s25 =	simm.s32 $0xB700  }
0x2ad: {  	[tilespmem:s25], [sflag:$0x1] =	stream.indirect_vreg.gather [hbm4b:s4+s2], $0x80, v3, vm0, $0xb8;
	[tilespmem:$0x18300] =	vst v63  }
0x2ae: {  	s25 =	simm.s32 $0xBF00  }
0x2af: {  	[tilespmem:s25], [sflag:$0x1] =	stream.indirect_vreg.gather [hbm4b:s5+s2], $0x80, v3, vm1, $0xb8;
	[tilespmem:$0x18300] =	vst v63  }
0x2b0: {  	_ =	swait.ge [sflag:s23], $0xC000  }
0x2b1: {  	[sflag:s23] =	ssyncset.done $0x0  }
0x2b2: {  	s1 =	rddreg [dreg:$0x5];
	[sflag:s23] =	ssyncadd.s32 $0xFFFF4000  }
0x2b3: {  	[hbm4b:s1+s2] =	stream.linear.scatter [tilespmem:s0], [sflag:$0x4], $0xC000, $0x38;
	[tilespmem:$0x18300] =	vst v63  }
0x2b4: {  	_ =	swait.ge [sflag:s24], $0xC000  }
0x2b5: {  	[sflag:s24] =	ssyncset.done $0x0  }
0x2b6: {  	[sflag:s24] =	ssyncadd.s32 $0xFFFF4000  }
0x2b7: {  	v3 =	vld [tilespmem:$0x280];
	_ =	sdelay $0x4  }
0x2b8: {  	v56 =	vshrl.u32 v3, $0x3  }
0x2b9: {  	v4 =	vmul.u32 $0x18, v56  }
0x2ba: {  	v3 =	vand.u32 $0x7, v3  }
0x2bb: {  	v3 =	vor.u32 v3, v4  }
0x2bc: {  	v4 =	vperm.xlane v3, v0;
	_ =	sdelay $0x1  }
0x2bd: {  	v4 =	vadd.s32 v1, v4;
	_ =	sdelay $0x1  }
0x2be: {  	v3 =	vperm.xlane v3, v2;
	_ =	sdelay $0x1  }
0x2bf: {  	v3 =	vadd.s32 v1, v3  }
0x2c0: {  	[tilespmem:s0], [sflag:$0x2] =	stream.indirect_vreg.gather [hbm4b:s4+s2], $0x80, v4, vm0, $0xb8;
	[tilespmem:$0x18300] =	vst v63  }
0x2c1: {  	s25 =	simm.s32 $0xCB00  }
0x2c2: {  	[tilespmem:s25], [sflag:$0x2] =	stream.indirect_vreg.gather [hbm4b:s5+s2], $0x80, v4, vm1, $0xb8;
	[tilespmem:$0x18300] =	vst v63  }
0x2c3: {  	s25 =	simm.s32 $0xCF00  }
0x2c4: {  	[tilespmem:s25], [sflag:$0x2] =	stream.indirect_vreg.gather [hbm4b:s4+s2], $0x80, v3, vm0, $0xb8;
	[tilespmem:$0x18300] =	vst v63  }
0x2c5: {  	s25 =	simm.s32 $0xD700  }
0x2c6: {  	[tilespmem:s25], [sflag:$0x2] =	stream.indirect_vreg.gather [hbm4b:s5+s2], $0x80, v3, vm1, $0xb8;
	[tilespmem:$0x18300] =	vst v63  }
0x2c7: {  	v3 =	vld [tilespmem:$0x290];
	_ =	sdelay $0x4  }
0x2c8: {  	v57 =	vshrl.u32 v3, $0x3  }
0x2c9: {  	v4 =	vmul.u32 $0x18, v57  }
0x2ca: {  	v3 =	vand.u32 $0x7, v3  }
0x2cb: {  	v3 =	vor.u32 v3, v4  }
0x2cc: {  	v4 =	vperm.xlane v3, v0;
	_ =	sdelay $0x1  }
0x2cd: {  	v4 =	vadd.s32 v1, v4;
	_ =	sdelay $0x1  }
0x2ce: {  	v3 =	vperm.xlane v3, v2;
	_ =	sdelay $0x1  }
0x2cf: {  	s25 =	simm.s32 $0xDB00;
	v3 =	vadd.s32 v1, v3  }
0x2d0: {  	[tilespmem:s25], [sflag:$0x2] =	stream.indirect_vreg.gather [hbm4b:s4+s2], $0x80, v4, vm0, $0xb8;
	[tilespmem:$0x18300] =	vst v63  }
0x2d1: {  	s25 =	simm.s32 $0xE300  }
0x2d2: {  	[tilespmem:s25], [sflag:$0x2] =	stream.indirect_vreg.gather [hbm4b:s5+s2], $0x80, v4, vm1, $0xb8;
	[tilespmem:$0x18300] =	vst v63  }
0x2d3: {  	s25 =	simm.s32 $0xE700  }
0x2d4: {  	[tilespmem:s25], [sflag:$0x2] =	stream.indirect_vreg.gather [hbm4b:s4+s2], $0x80, v3, vm0, $0xb8;
	[tilespmem:$0x18300] =	vst v63  }
0x2d5: {  	s25 =	simm.s32 $0xEF00  }
0x2d6: {  	[tilespmem:s25], [sflag:$0x2] =	stream.indirect_vreg.gather [hbm4b:s5+s2], $0x80, v3, vm1, $0xb8;
	[tilespmem:$0x18300] =	vst v63  }
0x2d7: {  	v3 =	vld [tilespmem:$0x2A0];
	_ =	sdelay $0x4  }
0x2d8: {  	v58 =	vshrl.u32 v3, $0x3  }
0x2d9: {  	v4 =	vmul.u32 $0x18, v58  }
0x2da: {  	v3 =	vand.u32 $0x7, v3  }
0x2db: {  	v3 =	vor.u32 v3, v4  }
0x2dc: {  	v4 =	vperm.xlane v3, v0;
	_ =	sdelay $0x1  }
0x2dd: {  	v4 =	vadd.s32 v1, v4;
	_ =	sdelay $0x1  }
0x2de: {  	v3 =	vperm.xlane v3, v2;
	_ =	sdelay $0x1  }
0x2df: {  	s25 =	simm.s32 $0xF300;
	v3 =	vadd.s32 v1, v3  }
0x2e0: {  	[tilespmem:s25], [sflag:$0x2] =	stream.indirect_vreg.gather [hbm4b:s4+s2], $0x80, v4, vm0, $0xb8;
	[tilespmem:$0x18300] =	vst v63  }
0x2e1: {  	s25 =	simm.s32 $0xFB00  }
0x2e2: {  	[tilespmem:s25], [sflag:$0x2] =	stream.indirect_vreg.gather [hbm4b:s5+s2], $0x80, v4, vm1, $0xb8;
	[tilespmem:$0x18300] =	vst v63  }
0x2e3: {  	s25 =	simm.s32 $0xFF00  }
0x2e4: {  	[tilespmem:s25], [sflag:$0x2] =	stream.indirect_vreg.gather [hbm4b:s4+s2], $0x80, v3, vm0, $0xb8;
	[tilespmem:$0x18300] =	vst v63  }
0x2e5: {  	s25 =	simm.s32 $0x10700  }
0x2e6: {  	[tilespmem:s25], [sflag:$0x2] =	stream.indirect_vreg.gather [hbm4b:s5+s2], $0x80, v3, vm1, $0xb8;
	[tilespmem:$0x18300] =	vst v63  }
0x2e7: {  	v3 =	vld [tilespmem:$0x2B0];
	_ =	sdelay $0x4  }
0x2e8: {  	v59 =	vshrl.u32 v3, $0x3  }
0x2e9: {  	v4 =	vmul.u32 $0x18, v59  }
0x2ea: {  	v3 =	vand.u32 $0x7, v3  }
0x2eb: {  	v3 =	vor.u32 v3, v4  }
0x2ec: {  	v4 =	vperm.xlane v3, v0;
	_ =	sdelay $0x1  }
0x2ed: {  	v4 =	vadd.s32 v1, v4;
	_ =	sdelay $0x1  }
0x2ee: {  	v3 =	vperm.xlane v3, v2;
	_ =	sdelay $0x1  }
0x2ef: {  	s25 =	simm.s32 $0x10B00;
	v3 =	vadd.s32 v1, v3  }
0x2f0: {  	[tilespmem:s25], [sflag:$0x2] =	stream.indirect_vreg.gather [hbm4b:s4+s2], $0x80, v4, vm0, $0xb8;
	[tilespmem:$0x18300] =	vst v63  }
0x2f1: {  	s25 =	simm.s32 $0x11300  }
0x2f2: {  	[tilespmem:s25], [sflag:$0x2] =	stream.indirect_vreg.gather [hbm4b:s5+s2], $0x80, v4, vm1, $0xb8;
	[tilespmem:$0x18300] =	vst v63  }
0x2f3: {  	s25 =	simm.s32 $0x11700  }
0x2f4: {  	[tilespmem:s25], [sflag:$0x2] =	stream.indirect_vreg.gather [hbm4b:s4+s2], $0x80, v3, vm0, $0xb8;
	[tilespmem:$0x18300] =	vst v63  }
0x2f5: {  	s25 =	simm.s32 $0x11F00  }
0x2f6: {  	[tilespmem:s25], [sflag:$0x2] =	stream.indirect_vreg.gather [hbm4b:s5+s2], $0x80, v3, vm1, $0xb8;
	[tilespmem:$0x18300] =	vst v63  }
0x2f7: {  	v3 =	vld [tilespmem:$0x2C0];
	_ =	sdelay $0x4  }
0x2f8: {  	v60 =	vshrl.u32 v3, $0x3  }
0x2f9: {  	v4 =	vmul.u32 $0x18, v60  }
0x2fa: {  	v3 =	vand.u32 $0x7, v3  }
0x2fb: {  	v3 =	vor.u32 v3, v4  }
0x2fc: {  	v4 =	vperm.xlane v3, v0;
	_ =	sdelay $0x1  }
0x2fd: {  	v4 =	vadd.s32 v1, v4;
	_ =	sdelay $0x1  }
0x2fe: {  	v3 =	vperm.xlane v3, v2;
	_ =	sdelay $0x1  }
0x2ff: {  	s25 =	simm.s32 $0x12300;
	v3 =	vadd.s32 v1, v3  }
0x300: {  	[tilespmem:s25], [sflag:$0x2] =	stream.indirect_vreg.gather [hbm4b:s4+s2], $0x80, v4, vm0, $0xb8;
	[tilespmem:$0x18300] =	vst v63  }
0x301: {  	s25 =	simm.s32 $0x12B00  }
0x302: {  	[tilespmem:s25], [sflag:$0x2] =	stream.indirect_vreg.gather [hbm4b:s5+s2], $0x80, v4, vm1, $0xb8;
	[tilespmem:$0x18300] =	vst v63  }
0x303: {  	s25 =	simm.s32 $0x12F00  }
0x304: {  	[tilespmem:s25], [sflag:$0x2] =	stream.indirect_vreg.gather [hbm4b:s4+s2], $0x80, v3, vm0, $0xb8;
	[tilespmem:$0x18300] =	vst v63  }
0x305: {  	s25 =	simm.s32 $0x13700  }
0x306: {  	[tilespmem:s25], [sflag:$0x2] =	stream.indirect_vreg.gather [hbm4b:s5+s2], $0x80, v3, vm1, $0xb8;
	[tilespmem:$0x18300] =	vst v63  }
0x307: {  	v3 =	vld [tilespmem:$0x2D0];
	_ =	sdelay $0x4  }
0x308: {  	v61 =	vshrl.u32 v3, $0x3  }
0x309: {  	v4 =	vmul.u32 $0x18, v61  }
0x30a: {  	v3 =	vand.u32 $0x7, v3  }
0x30b: {  	v3 =	vor.u32 v3, v4  }
0x30c: {  	v4 =	vperm.xlane v3, v0;
	_ =	sdelay $0x1  }
0x30d: {  	v4 =	vadd.s32 v1, v4;
	_ =	sdelay $0x1  }
0x30e: {  	v3 =	vperm.xlane v3, v2;
	_ =	sdelay $0x1  }
0x30f: {  	s25 =	simm.s32 $0x13B00;
	v3 =	vadd.s32 v1, v3  }
0x310: {  	[tilespmem:s25], [sflag:$0x2] =	stream.indirect_vreg.gather [hbm4b:s4+s2], $0x80, v4, vm0, $0xb8;
	[tilespmem:$0x18300] =	vst v63  }
0x311: {  	s25 =	simm.s32 $0x14300  }
0x312: {  	[tilespmem:s25], [sflag:$0x2] =	stream.indirect_vreg.gather [hbm4b:s5+s2], $0x80, v4, vm1, $0xb8;
	[tilespmem:$0x18300] =	vst v63  }
0x313: {  	s25 =	simm.s32 $0x14700  }
0x314: {  	[tilespmem:s25], [sflag:$0x2] =	stream.indirect_vreg.gather [hbm4b:s4+s2], $0x80, v3, vm0, $0xb8;
	[tilespmem:$0x18300] =	vst v63  }
0x315: {  	s25 =	simm.s32 $0x14F00  }
0x316: {  	[tilespmem:s25], [sflag:$0x2] =	stream.indirect_vreg.gather [hbm4b:s5+s2], $0x80, v3, vm1, $0xb8;
	[tilespmem:$0x18300] =	vst v63  }
0x317: {  	v3 =	vld [tilespmem:$0x2E0];
	_ =	sdelay $0x4  }
0x318: {  	v62 =	vshrl.u32 v3, $0x3  }
0x319: {  	v4 =	vmul.u32 $0x18, v62  }
0x31a: {  	v3 =	vand.u32 $0x7, v3  }
0x31b: {  	v3 =	vor.u32 v3, v4  }
0x31c: {  	v4 =	vperm.xlane v3, v0;
	_ =	sdelay $0x1  }
0x31d: {  	v4 =	vadd.s32 v1, v4;
	_ =	sdelay $0x1  }
0x31e: {  	v3 =	vperm.xlane v3, v2;
	_ =	sdelay $0x1  }
0x31f: {  	s25 =	simm.s32 $0x15300;
	v3 =	vadd.s32 v1, v3  }
0x320: {  	[tilespmem:s25], [sflag:$0x2] =	stream.indirect_vreg.gather [hbm4b:s4+s2], $0x80, v4, vm0, $0xb8;
	[tilespmem:$0x18300] =	vst v63  }
0x321: {  	s25 =	simm.s32 $0x15B00  }
0x322: {  	[tilespmem:s25], [sflag:$0x2] =	stream.indirect_vreg.gather [hbm4b:s5+s2], $0x80, v4, vm1, $0xb8;
	[tilespmem:$0x18300] =	vst v63  }
0x323: {  	s25 =	simm.s32 $0x15F00  }
0x324: {  	[tilespmem:s25], [sflag:$0x2] =	stream.indirect_vreg.gather [hbm4b:s4+s2], $0x80, v3, vm0, $0xb8;
	[tilespmem:$0x18300] =	vst v63  }
0x325: {  	s25 =	simm.s32 $0x16700  }
0x326: {  	[tilespmem:s25], [sflag:$0x2] =	stream.indirect_vreg.gather [hbm4b:s5+s2], $0x80, v3, vm1, $0xb8;
	[tilespmem:$0x18300] =	vst v63  }
0x327: {  	v3 =	vld [tilespmem:$0x2F0];
	_ =	sdelay $0x4  }
0x328: {  	v63 =	vshrl.u32 v3, $0x3  }
0x329: {  	v4 =	vmul.u32 $0x18, v63  }
0x32a: {  	v3 =	vand.u32 $0x7, v3  }
0x32b: {  	v3 =	vor.u32 v3, v4  }
0x32c: {  	v4 =	vperm.xlane v3, v0;
	_ =	sdelay $0x1  }
0x32d: {  	v4 =	vadd.s32 v1, v4;
	_ =	sdelay $0x1  }
0x32e: {  	v3 =	vperm.xlane v3, v2;
	_ =	sdelay $0x1  }
0x32f: {  	s25 =	simm.s32 $0x16B00;
	v3 =	vadd.s32 v1, v3  }
0x330: {  	[tilespmem:s25], [sflag:$0x2] =	stream.indirect_vreg.gather [hbm4b:s4+s2], $0x80, v4, vm0, $0xb8;
	[tilespmem:$0x18300] =	vst v63  }
0x331: {  	s25 =	simm.s32 $0x17300  }
0x332: {  	[tilespmem:s25], [sflag:$0x2] =	stream.indirect_vreg.gather [hbm4b:s5+s2], $0x80, v4, vm1, $0xb8;
	[tilespmem:$0x18300] =	vst v63  }
0x333: {  	s25 =	simm.s32 $0x17700  }
0x334: {  	[tilespmem:s25], [sflag:$0x2] =	stream.indirect_vreg.gather [hbm4b:s4+s2], $0x80, v3, vm0, $0xb8;
	[tilespmem:$0x18300] =	vst v63  }
0x335: {  	s25 =	simm.s32 $0x17F00  }
0x336: {  	[tilespmem:s25], [sflag:$0x2] =	stream.indirect_vreg.gather [hbm4b:s5+s2], $0x80, v3, vm1, $0xb8;
	[tilespmem:$0x18300] =	vst v63  }
0x337: {  	_ =	swait.ge [sflag:s21], $0xC000  }
0x338: {  	[sflag:s21] =	ssyncset.done $0x0  }
0x339: {  	s1 =	rddreg [dreg:$0x6];
	[sflag:s21] =	ssyncadd.s32 $0xFFFF4000  }
0x33a: {  	[hbm4b:s1+s2] =	stream.linear.scatter [tilespmem:s14], [sflag:$0x3], $0xC000, $0x38;
	[tilespmem:$0x18300] =	vst v63  }
0x33b: {  	_ =	swait.ge [sflag:s23], $0xC000  }
0x33c: {  	[sflag:s23] =	ssyncset.done $0x0  }
0x33d: {  	s1 =	rddreg [dreg:$0x7];
	[sflag:s23] =	ssyncadd.s32 $0xFFFF4000  }
0x33e: {  	[hbm4b:s1+s2] =	stream.linear.scatter [tilespmem:s0], [sflag:$0x4], $0xC000, $0x38;
	[tilespmem:$0x18300] =	vst v63  }
0x33f: {  	p0 =	sne.s32 s6, $0x1;
	_ =	swait.ge [sflag:s22], $0xC000  }
.Ltmp0:
0x340: {  	[sflag:s22] =	ssyncset.done $0x0;
	(pc) =	sbr.rel @p0 .LBB2_1-.Ltmp0, $4  }
0x341: {  	[sflag:s22] =	ssyncadd.s32 $0xFFFF4000  }
0x342: {  	_ =	swait.ge [sflag:s24], $0xC000  }
0x343: {  	[sflag:s24] =	ssyncset.done $0x0  }
0x344: {  	s6 =	sadd.s32 $0xFFFFFFFF, s6;
	[sflag:s24] =	ssyncadd.s32 $0xFFFF4000  }
0x345: {  	_ =	sfence.sel $0x180000  }
0x346: {  	[bflag:$0x0] =	sbarrier.arrive $0xFFFF  }
0x347: {  	_ =	strace $0x9000004A  }
0x348: {  	s0 =	stileid.u32;
	[bflag:$0x2] =	sbarrier.arrive $0xFFFF  }
0x349: {  	p0 =	sne.s32 s0, $0x0;
	s0 =	rddreg [dreg:$0x1]  }
0x34a: {  	s0 =	sadd.s32 @!p0 $0x100000, s0  }
0x34b: {  	[sflag:s0] =	ssyncadd.tile.s32 @!p0 $0x1;
	_ =	shalt  }
.Lfunc_end2:
_tile_overlayer_lowered:
.L_overlay_start_2:
0x34c: {  	(tag) =	ssettag $0x2  }
0x34d: {  	s0 =	rddreg [dreg:$0x0];
	s2 =	stileid.u32  }
0x34e: {  	s1 =	rddreg [dreg:$0x1];
	p0 =	sne.s32 s2, $0x0  }
0x34f: {  	s3 =	rddreg [dreg:$0x2];
	[bflag:$0x3] =	sbarrier.arrive $0xFFFF;
	s2 =	simm.s32 @!p0 $0x1C05  }
0x350: {  	[timem:s3], [sflag:s2] =	dma.local @!p0 [hbm:s0], s1  }
0x351: {  	s0 =	simm.s32 @!p0 $0x5  }
0x352: {  	_ =	swait.ge @!p0 [sflag:s0], s1  }
0x353: {  	s1 =	ssub.s32 @!p0 $0x0, s1;
	[sflag:s0] =	ssyncset.done @!p0 $0x0  }
0x354: {  	[sflag:s0] =	ssyncadd.s32 @!p0 s1  }
0x355: {  	[bflag:$0x3] =	sbarrier.arrive $0xFFFF  }
0x356: {  	_ =	shalt  }

// kernel: kernel.7.cloned.1.call-start
scs
__scs_entry_jumppad:
0x0: {  	(pc) =	sbr.rel $0x88, $3  }
0x1: {  	(tag) =	ssettag $0x0;
	lr =	simm.s32 $0x1  }
0x2: {  	[smem:$0x3F9F] =	sst lr;
	_ =	strace $0xD0000000  }
0x3: {  	_ = 	snop  }
0x4: {  	_ = 	snop  }
0x5: {  	_ = 	snop  }
0x6: {  	_ = 	snop  }
0x7: {  	_ = 	snop  }
__scs_overlays_trampoline_lowered:
0x8: {  	[smem:$0x3FAE] =	sst s0  }
0x9: {  	[smem:$0x3FAF] =	sst s1  }
0xa: {  	[smem:$0x3FB0] =	sst s2  }
0xb: {  	[smem:$0x3FB1] =	sst s3  }
0xc: {  	[smem:$0x3FB2] =	sst s4  }
0xd: {  	[smem:$0x3FB3] =	sst s5  }
0xe: {  	[smem:$0x3FB4] =	sst s6  }
0xf: {  	[smem:$0x3FB5] =	sst s7  }
0x10: {  	[smem:$0x3FB6] =	sst s8  }
0x11: {  	[smem:$0x3FB7] =	sst s9;
	s0 =	simm.s32 @!p0 $0x0  }
0x12: {  	s1 =	sld [smem:$0x3F9D];
	s0 =	simm.s32 @p0 $0x1  }
0x13: {  	[smem:$0x3FB8] =	sst s0;
	s0 =	simm.s32 @!p1 $0x0  }
0x14: {  	s2 =	sld [smem:$0x3F9C];
	s0 =	simm.s32 @p1 $0x1  }
0x15: {  	[smem:$0x3FB9] =	sst s0;
	s0 =	simm.s32 @!p2 $0x0  }
0x16: {  	s3 =	sld [smem:$0x3FDB];
	s0 =	simm.s32 @p2 $0x1  }
0x17: {  	s4 =	simm.s32 $0x1BF5;
	[smem:$0x3FBB] =	sst s0  }
0x18: {  	s0 =	sld [smem:$0x3F9E];
	_ =	swait.ge [sflag:s4], $0x0  }
0x19: {  	s7 =	sld [smem:$0x3F9F]  }
0x1a: {  	s8 =	sadd.s32 $0xFFFFE003, lr  }
0x1b: {  	s9 =	sadd.s32 $0xFFFFFEF7, lr;
	s5 =	simm.s32 $0xFFFFFFFF;
	p2 =	slt.u32 s8, $0xFFFFF086  }
0x1c: {  	p1 =	slt.u32 s9, $0xF7A;
	s5 =	simm.s32 @!p2 $0x0  }
0x1d: {  	s5 =	simm.s32 @p1 $0x1;
	p0 =	seq.s32 s7, s2  }
0x1e: {  	s7 =	smul.u32 @!p0 $0xF7A, s2;
	p2 =	seq.s32 @!p0 s5, $0x0  }
0x1f: {  	s9 =	smul.u32 $0xF7A, s1;
	s8 =	simm.s32 @!p0 $0x1BF5;
	p2 =	por !p2, p0  }
0x20: {  	[sflag:s8] =	ssyncset.s32 @!p0 $0xFFFFF086;
	s6 =	sadd.s32 @!p0 s3, s7;
	s7 =	simm.s32 @!p0 $0x108  }
0x21: {  	s3 =	sadd.s32 s3, s9;
	s6 =	sadd.s32 @!p0 $0x88, s6;
	s7 =	simm.s32 @p2 $0x1082  }
0x22: {  	[simem:s7], [sflag:s8] =	dma.local @!p0 [hbm:s6], $0xF7A  }
0x23: {  	s9 =	sor.u32 $0xD0000000, s2;
	s6 =	simm.s32 $0x108;
	_ =	swait.ge @!p0 [sflag:s8], $0x0  }
0x24: {  	s3 =	sadd.s32 $0x88, s3;
	s6 =	simm.s32 @!p1 $0x1082;
	[sflag:s4] =	ssyncset.s32 $0xFFFFF086  }
0x25: {  	[simem:s6], [sflag:s4] =	dma.local [hbm:s3], $0xF7A  }
0x26: {  	[smem:$0x3F9F] =	sst s1;
	(tag) =	ssettag s2;
	_ =	strace s9  }
0x27: {  	s1 =	sld [smem:$0x3FAF]  }
0x28: {  	s2 =	sld [smem:$0x3FB0]  }
0x29: {  	s4 =	sld [smem:$0x3FB2]  }
0x2a: {  	p0 =	seq.s32 s5, $0x0;
	s5 =	sld [smem:$0x3FB3]  }
0x2b: {  	s6 =	sld [smem:$0x3FB4]  }
0x2c: {  	s7 =	sld [smem:$0x3FB5]  }
0x2d: {  	s3 =	simm.s32 $0x108;
	s8 =	sld [smem:$0x3FB6]  }
0x2e: {  	s3 =	simm.s32 @!p0 $0x1082;
	s9 =	sld [smem:$0x3FB7]  }
0x2f: {  	lr =	sadd.s32 s0, s3;
	s0 =	sld [smem:$0x3FAE]  }
0x30: {  	s3 =	sld [smem:$0x3FB1]  }
0x31: {  	[smem:$0x3FBA] =	sst s10  }
0x32: {  	s10 =	sld [smem:$0x3FB8];
	_ =	sdelay $0x3  }
0x33: {  	p0 =	seq.s32 s10, $0x1;
	s10 =	sld [smem:$0x3FBA];
	_ =	sdelay $0x3  }
0x34: {  	[smem:$0x3FBA] =	sst s10  }
0x35: {  	s10 =	sld [smem:$0x3FB9];
	_ =	sdelay $0x3  }
0x36: {  	p1 =	seq.s32 s10, $0x1;
	s10 =	sld [smem:$0x3FBA];
	_ =	sdelay $0x3  }
0x37: {  	[smem:$0x3FBA] =	sst s10  }
0x38: {  	s10 =	sld [smem:$0x3FBB]  }
0x39: {  	_ = 	snop;
	(pc) =	sbr.ind lr, $3  }
0x3a: {  	_ = 	snop  }
0x3b: {  	_ = 	snop  }
0x3c: {  	p2 =	seq.s32 s10, $0x1;
	s10 =	sld [smem:$0x3FBA]  }
0x3d: {  	_ =	shalt  }
0x3e: {  	_ =	shalt  }
0x3f: {  	_ =	shalt  }
0x40: {  	_ =	shalt  }
0x41: {  	_ =	shalt  }
0x42: {  	_ =	shalt  }
0x43: {  	_ =	shalt  }
0x44: {  	_ =	shalt  }
0x45: {  	_ =	shalt  }
0x46: {  	_ =	shalt  }
0x47: {  	_ =	shalt  }
0x48: {  	_ =	shalt  }
0x49: {  	_ =	shalt  }
0x4a: {  	_ =	shalt  }
0x4b: {  	_ =	shalt  }
0x4c: {  	_ =	shalt  }
0x4d: {  	_ =	shalt  }
0x4e: {  	_ =	shalt  }
0x4f: {  	_ =	shalt  }
0x50: {  	_ =	shalt  }
0x51: {  	_ =	shalt  }
0x52: {  	_ =	shalt  }
0x53: {  	_ =	shalt  }
0x54: {  	_ =	shalt  }
0x55: {  	_ =	shalt  }
0x56: {  	_ =	shalt  }
0x57: {  	_ =	shalt  }
0x58: {  	_ =	shalt  }
0x59: {  	_ =	shalt  }
0x5a: {  	_ =	shalt  }
0x5b: {  	_ =	shalt  }
0x5c: {  	_ =	shalt  }
0x5d: {  	_ =	shalt  }
0x5e: {  	_ =	shalt  }
0x5f: {  	_ =	shalt  }
0x60: {  	_ =	shalt  }
0x61: {  	_ =	shalt  }
0x62: {  	_ =	shalt  }
0x63: {  	_ =	shalt  }
0x64: {  	_ =	shalt  }
0x65: {  	_ =	shalt  }
0x66: {  	_ =	shalt  }
0x67: {  	_ =	shalt  }
0x68: {  	_ =	shalt  }
0x69: {  	_ =	shalt  }
0x6a: {  	_ =	shalt  }
0x6b: {  	_ =	shalt  }
0x6c: {  	_ =	shalt  }
0x6d: {  	_ =	shalt  }
0x6e: {  	_ =	shalt  }
0x6f: {  	_ =	shalt  }
0x70: {  	_ =	shalt  }
0x71: {  	_ =	shalt  }
0x72: {  	_ =	shalt  }
0x73: {  	_ =	shalt  }
0x74: {  	_ =	shalt  }
0x75: {  	_ =	shalt  }
0x76: {  	_ =	shalt  }
0x77: {  	_ =	shalt  }
0x78: {  	_ =	shalt  }
0x79: {  	_ =	shalt  }
0x7a: {  	_ =	shalt  }
0x7b: {  	_ =	shalt  }
0x7c: {  	_ =	shalt  }
0x7d: {  	_ =	shalt  }
0x7e: {  	_ =	shalt  }
0x7f: {  	_ =	shalt  }
0x80: {  	_ =	shalt  }
0x81: {  	_ =	shalt  }
0x82: {  	_ =	shalt  }
0x83: {  	_ =	shalt  }
0x84: {  	_ =	shalt  }
0x85: {  	_ =	shalt  }
0x86: {  	_ =	shalt  }
0x87: {  	_ =	shalt  }
.Lfunc_end0:
.L_simem_size_0:
called_computation_lowered:
.L_overlay_start_0:
0x88: {  	s2 =	sld [smem:$0x3FD9]  }
0x89: {  	s3 =	sld [smem:$0x3FFE];
	_ =	sdelay $0x1  }
0x8a: {  	s1 =	srdreg.scid  }
0x8b: {  	s0 =	sand.u32 $0x1, s1  }
0x8c: {  	s16 =	sshll.u32 s0, $0xA;
	s2 =	sadd.s32 s3, s2  }
0x8d: {  	s2 =	sadd.s32 s2, s16  }
0x8e: {  	[smem:$0x3FC6] =	sst s2  }
0x8f: {  	_ = 	snop  }
0x90: {  	(tm) =	ssettm $0x1  }
0x91: {  	s17 =	sld [smem:$0x3FFB];
	_ =	sdelay $0x3  }
0x92: {  	_ =	strace s17  }
0x93: {  	s2 =	sld [smem:$0x3FFC];
	_ =	sdelay $0x3  }
0x94: {  	_ =	strace s2  }
0x95: {  	s2 =	sld [smem:$0x3FFD];
	_ =	sdelay $0x3  }
0x96: {  	_ =	strace s2  }
0x97: {  	_ =	strace $0x8FFFFFFF  }
0x98: {  	s18 =	sld [smem:$0x3FDB];
	_ =	sdelay $0x1  }
0x99: {  	s19 =	simm.s32 $_scs_section_size  }
0x9a: {  	s4 =	simm.s32 $_size__tile_overlayer_lowered;
	s5 =	simm.s32 $_tile_overlayer_lowered  }
0x9b: {  	s22 =	simm.s32 $0x1BFF;
	s21 =	sshll.u32 s5, $0x1;
	s2 =	sadd.s32 s19, s18  }
0x9c: {  	s6 =	simm.s32 $0x0;
	s20 =	sshll.u32 s4, $0x1;
	s4 =	sadd.s32 s21, s2  }
0x9d: {  	[timem:s6], [sflag:s22] =	dma.local [hbm:s4], s20  }
0x9e: {  	_ =	swait.ge [sflag:s22], s20  }
0x9f: {  	s3 =	ssub.s32 $0x0, s20;
	[sflag:s22] =	ssyncset.done $0x0  }
0xa0: {  	[sflag:s22] =	ssyncadd.s32 s3;
	_ =	sdelay $0x1  }
0xa1: {  	s23 =	simm.s32 $0x1B8B  }
0xa2: {  	_ =	swait.ge [sflag:s23], $0x1  }
0xa3: {  	[sflag:s23] =	ssyncset.done $0x0  }
0xa4: {  	s25 =	simm.s32 $0x1B8E;
	s24 =	sld [smem:$0x3FFE];
	[sflag:s23] =	ssyncadd.s32 $0xFFFFFFFF  }
0xa5: {  	s26 =	simm.s32 $execute0_lowered;
	[smem:$0x3FD2] =	sst s25  }
0xa6: {  	s4 =	sshll.u32 s26, $0x1;
	_ =	strace $0x80000046;
	[dreg:$0x1] =	wrdreg $0xFFFFFFFF  }
0xa7: {  	s28 =	simm.s32 $_size_execute0_lowered;
	s2 =	sadd.s32 s2, s4;
	[dreg:$0x0] =	wrdreg $0x0  }
0xa8: {  	s4 =	sshll.u32 s28, $0x1;
	[dreg:$0x2] =	wrdreg s2  }
0xa9: {  	[dreg:$0x3] =	wrdreg s4  }
0xaa: {  	[dreg:$0x4] =	wrdreg $0xC0  }
0xab: {  	_ =	task [dreg:s6], $0x5FFFF  }
0xac: {  	[dreg:$0x1] =	wrdreg $0xFFFFFFFF  }
0xad: {  	[dreg:$0x0] =	wrdreg $0x60  }
0xae: {  	[dreg:$0x2] =	wrdreg s24  }
0xaf: {  	[dreg:$0x3] =	wrdreg $0x9  }
0xb0: {  	_ =	task.clear_ibuf [dreg:s6], $0x4FFFF;
	_ =	strace $0x90000046  }
0xb1: {  	s29 =	simm.s32 $0x9;
	_ =	strace $0x80000048  }
0xb2: {  	_ =	swait.ge [sflag:s29], $0x1  }
0xb3: {  	[sflag:s29] =	ssyncadd.s32 $0xFFFFFFFF  }
0xb4: {  	_ =	strace $0x90000048  }
0xb5: {  	_ =	sfence  }
0xb6: {  	s30 =	sld [smem:$0x0];
	_ =	sdelay $0x2  }
0xb7: {  	s31 =	sshll.u32 s1, $0xD;
	s1 =	sshrl.u32 s1, $0x2  }
0xb8: {  	s3 =	sand.u32 $0x4000, s31;
	s1 =	sadd.s32 s1, s30  }
0xb9: {  	s0 =	sor.u32 s3, s0;
	s1 =	sshll.u32 s1, $0x11  }
0xba: {  	s0 =	sor.u32 s1, s0  }
0xbb: {  	s0 =	sadd.s32 $0x8F2B, s0  }
0xbc: {  	[sflag:s0] =	ssyncadd.remote.s32 $0x1  }
0xbd: {  	_ =	sfence.sel $0xFFFF  }
0xbe: {  	[dreg:$0x0] =	wrdreg $0xFFFFFFFF;
	(pc) =	sbr.abs _section_cstart, $3  }
0xbf: {  	[dreg:$0x1] =	wrdreg $0xFFFFFFFF  }
0xc0: {  	_ =	task.clear_ibuf [dreg:s6], $0x2FFFF;
	_ =	strace $0x9FFFFFFF  }
0xc1: {  	(tm) =	ssettm $0x7FFFFFFF  }
tec
execute0_lowered:
.L_overlay_start_1:
0x0: {  	(tag) =	ssettag $0x1  }
0x1: {  	s0 =	srdreg.scid  }
0x2: {  	s1 =	stileid.u32;
	s3 =	rddreg [dreg:$0x0];
	s2 =	simm.s32 $0x0  }
0x3: {  	s14 =	simm.s32 $0x300;
	s28 =	simm.s32 $0xF00;
	s29 =	simm.s32 $0x1700  }
0x4: {  	s30 =	simm.s32 $0x1B00;
	s31 =	simm.s32 $0x2300;
	s7 =	simm.s32 $0x3B00  }
0x5: {  	s9 =	simm.s32 $0x3F00;
	s10 =	simm.s32 $0x4700;
	s11 =	simm.s32 $0x4B00  }
0x6: {  	s12 =	simm.s32 $0x5300;
	s0 =	sand.u32 $0x1, s0;
	s1 =	sshll.u32 s1, $0x1  }
0x7: {  	s13 =	simm.s32 $0x5700;
	s15 =	simm.s32 $0x5F00;
	s1 =	sor.u32 s0, s1  }
0x8: {  	s16 =	simm.s32 $0x6300;
	s17 =	simm.s32 $0x6B00;
	s1 =	smul.u32 $0x300, s1  }
0x9: {  	s18 =	simm.s32 $0x6F00;
	s19 =	simm.s32 $0x7700;
	s20 =	simm.s32 $0x7B00  }
0xa: {  	[smem:$0x7FF] =	sst s2;
	s6 =	sadd.s32 $0x495600, s3;
	s1 =	sshrl.u32 s1, $0x3  }
0xb: {  	s8 =	simm.s32 $0x8300;
	_ =	strace $0x80000047;
	s4 =	smul.u32 $0xC00, s1  }
0xc: {  	s0 =	ssub.s32 $0x2, s0;
	s5 =	sadd.s32 s1, s3;
	s1 =	smul.u32 $0x180, s1  }
0xd: {  	s24 =	sshrl.u32 s0, $0x1;
	s5 =	sadd.s32 $0xC00, s5;
	s4 =	sshrl.u32 s4, $0x3  }
0xe: {  	[dreg:$0x2] =	wrdreg s5;
	s4 =	sadd.s32 s6, s4;
	s6 =	sadd.s32 s6, s1  }
0xf: {  	s0 =	ssub.s32 s0, s24;
	s21 =	sadd.s32 $0x1800, s4;
	[dreg:$0x8] =	wrdreg s6  }
0x10: {  	s24 =	simm.s32 $0x4;
	s22 =	sadd.s32 $0x3000, s6;
	[dreg:$0x3] =	wrdreg s21  }
0x11: {  	s5 =	sadd.s32 $0x1900, s3;
	s23 =	sadd.s32 $0x4800, s6;
	[dreg:$0x4] =	wrdreg s22  }
0x12: {  	s4 =	sadd.s32 $0x1800, s3;
	s25 =	sadd.s32 $0x6000, s6;
	[dreg:$0x5] =	wrdreg s23  }
0x13: {  	v2 =	vlaneseq.u32;
	s26 =	sadd.s32 $0x7800, s6;
	s6 =	smax.u32 s0, $0x1;
	[dreg:$0x6] =	wrdreg s25  }
0x14: {  	vm0 =	vmmov $0xffff;
	vm1 =	vmmov $0xff;
	v1 =	vshrl.u32 v2, $0x3;
	s3 =	simm.s32 $0x3300;
	[dreg:$0x7] =	wrdreg s26;
	s21 =	simm.s32 $0x1  }
0x15: {  	v0 =	vand.u32 $0x7, v2;
	v2 =	vor.u32 $0x8, v2;
	v1 =	vmul.u32 $0x8, v1;
	s22 =	simm.s32 $0x3;
	s23 =	simm.s32 $0x2;
	s26 =	simm.s32 $0xB00  }
.LBB2_1:
0x16: {  	s25 =	rddreg [dreg:$0x2];
	s1 =	simm.s32 $0x5  }
0x17: {  	[tilespmem:s2], [sflag:$0x5] =	stream.linear.gather [hbm4b:s25+s2], $0x300, $0x38;
	[tilespmem:$0x18300] =	vst v63  }
0x18: {  	_ =	swait.ge [sflag:s1], $0x300  }
0x19: {  	[sflag:s1] =	ssyncset.done $0x0  }
0x1a: {  	[sflag:s1] =	ssyncadd.s32 $0xFFFFFD00  }
0x1b: {  	v3 =	vld [tilespmem:$0x0];
	_ =	sdelay $0x4  }
0x1c: {  	v4 =	vshrl.u32 v3, $0x3  }
0x1d: {  	v4 =	vmul.u32 $0x18, v4  }
0x1e: {  	v3 =	vand.u32 $0x7, v3  }
0x1f: {  	v3 =	vor.u32 v3, v4  }
0x20: {  	v4 =	vperm.xlane v3, v0;
	_ =	sdelay $0x1  }
0x21: {  	v4 =	vadd.s32 v1, v4;
	_ =	sdelay $0x1  }
0x22: {  	v3 =	vperm.xlane v3, v2;
	_ =	sdelay $0x1  }
0x23: {  	v3 =	vadd.s32 v1, v3  }
0x24: {  	[tilespmem:s14], [sflag:$0x1] =	stream.indirect_vreg.gather [hbm4b:s4+s2], $0x80, v4, vm0, $0xb8;
	[tilespmem:$0x18300] =	vst v63  }
0x25: {  	_ = 	snop  }
0x26: {  	[tilespmem:s26], [sflag:$0x1] =	stream.indirect_vreg.gather [hbm4b:s5+s2], $0x80, v4, vm1, $0xb8;
	[tilespmem:$0x18300] =	vst v63  }
0x27: {  	_ = 	snop  }
0x28: {  	[tilespmem:s28], [sflag:$0x1] =	stream.indirect_vreg.gather [hbm4b:s4+s2], $0x80, v3, vm0, $0xb8;
	[tilespmem:$0x18300] =	vst v63  }
0x29: {  	_ = 	snop  }
0x2a: {  	[tilespmem:s29], [sflag:$0x1] =	stream.indirect_vreg.gather [hbm4b:s5+s2], $0x80, v3, vm1, $0xb8;
	[tilespmem:$0x18300] =	vst v63  }
0x2b: {  	v3 =	vld [tilespmem:$0x10];
	_ =	sdelay $0x4  }
0x2c: {  	v17 =	vshrl.u32 v3, $0x3  }
0x2d: {  	v4 =	vmul.u32 $0x18, v17  }
0x2e: {  	v3 =	vand.u32 $0x7, v3  }
0x2f: {  	v3 =	vor.u32 v3, v4  }
0x30: {  	v4 =	vperm.xlane v3, v0;
	_ =	sdelay $0x1  }
0x31: {  	v4 =	vadd.s32 v1, v4;
	_ =	sdelay $0x1  }
0x32: {  	v3 =	vperm.xlane v3, v2;
	_ =	sdelay $0x1  }
0x33: {  	v3 =	vadd.s32 v1, v3  }
0x34: {  	[tilespmem:s30], [sflag:$0x1] =	stream.indirect_vreg.gather [hbm4b:s4+s2], $0x80, v4, vm0, $0xb8;
	[tilespmem:$0x18300] =	vst v63  }
0x35: {  	_ = 	snop  }
0x36: {  	[tilespmem:s31], [sflag:$0x1] =	stream.indirect_vreg.gather [hbm4b:s5+s2], $0x80, v4, vm1, $0xb8;
	[tilespmem:$0x18300] =	vst v63  }
0x37: {  	s1 =	simm.s32 $0x2700  }
0x38: {  	[tilespmem:s1], [sflag:$0x1] =	stream.indirect_vreg.gather [hbm4b:s4+s2], $0x80, v3, vm0, $0xb8;
	[tilespmem:$0x18300] =	vst v63  }
0x39: {  	s0 =	simm.s32 $0x2F00  }
0x3a: {  	[tilespmem:s0], [sflag:$0x1] =	stream.indirect_vreg.gather [hbm4b:s5+s2], $0x80, v3, vm1, $0xb8;
	[tilespmem:$0x18300] =	vst v63  }
0x3b: {  	v3 =	vld [tilespmem:$0x20];
	_ =	sdelay $0x4  }
0x3c: {  	v18 =	vshrl.u32 v3, $0x3  }
0x3d: {  	v4 =	vmul.u32 $0x18, v18  }
0x3e: {  	v3 =	vand.u32 $0x7, v3  }
0x3f: {  	v3 =	vor.u32 v3, v4  }
0x40: {  	v4 =	vperm.xlane v3, v0;
	_ =	sdelay $0x1  }
0x41: {  	v4 =	vadd.s32 v1, v4;
	_ =	sdelay $0x1  }
0x42: {  	v3 =	vperm.xlane v3, v2;
	_ =	sdelay $0x1  }
0x43: {  	v3 =	vadd.s32 v1, v3  }
0x44: {  	[tilespmem:s3], [sflag:$0x1] =	stream.indirect_vreg.gather [hbm4b:s4+s2], $0x80, v4, vm0, $0xb8;
	[tilespmem:$0x18300] =	vst v63  }
0x45: {  	_ = 	snop  }
0x46: {  	[tilespmem:s7], [sflag:$0x1] =	stream.indirect_vreg.gather [hbm4b:s5+s2], $0x80, v4, vm1, $0xb8;
	[tilespmem:$0x18300] =	vst v63  }
0x47: {  	_ = 	snop  }
0x48: {  	[tilespmem:s9], [sflag:$0x1] =	stream.indirect_vreg.gather [hbm4b:s4+s2], $0x80, v3, vm0, $0xb8;
	[tilespmem:$0x18300] =	vst v63  }
0x49: {  	_ = 	snop  }
0x4a: {  	[tilespmem:s10], [sflag:$0x1] =	stream.indirect_vreg.gather [hbm4b:s5+s2], $0x80, v3, vm1, $0xb8;
	[tilespmem:$0x18300] =	vst v63  }
0x4b: {  	v3 =	vld [tilespmem:$0x30];
	_ =	sdelay $0x4  }
0x4c: {  	v19 =	vshrl.u32 v3, $0x3  }
0x4d: {  	v4 =	vmul.u32 $0x18, v19  }
0x4e: {  	v3 =	vand.u32 $0x7, v3  }
0x4f: {  	v3 =	vor.u32 v3, v4  }
0x50: {  	v4 =	vperm.xlane v3, v0;
	_ =	sdelay $0x1  }
0x51: {  	v4 =	vadd.s32 v1, v4;
	_ =	sdelay $0x1  }
0x52: {  	v3 =	vperm.xlane v3, v2;
	_ =	sdelay $0x1  }
0x53: {  	v3 =	vadd.s32 v1, v3  }
0x54: {  	[tilespmem:s11], [sflag:$0x1] =	stream.indirect_vreg.gather [hbm4b:s4+s2], $0x80, v4, vm0, $0xb8;
	[tilespmem:$0x18300] =	vst v63  }
0x55: {  	_ = 	snop  }
0x56: {  	[tilespmem:s12], [sflag:$0x1] =	stream.indirect_vreg.gather [hbm4b:s5+s2], $0x80, v4, vm1, $0xb8;
	[tilespmem:$0x18300] =	vst v63  }
0x57: {  	_ = 	snop  }
0x58: {  	[tilespmem:s13], [sflag:$0x1] =	stream.indirect_vreg.gather [hbm4b:s4+s2], $0x80, v3, vm0, $0xb8;
	[tilespmem:$0x18300] =	vst v63  }
0x59: {  	_ = 	snop  }
0x5a: {  	[tilespmem:s15], [sflag:$0x1] =	stream.indirect_vreg.gather [hbm4b:s5+s2], $0x80, v3, vm1, $0xb8;
	[tilespmem:$0x18300] =	vst v63  }
0x5b: {  	v3 =	vld [tilespmem:$0x40];
	_ =	sdelay $0x4  }
0x5c: {  	v20 =	vshrl.u32 v3, $0x3  }
0x5d: {  	v4 =	vmul.u32 $0x18, v20  }
0x5e: {  	v3 =	vand.u32 $0x7, v3  }
0x5f: {  	v3 =	vor.u32 v3, v4  }
0x60: {  	v4 =	vperm.xlane v3, v0;
	_ =	sdelay $0x1  }
0x61: {  	v4 =	vadd.s32 v1, v4;
	_ =	sdelay $0x1  }
0x62: {  	v3 =	vperm.xlane v3, v2;
	_ =	sdelay $0x1  }
0x63: {  	v3 =	vadd.s32 v1, v3  }
0x64: {  	[tilespmem:s16], [sflag:$0x1] =	stream.indirect_vreg.gather [hbm4b:s4+s2], $0x80, v4, vm0, $0xb8;
	[tilespmem:$0x18300] =	vst v63  }
0x65: {  	_ = 	snop  }
0x66: {  	[tilespmem:s17], [sflag:$0x1] =	stream.indirect_vreg.gather [hbm4b:s5+s2], $0x80, v4, vm1, $0xb8;
	[tilespmem:$0x18300] =	vst v63  }
0x67: {  	_ = 	snop  }
0x68: {  	[tilespmem:s18], [sflag:$0x1] =	stream.indirect_vreg.gather [hbm4b:s4+s2], $0x80, v3, vm0, $0xb8;
	[tilespmem:$0x18300] =	vst v63  }
0x69: {  	_ = 	snop  }
0x6a: {  	[tilespmem:s19], [sflag:$0x1] =	stream.indirect_vreg.gather [hbm4b:s5+s2], $0x80, v3, vm1, $0xb8;
	[tilespmem:$0x18300] =	vst v63  }
0x6b: {  	v3 =	vld [tilespmem:$0x50];
	_ =	sdelay $0x4  }
0x6c: {  	v21 =	vshrl.u32 v3, $0x3  }
0x6d: {  	v4 =	vmul.u32 $0x18, v21  }
0x6e: {  	v3 =	vand.u32 $0x7, v3  }
0x6f: {  	v3 =	vor.u32 v3, v4  }
0x70: {  	v4 =	vperm.xlane v3, v0;
	_ =	sdelay $0x1  }
0x71: {  	v4 =	vadd.s32 v1, v4;
	_ =	sdelay $0x1  }
0x72: {  	v3 =	vperm.xlane v3, v2;
	_ =	sdelay $0x1  }
0x73: {  	v3 =	vadd.s32 v1, v3  }
0x74: {  	[tilespmem:s20], [sflag:$0x1] =	stream.indirect_vreg.gather [hbm4b:s4+s2], $0x80, v4, vm0, $0xb8;
	[tilespmem:$0x18300] =	vst v63  }
0x75: {  	_ = 	snop  }
0x76: {  	[tilespmem:s8], [sflag:$0x1] =	stream.indirect_vreg.gather [hbm4b:s5+s2], $0x80, v4, vm1, $0xb8;
	[tilespmem:$0x18300] =	vst v63  }
0x77: {  	s25 =	simm.s32 $0x8700  }
0x78: {  	[tilespmem:s25], [sflag:$0x1] =	stream.indirect_vreg.gather [hbm4b:s4+s2], $0x80, v3, vm0, $0xb8;
	[tilespmem:$0x18300] =	vst v63  }
0x79: {  	s25 =	simm.s32 $0x8F00  }
0x7a: {  	[tilespmem:s25], [sflag:$0x1] =	stream.indirect_vreg.gather [hbm4b:s5+s2], $0x80, v3, vm1, $0xb8;
	[tilespmem:$0x18300] =	vst v63  }
0x7b: {  	v3 =	vld [tilespmem:$0x60];
	_ =	sdelay $0x4  }
0x7c: {  	v22 =	vshrl.u32 v3, $0x3  }
0x7d: {  	v4 =	vmul.u32 $0x18, v22  }
0x7e: {  	v3 =	vand.u32 $0x7, v3  }
0x7f: {  	v3 =	vor.u32 v3, v4  }
0x80: {  	v4 =	vperm.xlane v3, v0;
	_ =	sdelay $0x1  }
0x81: {  	v4 =	vadd.s32 v1, v4;
	_ =	sdelay $0x1  }
0x82: {  	v3 =	vperm.xlane v3, v2;
	_ =	sdelay $0x1  }
0x83: {  	s25 =	simm.s32 $0x9300;
	v3 =	vadd.s32 v1, v3  }
0x84: {  	[tilespmem:s25], [sflag:$0x1] =	stream.indirect_vreg.gather [hbm4b:s4+s2], $0x80, v4, vm0, $0xb8;
	[tilespmem:$0x18300] =	vst v63  }
0x85: {  	s25 =	simm.s32 $0x9B00  }
0x86: {  	[tilespmem:s25], [sflag:$0x1] =	stream.indirect_vreg.gather [hbm4b:s5+s2], $0x80, v4, vm1, $0xb8;
	[tilespmem:$0x18300] =	vst v63  }
0x87: {  	s25 =	simm.s32 $0x9F00  }
0x88: {  	[tilespmem:s25], [sflag:$0x1] =	stream.indirect_vreg.gather [hbm4b:s4+s2], $0x80, v3, vm0, $0xb8;
	[tilespmem:$0x18300] =	vst v63  }
0x89: {  	s25 =	simm.s32 $0xA700  }
0x8a: {  	[tilespmem:s25], [sflag:$0x1] =	stream.indirect_vreg.gather [hbm4b:s5+s2], $0x80, v3, vm1, $0xb8;
	[tilespmem:$0x18300] =	vst v63  }
0x8b: {  	v3 =	vld [tilespmem:$0x70];
	_ =	sdelay $0x4  }
0x8c: {  	v23 =	vshrl.u32 v3, $0x3  }
0x8d: {  	v4 =	vmul.u32 $0x18, v23  }
0x8e: {  	v3 =	vand.u32 $0x7, v3  }
0x8f: {  	v3 =	vor.u32 v3, v4  }
0x90: {  	v4 =	vperm.xlane v3, v0;
	_ =	sdelay $0x1  }
0x91: {  	v4 =	vadd.s32 v1, v4;
	_ =	sdelay $0x1  }
0x92: {  	v3 =	vperm.xlane v3, v2;
	_ =	sdelay $0x1  }
0x93: {  	s25 =	simm.s32 $0xAB00;
	v3 =	vadd.s32 v1, v3  }
0x94: {  	[tilespmem:s25], [sflag:$0x1] =	stream.indirect_vreg.gather [hbm4b:s4+s2], $0x80, v4, vm0, $0xb8;
	[tilespmem:$0x18300] =	vst v63  }
0x95: {  	s25 =	simm.s32 $0xB300  }
0x96: {  	[tilespmem:s25], [sflag:$0x1] =	stream.indirect_vreg.gather [hbm4b:s5+s2], $0x80, v4, vm1, $0xb8;
	[tilespmem:$0x18300] =	vst v63  }
0x97: {  	s25 =	simm.s32 $0xB700  }
0x98: {  	[tilespmem:s25], [sflag:$0x1] =	stream.indirect_vreg.gather [hbm4b:s4+s2], $0x80, v3, vm0, $0xb8;
	[tilespmem:$0x18300] =	vst v63  }
0x99: {  	s25 =	simm.s32 $0xBF00  }
0x9a: {  	[tilespmem:s25], [sflag:$0x1] =	stream.indirect_vreg.gather [hbm4b:s5+s2], $0x80, v3, vm1, $0xb8;
	[tilespmem:$0x18300] =	vst v63  }
0x9b: {  	v3 =	vld [tilespmem:$0x80];
	_ =	sdelay $0x4  }
0x9c: {  	v24 =	vshrl.u32 v3, $0x3  }
0x9d: {  	v4 =	vmul.u32 $0x18, v24  }
0x9e: {  	v3 =	vand.u32 $0x7, v3  }
0x9f: {  	v3 =	vor.u32 v3, v4  }
0xa0: {  	v4 =	vperm.xlane v3, v0;
	_ =	sdelay $0x1  }
0xa1: {  	v4 =	vadd.s32 v1, v4;
	_ =	sdelay $0x1  }
0xa2: {  	v3 =	vperm.xlane v3, v2;
	_ =	sdelay $0x1  }
0xa3: {  	s0 =	simm.s32 $0xC300;
	v3 =	vadd.s32 v1, v3  }
0xa4: {  	[tilespmem:s0], [sflag:$0x2] =	stream.indirect_vreg.gather [hbm4b:s4+s2], $0x80, v4, vm0, $0xb8;
	[tilespmem:$0x18300] =	vst v63  }
0xa5: {  	s25 =	simm.s32 $0xCB00  }
0xa6: {  	[tilespmem:s25], [sflag:$0x2] =	stream.indirect_vreg.gather [hbm4b:s5+s2], $0x80, v4, vm1, $0xb8;
	[tilespmem:$0x18300] =	vst v63  }
0xa7: {  	s25 =	simm.s32 $0xCF00  }
0xa8: {  	[tilespmem:s25], [sflag:$0x2] =	stream.indirect_vreg.gather [hbm4b:s4+s2], $0x80, v3, vm0, $0xb8;
	[tilespmem:$0x18300] =	vst v63  }
0xa9: {  	s25 =	simm.s32 $0xD700  }
0xaa: {  	[tilespmem:s25], [sflag:$0x2] =	stream.indirect_vreg.gather [hbm4b:s5+s2], $0x80, v3, vm1, $0xb8;
	[tilespmem:$0x18300] =	vst v63  }
0xab: {  	v3 =	vld [tilespmem:$0x90];
	_ =	sdelay $0x4  }
0xac: {  	v25 =	vshrl.u32 v3, $0x3  }
0xad: {  	v4 =	vmul.u32 $0x18, v25  }
0xae: {  	v3 =	vand.u32 $0x7, v3  }
0xaf: {  	v3 =	vor.u32 v3, v4  }
0xb0: {  	v4 =	vperm.xlane v3, v0;
	_ =	sdelay $0x1  }
0xb1: {  	v4 =	vadd.s32 v1, v4;
	_ =	sdelay $0x1  }
0xb2: {  	v3 =	vperm.xlane v3, v2;
	_ =	sdelay $0x1  }
0xb3: {  	s25 =	simm.s32 $0xDB00;
	v3 =	vadd.s32 v1, v3  }
0xb4: {  	[tilespmem:s25], [sflag:$0x2] =	stream.indirect_vreg.gather [hbm4b:s4+s2], $0x80, v4, vm0, $0xb8;
	[tilespmem:$0x18300] =	vst v63  }
0xb5: {  	s25 =	simm.s32 $0xE300  }
0xb6: {  	[tilespmem:s25], [sflag:$0x2] =	stream.indirect_vreg.gather [hbm4b:s5+s2], $0x80, v4, vm1, $0xb8;
	[tilespmem:$0x18300] =	vst v63  }
0xb7: {  	s25 =	simm.s32 $0xE700  }
0xb8: {  	[tilespmem:s25], [sflag:$0x2] =	stream.indirect_vreg.gather [hbm4b:s4+s2], $0x80, v3, vm0, $0xb8;
	[tilespmem:$0x18300] =	vst v63  }
0xb9: {  	s25 =	simm.s32 $0xEF00  }
0xba: {  	[tilespmem:s25], [sflag:$0x2] =	stream.indirect_vreg.gather [hbm4b:s5+s2], $0x80, v3, vm1, $0xb8;
	[tilespmem:$0x18300] =	vst v63  }
0xbb: {  	v3 =	vld [tilespmem:$0xA0];
	_ =	sdelay $0x4  }
0xbc: {  	v26 =	vshrl.u32 v3, $0x3  }
0xbd: {  	v4 =	vmul.u32 $0x18, v26  }
0xbe: {  	v3 =	vand.u32 $0x7, v3  }
0xbf: {  	v3 =	vor.u32 v3, v4  }
0xc0: {  	v4 =	vperm.xlane v3, v0;
	_ =	sdelay $0x1  }
0xc1: {  	v4 =	vadd.s32 v1, v4;
	_ =	sdelay $0x1  }
0xc2: {  	v3 =	vperm.xlane v3, v2;
	_ =	sdelay $0x1  }
0xc3: {  	s25 =	simm.s32 $0xF300;
	v3 =	vadd.s32 v1, v3  }
0xc4: {  	[tilespmem:s25], [sflag:$0x2] =	stream.indirect_vreg.gather [hbm4b:s4+s2], $0x80, v4, vm0, $0xb8;
	[tilespmem:$0x18300] =	vst v63  }
0xc5: {  	s25 =	simm.s32 $0xFB00  }
0xc6: {  	[tilespmem:s25], [sflag:$0x2] =	stream.indirect_vreg.gather [hbm4b:s5+s2], $0x80, v4, vm1, $0xb8;
	[tilespmem:$0x18300] =	vst v63  }
0xc7: {  	s25 =	simm.s32 $0xFF00  }
0xc8: {  	[tilespmem:s25], [sflag:$0x2] =	stream.indirect_vreg.gather [hbm4b:s4+s2], $0x80, v3, vm0, $0xb8;
	[tilespmem:$0x18300] =	vst v63  }
0xc9: {  	s25 =	simm.s32 $0x10700  }
0xca: {  	[tilespmem:s25], [sflag:$0x2] =	stream.indirect_vreg.gather [hbm4b:s5+s2], $0x80, v3, vm1, $0xb8;
	[tilespmem:$0x18300] =	vst v63  }
0xcb: {  	v3 =	vld [tilespmem:$0xB0];
	_ =	sdelay $0x4  }
0xcc: {  	v27 =	vshrl.u32 v3, $0x3  }
0xcd: {  	v4 =	vmul.u32 $0x18, v27  }
0xce: {  	v3 =	vand.u32 $0x7, v3  }
0xcf: {  	v3 =	vor.u32 v3, v4  }
0xd0: {  	v4 =	vperm.xlane v3, v0;
	_ =	sdelay $0x1  }
0xd1: {  	v4 =	vadd.s32 v1, v4;
	_ =	sdelay $0x1  }
0xd2: {  	v3 =	vperm.xlane v3, v2;
	_ =	sdelay $0x1  }
0xd3: {  	s25 =	simm.s32 $0x10B00;
	v3 =	vadd.s32 v1, v3  }
0xd4: {  	[tilespmem:s25], [sflag:$0x2] =	stream.indirect_vreg.gather [hbm4b:s4+s2], $0x80, v4, vm0, $0xb8;
	[tilespmem:$0x18300] =	vst v63  }
0xd5: {  	s25 =	simm.s32 $0x11300  }
0xd6: {  	[tilespmem:s25], [sflag:$0x2] =	stream.indirect_vreg.gather [hbm4b:s5+s2], $0x80, v4, vm1, $0xb8;
	[tilespmem:$0x18300] =	vst v63  }
0xd7: {  	s25 =	simm.s32 $0x11700  }
0xd8: {  	[tilespmem:s25], [sflag:$0x2] =	stream.indirect_vreg.gather [hbm4b:s4+s2], $0x80, v3, vm0, $0xb8;
	[tilespmem:$0x18300] =	vst v63  }
0xd9: {  	s25 =	simm.s32 $0x11F00  }
0xda: {  	[tilespmem:s25], [sflag:$0x2] =	stream.indirect_vreg.gather [hbm4b:s5+s2], $0x80, v3, vm1, $0xb8;
	[tilespmem:$0x18300] =	vst v63  }
0xdb: {  	v3 =	vld [tilespmem:$0xC0];
	_ =	sdelay $0x4  }
0xdc: {  	v28 =	vshrl.u32 v3, $0x3  }
0xdd: {  	v4 =	vmul.u32 $0x18, v28  }
0xde: {  	v3 =	vand.u32 $0x7, v3  }
0xdf: {  	v3 =	vor.u32 v3, v4  }
0xe0: {  	v4 =	vperm.xlane v3, v0;
	_ =	sdelay $0x1  }
0xe1: {  	v4 =	vadd.s32 v1, v4;
	_ =	sdelay $0x1  }
0xe2: {  	v3 =	vperm.xlane v3, v2;
	_ =	sdelay $0x1  }
0xe3: {  	s25 =	simm.s32 $0x12300;
	v3 =	vadd.s32 v1, v3  }
0xe4: {  	[tilespmem:s25], [sflag:$0x2] =	stream.indirect_vreg.gather [hbm4b:s4+s2], $0x80, v4, vm0, $0xb8;
	[tilespmem:$0x18300] =	vst v63  }
0xe5: {  	s25 =	simm.s32 $0x12B00  }
0xe6: {  	[tilespmem:s25], [sflag:$0x2] =	stream.indirect_vreg.gather [hbm4b:s5+s2], $0x80, v4, vm1, $0xb8;
	[tilespmem:$0x18300] =	vst v63  }
0xe7: {  	s25 =	simm.s32 $0x12F00  }
0xe8: {  	[tilespmem:s25], [sflag:$0x2] =	stream.indirect_vreg.gather [hbm4b:s4+s2], $0x80, v3, vm0, $0xb8;
	[tilespmem:$0x18300] =	vst v63  }
0xe9: {  	s25 =	simm.s32 $0x13700  }
0xea: {  	[tilespmem:s25], [sflag:$0x2] =	stream.indirect_vreg.gather [hbm4b:s5+s2], $0x80, v3, vm1, $0xb8;
	[tilespmem:$0x18300] =	vst v63  }
0xeb: {  	v3 =	vld [tilespmem:$0xD0];
	_ =	sdelay $0x4  }
0xec: {  	v29 =	vshrl.u32 v3, $0x3  }
0xed: {  	v4 =	vmul.u32 $0x18, v29  }
0xee: {  	v3 =	vand.u32 $0x7, v3  }
0xef: {  	v3 =	vor.u32 v3, v4  }
0xf0: {  	v4 =	vperm.xlane v3, v0;
	_ =	sdelay $0x1  }
0xf1: {  	v4 =	vadd.s32 v1, v4;
	_ =	sdelay $0x1  }
0xf2: {  	v3 =	vperm.xlane v3, v2;
	_ =	sdelay $0x1  }
0xf3: {  	s25 =	simm.s32 $0x13B00;
	v3 =	vadd.s32 v1, v3  }
0xf4: {  	[tilespmem:s25], [sflag:$0x2] =	stream.indirect_vreg.gather [hbm4b:s4+s2], $0x80, v4, vm0, $0xb8;
	[tilespmem:$0x18300] =	vst v63  }
0xf5: {  	s25 =	simm.s32 $0x14300  }
0xf6: {  	[tilespmem:s25], [sflag:$0x2] =	stream.indirect_vreg.gather [hbm4b:s5+s2], $0x80, v4, vm1, $0xb8;
	[tilespmem:$0x18300] =	vst v63  }
0xf7: {  	s25 =	simm.s32 $0x14700  }
0xf8: {  	[tilespmem:s25], [sflag:$0x2] =	stream.indirect_vreg.gather [hbm4b:s4+s2], $0x80, v3, vm0, $0xb8;
	[tilespmem:$0x18300] =	vst v63  }
0xf9: {  	s25 =	simm.s32 $0x14F00  }
0xfa: {  	[tilespmem:s25], [sflag:$0x2] =	stream.indirect_vreg.gather [hbm4b:s5+s2], $0x80, v3, vm1, $0xb8;
	[tilespmem:$0x18300] =	vst v63  }
0xfb: {  	v3 =	vld [tilespmem:$0xE0];
	_ =	sdelay $0x4  }
0xfc: {  	v30 =	vshrl.u32 v3, $0x3  }
0xfd: {  	v4 =	vmul.u32 $0x18, v30  }
0xfe: {  	v3 =	vand.u32 $0x7, v3  }
0xff: {  	v3 =	vor.u32 v3, v4  }
0x100: {  	v4 =	vperm.xlane v3, v0;
	_ =	sdelay $0x1  }
0x101: {  	v4 =	vadd.s32 v1, v4;
	_ =	sdelay $0x1  }
0x102: {  	v3 =	vperm.xlane v3, v2;
	_ =	sdelay $0x1  }
0x103: {  	s25 =	simm.s32 $0x15300;
	v3 =	vadd.s32 v1, v3  }
0x104: {  	[tilespmem:s25], [sflag:$0x2] =	stream.indirect_vreg.gather [hbm4b:s4+s2], $0x80, v4, vm0, $0xb8;
	[tilespmem:$0x18300] =	vst v63  }
0x105: {  	s25 =	simm.s32 $0x15B00  }
0x106: {  	[tilespmem:s25], [sflag:$0x2] =	stream.indirect_vreg.gather [hbm4b:s5+s2], $0x80, v4, vm1, $0xb8;
	[tilespmem:$0x18300] =	vst v63  }
0x107: {  	s25 =	simm.s32 $0x15F00  }
0x108: {  	[tilespmem:s25], [sflag:$0x2] =	stream.indirect_vreg.gather [hbm4b:s4+s2], $0x80, v3, vm0, $0xb8;
	[tilespmem:$0x18300] =	vst v63  }
0x109: {  	s25 =	simm.s32 $0x16700  }
0x10a: {  	[tilespmem:s25], [sflag:$0x2] =	stream.indirect_vreg.gather [hbm4b:s5+s2], $0x80, v3, vm1, $0xb8;
	[tilespmem:$0x18300] =	vst v63  }
0x10b: {  	v3 =	vld [tilespmem:$0xF0];
	_ =	sdelay $0x4  }
0x10c: {  	v31 =	vshrl.u32 v3, $0x3  }
0x10d: {  	v4 =	vmul.u32 $0x18, v31  }
0x10e: {  	v3 =	vand.u32 $0x7, v3  }
0x10f: {  	v3 =	vor.u32 v3, v4  }
0x110: {  	v4 =	vperm.xlane v3, v0;
	_ =	sdelay $0x1  }
0x111: {  	v4 =	vadd.s32 v1, v4;
	_ =	sdelay $0x1  }
0x112: {  	v3 =	vperm.xlane v3, v2;
	_ =	sdelay $0x1  }
0x113: {  	s25 =	simm.s32 $0x16B00;
	v3 =	vadd.s32 v1, v3  }
0x114: {  	[tilespmem:s25], [sflag:$0x2] =	stream.indirect_vreg.gather [hbm4b:s4+s2], $0x80, v4, vm0, $0xb8;
	[tilespmem:$0x18300] =	vst v63  }
0x115: {  	s25 =	simm.s32 $0x17300  }
0x116: {  	[tilespmem:s25], [sflag:$0x2] =	stream.indirect_vreg.gather [hbm4b:s5+s2], $0x80, v4, vm1, $0xb8;
	[tilespmem:$0x18300] =	vst v63  }
0x117: {  	s25 =	simm.s32 $0x17700  }
0x118: {  	[tilespmem:s25], [sflag:$0x2] =	stream.indirect_vreg.gather [hbm4b:s4+s2], $0x80, v3, vm0, $0xb8;
	[tilespmem:$0x18300] =	vst v63  }
0x119: {  	s25 =	simm.s32 $0x17F00  }
0x11a: {  	[tilespmem:s25], [sflag:$0x2] =	stream.indirect_vreg.gather [hbm4b:s5+s2], $0x80, v3, vm1, $0xb8;
	[tilespmem:$0x18300] =	vst v63  }
0x11b: {  	_ =	swait.ge [sflag:s21], $0xC000  }
0x11c: {  	[sflag:s21] =	ssyncset.done $0x0  }
0x11d: {  	s25 =	rddreg [dreg:$0x8];
	[sflag:s21] =	ssyncadd.s32 $0xFFFF4000  }
0x11e: {  	[hbm4b:s25+s2] =	stream.linear.scatter [tilespmem:s14], [sflag:$0x3], $0xC000, $0x38;
	[tilespmem:$0x18300] =	vst v63  }
0x11f: {  	_ =	swait.ge [sflag:s22], $0xC000  }
0x120: {  	[sflag:s22] =	ssyncset.done $0x0  }
0x121: {  	[sflag:s22] =	ssyncadd.s32 $0xFFFF4000  }
0x122: {  	v3 =	vld [tilespmem:$0x100];
	_ =	sdelay $0x4  }
0x123: {  	v32 =	vshrl.u32 v3, $0x3  }
0x124: {  	v4 =	vmul.u32 $0x18, v32  }
0x125: {  	v3 =	vand.u32 $0x7, v3  }
0x126: {  	v3 =	vor.u32 v3, v4  }
0x127: {  	v4 =	vperm.xlane v3, v0;
	_ =	sdelay $0x1  }
0x128: {  	v4 =	vadd.s32 v1, v4;
	_ =	sdelay $0x1  }
0x129: {  	v3 =	vperm.xlane v3, v2;
	_ =	sdelay $0x1  }
0x12a: {  	v3 =	vadd.s32 v1, v3  }
0x12b: {  	[tilespmem:s14], [sflag:$0x1] =	stream.indirect_vreg.gather [hbm4b:s4+s2], $0x80, v4, vm0, $0xb8;
	[tilespmem:$0x18300] =	vst v63  }
0x12c: {  	_ = 	snop  }
0x12d: {  	[tilespmem:s26], [sflag:$0x1] =	stream.indirect_vreg.gather [hbm4b:s5+s2], $0x80, v4, vm1, $0xb8;
	[tilespmem:$0x18300] =	vst v63  }
0x12e: {  	_ = 	snop  }
0x12f: {  	[tilespmem:s28], [sflag:$0x1] =	stream.indirect_vreg.gather [hbm4b:s4+s2], $0x80, v3, vm0, $0xb8;
	[tilespmem:$0x18300] =	vst v63  }
0x130: {  	_ = 	snop  }
0x131: {  	[tilespmem:s29], [sflag:$0x1] =	stream.indirect_vreg.gather [hbm4b:s5+s2], $0x80, v3, vm1, $0xb8;
	[tilespmem:$0x18300] =	vst v63  }
0x132: {  	v3 =	vld [tilespmem:$0x110];
	_ =	sdelay $0x4  }
0x133: {  	v33 =	vshrl.u32 v3, $0x3  }
0x134: {  	v4 =	vmul.u32 $0x18, v33  }
0x135: {  	v3 =	vand.u32 $0x7, v3  }
0x136: {  	v3 =	vor.u32 v3, v4  }
0x137: {  	v4 =	vperm.xlane v3, v0;
	_ =	sdelay $0x1  }
0x138: {  	v4 =	vadd.s32 v1, v4;
	_ =	sdelay $0x1  }
0x139: {  	v3 =	vperm.xlane v3, v2;
	_ =	sdelay $0x1  }
0x13a: {  	v3 =	vadd.s32 v1, v3  }
0x13b: {  	[tilespmem:s30], [sflag:$0x1] =	stream.indirect_vreg.gather [hbm4b:s4+s2], $0x80, v4, vm0, $0xb8;
	[tilespmem:$0x18300] =	vst v63  }
0x13c: {  	_ = 	snop  }
0x13d: {  	[tilespmem:s31], [sflag:$0x1] =	stream.indirect_vreg.gather [hbm4b:s5+s2], $0x80, v4, vm1, $0xb8;
	[tilespmem:$0x18300] =	vst v63  }
0x13e: {  	_ = 	snop  }
0x13f: {  	[tilespmem:s1], [sflag:$0x1] =	stream.indirect_vreg.gather [hbm4b:s4+s2], $0x80, v3, vm0, $0xb8;
	[tilespmem:$0x18300] =	vst v63  }
0x140: {  	s25 =	simm.s32 $0x2F00  }
0x141: {  	[tilespmem:s25], [sflag:$0x1] =	stream.indirect_vreg.gather [hbm4b:s5+s2], $0x80, v3, vm1, $0xb8;
	[tilespmem:$0x18300] =	vst v63  }
0x142: {  	v3 =	vld [tilespmem:$0x120];
	_ =	sdelay $0x4  }
0x143: {  	v34 =	vshrl.u32 v3, $0x3  }
0x144: {  	v4 =	vmul.u32 $0x18, v34  }
0x145: {  	v3 =	vand.u32 $0x7, v3  }
0x146: {  	v3 =	vor.u32 v3, v4  }
0x147: {  	v4 =	vperm.xlane v3, v0;
	_ =	sdelay $0x1  }
0x148: {  	v4 =	vadd.s32 v1, v4;
	_ =	sdelay $0x1  }
0x149: {  	v3 =	vperm.xlane v3, v2;
	_ =	sdelay $0x1  }
0x14a: {  	v3 =	vadd.s32 v1, v3  }
0x14b: {  	[tilespmem:s3], [sflag:$0x1] =	stream.indirect_vreg.gather [hbm4b:s4+s2], $0x80, v4, vm0, $0xb8;
	[tilespmem:$0x18300] =	vst v63  }
0x14c: {  	_ = 	snop  }
0x14d: {  	[tilespmem:s7], [sflag:$0x1] =	stream.indirect_vreg.gather [hbm4b:s5+s2], $0x80, v4, vm1, $0xb8;
	[tilespmem:$0x18300] =	vst v63  }
0x14e: {  	_ = 	snop  }
0x14f: {  	[tilespmem:s9], [sflag:$0x1] =	stream.indirect_vreg.gather [hbm4b:s4+s2], $0x80, v3, vm0, $0xb8;
	[tilespmem:$0x18300] =	vst v63  }
0x150: {  	_ = 	snop  }
0x151: {  	[tilespmem:s10], [sflag:$0x1] =	stream.indirect_vreg.gather [hbm4b:s5+s2], $0x80, v3, vm1, $0xb8;
	[tilespmem:$0x18300] =	vst v63  }
0x152: {  	v3 =	vld [tilespmem:$0x130];
	_ =	sdelay $0x4  }
0x153: {  	v35 =	vshrl.u32 v3, $0x3  }
0x154: {  	v4 =	vmul.u32 $0x18, v35  }
0x155: {  	v3 =	vand.u32 $0x7, v3  }
0x156: {  	v3 =	vor.u32 v3, v4  }
0x157: {  	v4 =	vperm.xlane v3, v0;
	_ =	sdelay $0x1  }
0x158: {  	v4 =	vadd.s32 v1, v4;
	_ =	sdelay $0x1  }
0x159: {  	v3 =	vperm.xlane v3, v2;
	_ =	sdelay $0x1  }
0x15a: {  	v3 =	vadd.s32 v1, v3  }
0x15b: {  	[tilespmem:s11], [sflag:$0x1] =	stream.indirect_vreg.gather [hbm4b:s4+s2], $0x80, v4, vm0, $0xb8;
	[tilespmem:$0x18300] =	vst v63  }
0x15c: {  	_ = 	snop  }
0x15d: {  	[tilespmem:s12], [sflag:$0x1] =	stream.indirect_vreg.gather [hbm4b:s5+s2], $0x80, v4, vm1, $0xb8;
	[tilespmem:$0x18300] =	vst v63  }
0x15e: {  	_ = 	snop  }
0x15f: {  	[tilespmem:s13], [sflag:$0x1] =	stream.indirect_vreg.gather [hbm4b:s4+s2], $0x80, v3, vm0, $0xb8;
	[tilespmem:$0x18300] =	vst v63  }
0x160: {  	_ = 	snop  }
0x161: {  	[tilespmem:s15], [sflag:$0x1] =	stream.indirect_vreg.gather [hbm4b:s5+s2], $0x80, v3, vm1, $0xb8;
	[tilespmem:$0x18300] =	vst v63  }
0x162: {  	v3 =	vld [tilespmem:$0x140];
	_ =	sdelay $0x4  }
0x163: {  	v36 =	vshrl.u32 v3, $0x3  }
0x164: {  	v4 =	vmul.u32 $0x18, v36  }
0x165: {  	v3 =	vand.u32 $0x7, v3  }
0x166: {  	v3 =	vor.u32 v3, v4  }
0x167: {  	v4 =	vperm.xlane v3, v0;
	_ =	sdelay $0x1  }
0x168: {  	v4 =	vadd.s32 v1, v4;
	_ =	sdelay $0x1  }
0x169: {  	v3 =	vperm.xlane v3, v2;
	_ =	sdelay $0x1  }
0x16a: {  	v3 =	vadd.s32 v1, v3  }
0x16b: {  	[tilespmem:s16], [sflag:$0x1] =	stream.indirect_vreg.gather [hbm4b:s4+s2], $0x80, v4, vm0, $0xb8;
	[tilespmem:$0x18300] =	vst v63  }
0x16c: {  	_ = 	snop  }
0x16d: {  	[tilespmem:s17], [sflag:$0x1] =	stream.indirect_vreg.gather [hbm4b:s5+s2], $0x80, v4, vm1, $0xb8;
	[tilespmem:$0x18300] =	vst v63  }
0x16e: {  	_ = 	snop  }
0x16f: {  	[tilespmem:s18], [sflag:$0x1] =	stream.indirect_vreg.gather [hbm4b:s4+s2], $0x80, v3, vm0, $0xb8;
	[tilespmem:$0x18300] =	vst v63  }
0x170: {  	_ = 	snop  }
0x171: {  	[tilespmem:s19], [sflag:$0x1] =	stream.indirect_vreg.gather [hbm4b:s5+s2], $0x80, v3, vm1, $0xb8;
	[tilespmem:$0x18300] =	vst v63  }
0x172: {  	v3 =	vld [tilespmem:$0x150];
	_ =	sdelay $0x4  }
0x173: {  	v37 =	vshrl.u32 v3, $0x3  }
0x174: {  	v4 =	vmul.u32 $0x18, v37  }
0x175: {  	v3 =	vand.u32 $0x7, v3  }
0x176: {  	v3 =	vor.u32 v3, v4  }
0x177: {  	v4 =	vperm.xlane v3, v0;
	_ =	sdelay $0x1  }
0x178: {  	v4 =	vadd.s32 v1, v4;
	_ =	sdelay $0x1  }
0x179: {  	v3 =	vperm.xlane v3, v2;
	_ =	sdelay $0x1  }
0x17a: {  	v3 =	vadd.s32 v1, v3  }
0x17b: {  	[tilespmem:s20], [sflag:$0x1] =	stream.indirect_vreg.gather [hbm4b:s4+s2], $0x80, v4, vm0, $0xb8;
	[tilespmem:$0x18300] =	vst v63  }
0x17c: {  	_ = 	snop  }
0x17d: {  	[tilespmem:s8], [sflag:$0x1] =	stream.indirect_vreg.gather [hbm4b:s5+s2], $0x80, v4, vm1, $0xb8;
	[tilespmem:$0x18300] =	vst v63  }
0x17e: {  	s25 =	simm.s32 $0x8700  }
0x17f: {  	[tilespmem:s25], [sflag:$0x1] =	stream.indirect_vreg.gather [hbm4b:s4+s2], $0x80, v3, vm0, $0xb8;
	[tilespmem:$0x18300] =	vst v63  }
0x180: {  	s25 =	simm.s32 $0x8F00  }
0x181: {  	[tilespmem:s25], [sflag:$0x1] =	stream.indirect_vreg.gather [hbm4b:s5+s2], $0x80, v3, vm1, $0xb8;
	[tilespmem:$0x18300] =	vst v63  }
0x182: {  	v3 =	vld [tilespmem:$0x160];
	_ =	sdelay $0x4  }
0x183: {  	v38 =	vshrl.u32 v3, $0x3  }
0x184: {  	v4 =	vmul.u32 $0x18, v38  }
0x185: {  	v3 =	vand.u32 $0x7, v3  }
0x186: {  	v3 =	vor.u32 v3, v4  }
0x187: {  	v4 =	vperm.xlane v3, v0;
	_ =	sdelay $0x1  }
0x188: {  	v4 =	vadd.s32 v1, v4;
	_ =	sdelay $0x1  }
0x189: {  	v3 =	vperm.xlane v3, v2;
	_ =	sdelay $0x1  }
0x18a: {  	s25 =	simm.s32 $0x9300;
	v3 =	vadd.s32 v1, v3  }
0x18b: {  	[tilespmem:s25], [sflag:$0x1] =	stream.indirect_vreg.gather [hbm4b:s4+s2], $0x80, v4, vm0, $0xb8;
	[tilespmem:$0x18300] =	vst v63  }
0x18c: {  	s25 =	simm.s32 $0x9B00  }
0x18d: {  	[tilespmem:s25], [sflag:$0x1] =	stream.indirect_vreg.gather [hbm4b:s5+s2], $0x80, v4, vm1, $0xb8;
	[tilespmem:$0x18300] =	vst v63  }
0x18e: {  	s25 =	simm.s32 $0x9F00  }
0x18f: {  	[tilespmem:s25], [sflag:$0x1] =	stream.indirect_vreg.gather [hbm4b:s4+s2], $0x80, v3, vm0, $0xb8;
	[tilespmem:$0x18300] =	vst v63  }
0x190: {  	s25 =	simm.s32 $0xA700  }
0x191: {  	[tilespmem:s25], [sflag:$0x1] =	stream.indirect_vreg.gather [hbm4b:s5+s2], $0x80, v3, vm1, $0xb8;
	[tilespmem:$0x18300] =	vst v63  }
0x192: {  	v3 =	vld [tilespmem:$0x170];
	_ =	sdelay $0x4  }
0x193: {  	v39 =	vshrl.u32 v3, $0x3  }
0x194: {  	v4 =	vmul.u32 $0x18, v39  }
0x195: {  	v3 =	vand.u32 $0x7, v3  }
0x196: {  	v3 =	vor.u32 v3, v4  }
0x197: {  	v4 =	vperm.xlane v3, v0;
	_ =	sdelay $0x1  }
0x198: {  	v4 =	vadd.s32 v1, v4;
	_ =	sdelay $0x1  }
0x199: {  	v3 =	vperm.xlane v3, v2;
	_ =	sdelay $0x1  }
0x19a: {  	s25 =	simm.s32 $0xAB00;
	v3 =	vadd.s32 v1, v3  }
0x19b: {  	[tilespmem:s25], [sflag:$0x1] =	stream.indirect_vreg.gather [hbm4b:s4+s2], $0x80, v4, vm0, $0xb8;
	[tilespmem:$0x18300] =	vst v63  }
0x19c: {  	s25 =	simm.s32 $0xB300  }
0x19d: {  	[tilespmem:s25], [sflag:$0x1] =	stream.indirect_vreg.gather [hbm4b:s5+s2], $0x80, v4, vm1, $0xb8;
	[tilespmem:$0x18300] =	vst v63  }
0x19e: {  	s25 =	simm.s32 $0xB700  }
0x19f: {  	[tilespmem:s25], [sflag:$0x1] =	stream.indirect_vreg.gather [hbm4b:s4+s2], $0x80, v3, vm0, $0xb8;
	[tilespmem:$0x18300] =	vst v63  }
0x1a0: {  	s25 =	simm.s32 $0xBF00  }
0x1a1: {  	[tilespmem:s25], [sflag:$0x1] =	stream.indirect_vreg.gather [hbm4b:s5+s2], $0x80, v3, vm1, $0xb8;
	[tilespmem:$0x18300] =	vst v63  }
0x1a2: {  	_ =	swait.ge [sflag:s23], $0xC000  }
0x1a3: {  	[sflag:s23] =	ssyncset.done $0x0  }
0x1a4: {  	s25 =	rddreg [dreg:$0x3];
	[sflag:s23] =	ssyncadd.s32 $0xFFFF4000  }
0x1a5: {  	[hbm4b:s25+s2] =	stream.linear.scatter [tilespmem:s0], [sflag:$0x4], $0xC000, $0x38;
	[tilespmem:$0x18300] =	vst v63  }
0x1a6: {  	_ =	swait.ge [sflag:s24], $0xC000  }
0x1a7: {  	[sflag:s24] =	ssyncset.done $0x0  }
0x1a8: {  	[sflag:s24] =	ssyncadd.s32 $0xFFFF4000  }
0x1a9: {  	v3 =	vld [tilespmem:$0x180];
	_ =	sdelay $0x4  }
0x1aa: {  	v40 =	vshrl.u32 v3, $0x3  }
0x1ab: {  	v4 =	vmul.u32 $0x18, v40  }
0x1ac: {  	v3 =	vand.u32 $0x7, v3  }
0x1ad: {  	v3 =	vor.u32 v3, v4  }
0x1ae: {  	v4 =	vperm.xlane v3, v0;
	_ =	sdelay $0x1  }
0x1af: {  	v4 =	vadd.s32 v1, v4;
	_ =	sdelay $0x1  }
0x1b0: {  	v3 =	vperm.xlane v3, v2;
	_ =	sdelay $0x1  }
0x1b1: {  	v3 =	vadd.s32 v1, v3  }
0x1b2: {  	[tilespmem:s0], [sflag:$0x2] =	stream.indirect_vreg.gather [hbm4b:s4+s2], $0x80, v4, vm0, $0xb8;
	[tilespmem:$0x18300] =	vst v63  }
0x1b3: {  	s25 =	simm.s32 $0xCB00  }
0x1b4: {  	[tilespmem:s25], [sflag:$0x2] =	stream.indirect_vreg.gather [hbm4b:s5+s2], $0x80, v4, vm1, $0xb8;
	[tilespmem:$0x18300] =	vst v63  }
0x1b5: {  	s25 =	simm.s32 $0xCF00  }
0x1b6: {  	[tilespmem:s25], [sflag:$0x2] =	stream.indirect_vreg.gather [hbm4b:s4+s2], $0x80, v3, vm0, $0xb8;
	[tilespmem:$0x18300] =	vst v63  }
0x1b7: {  	s25 =	simm.s32 $0xD700  }
0x1b8: {  	[tilespmem:s25], [sflag:$0x2] =	stream.indirect_vreg.gather [hbm4b:s5+s2], $0x80, v3, vm1, $0xb8;
	[tilespmem:$0x18300] =	vst v63  }
0x1b9: {  	v3 =	vld [tilespmem:$0x190];
	_ =	sdelay $0x4  }
0x1ba: {  	v41 =	vshrl.u32 v3, $0x3  }
0x1bb: {  	v4 =	vmul.u32 $0x18, v41  }
0x1bc: {  	v3 =	vand.u32 $0x7, v3  }
0x1bd: {  	v3 =	vor.u32 v3, v4  }
0x1be: {  	v4 =	vperm.xlane v3, v0;
	_ =	sdelay $0x1  }
0x1bf: {  	v4 =	vadd.s32 v1, v4;
	_ =	sdelay $0x1  }
0x1c0: {  	v3 =	vperm.xlane v3, v2;
	_ =	sdelay $0x1  }
0x1c1: {  	s25 =	simm.s32 $0xDB00;
	v3 =	vadd.s32 v1, v3  }
0x1c2: {  	[tilespmem:s25], [sflag:$0x2] =	stream.indirect_vreg.gather [hbm4b:s4+s2], $0x80, v4, vm0, $0xb8;
	[tilespmem:$0x18300] =	vst v63  }
0x1c3: {  	s25 =	simm.s32 $0xE300  }
0x1c4: {  	[tilespmem:s25], [sflag:$0x2] =	stream.indirect_vreg.gather [hbm4b:s5+s2], $0x80, v4, vm1, $0xb8;
	[tilespmem:$0x18300] =	vst v63  }
0x1c5: {  	s25 =	simm.s32 $0xE700  }
0x1c6: {  	[tilespmem:s25], [sflag:$0x2] =	stream.indirect_vreg.gather [hbm4b:s4+s2], $0x80, v3, vm0, $0xb8;
	[tilespmem:$0x18300] =	vst v63  }
0x1c7: {  	s25 =	simm.s32 $0xEF00  }
0x1c8: {  	[tilespmem:s25], [sflag:$0x2] =	stream.indirect_vreg.gather [hbm4b:s5+s2], $0x80, v3, vm1, $0xb8;
	[tilespmem:$0x18300] =	vst v63  }
0x1c9: {  	v3 =	vld [tilespmem:$0x1A0];
	_ =	sdelay $0x4  }
0x1ca: {  	v42 =	vshrl.u32 v3, $0x3  }
0x1cb: {  	v4 =	vmul.u32 $0x18, v42  }
0x1cc: {  	v3 =	vand.u32 $0x7, v3  }
0x1cd: {  	v3 =	vor.u32 v3, v4  }
0x1ce: {  	v4 =	vperm.xlane v3, v0;
	_ =	sdelay $0x1  }
0x1cf: {  	v4 =	vadd.s32 v1, v4;
	_ =	sdelay $0x1  }
0x1d0: {  	v3 =	vperm.xlane v3, v2;
	_ =	sdelay $0x1  }
0x1d1: {  	s25 =	simm.s32 $0xF300;
	v3 =	vadd.s32 v1, v3  }
0x1d2: {  	[tilespmem:s25], [sflag:$0x2] =	stream.indirect_vreg.gather [hbm4b:s4+s2], $0x80, v4, vm0, $0xb8;
	[tilespmem:$0x18300] =	vst v63  }
0x1d3: {  	s25 =	simm.s32 $0xFB00  }
0x1d4: {  	[tilespmem:s25], [sflag:$0x2] =	stream.indirect_vreg.gather [hbm4b:s5+s2], $0x80, v4, vm1, $0xb8;
	[tilespmem:$0x18300] =	vst v63  }
0x1d5: {  	s25 =	simm.s32 $0xFF00  }
0x1d6: {  	[tilespmem:s25], [sflag:$0x2] =	stream.indirect_vreg.gather [hbm4b:s4+s2], $0x80, v3, vm0, $0xb8;
	[tilespmem:$0x18300] =	vst v63  }
0x1d7: {  	s25 =	simm.s32 $0x10700  }
0x1d8: {  	[tilespmem:s25], [sflag:$0x2] =	stream.indirect_vreg.gather [hbm4b:s5+s2], $0x80, v3, vm1, $0xb8;
	[tilespmem:$0x18300] =	vst v63  }
0x1d9: {  	v3 =	vld [tilespmem:$0x1B0];
	_ =	sdelay $0x4  }
0x1da: {  	v43 =	vshrl.u32 v3, $0x3  }
0x1db: {  	v4 =	vmul.u32 $0x18, v43  }
0x1dc: {  	v3 =	vand.u32 $0x7, v3  }
0x1dd: {  	v3 =	vor.u32 v3, v4  }
0x1de: {  	v4 =	vperm.xlane v3, v0;
	_ =	sdelay $0x1  }
0x1df: {  	v4 =	vadd.s32 v1, v4;
	_ =	sdelay $0x1  }
0x1e0: {  	v3 =	vperm.xlane v3, v2;
	_ =	sdelay $0x1  }
0x1e1: {  	s25 =	simm.s32 $0x10B00;
	v3 =	vadd.s32 v1, v3  }
0x1e2: {  	[tilespmem:s25], [sflag:$0x2] =	stream.indirect_vreg.gather [hbm4b:s4+s2], $0x80, v4, vm0, $0xb8;
	[tilespmem:$0x18300] =	vst v63  }
0x1e3: {  	s25 =	simm.s32 $0x11300  }
0x1e4: {  	[tilespmem:s25], [sflag:$0x2] =	stream.indirect_vreg.gather [hbm4b:s5+s2], $0x80, v4, vm1, $0xb8;
	[tilespmem:$0x18300] =	vst v63  }
0x1e5: {  	s25 =	simm.s32 $0x11700  }
0x1e6: {  	[tilespmem:s25], [sflag:$0x2] =	stream.indirect_vreg.gather [hbm4b:s4+s2], $0x80, v3, vm0, $0xb8;
	[tilespmem:$0x18300] =	vst v63  }
0x1e7: {  	s25 =	simm.s32 $0x11F00  }
0x1e8: {  	[tilespmem:s25], [sflag:$0x2] =	stream.indirect_vreg.gather [hbm4b:s5+s2], $0x80, v3, vm1, $0xb8;
	[tilespmem:$0x18300] =	vst v63  }
0x1e9: {  	v3 =	vld [tilespmem:$0x1C0];
	_ =	sdelay $0x4  }
0x1ea: {  	v44 =	vshrl.u32 v3, $0x3  }
0x1eb: {  	v4 =	vmul.u32 $0x18, v44  }
0x1ec: {  	v3 =	vand.u32 $0x7, v3  }
0x1ed: {  	v3 =	vor.u32 v3, v4  }
0x1ee: {  	v4 =	vperm.xlane v3, v0;
	_ =	sdelay $0x1  }
0x1ef: {  	v4 =	vadd.s32 v1, v4;
	_ =	sdelay $0x1  }
0x1f0: {  	v3 =	vperm.xlane v3, v2;
	_ =	sdelay $0x1  }
0x1f1: {  	s25 =	simm.s32 $0x12300;
	v3 =	vadd.s32 v1, v3  }
0x1f2: {  	[tilespmem:s25], [sflag:$0x2] =	stream.indirect_vreg.gather [hbm4b:s4+s2], $0x80, v4, vm0, $0xb8;
	[tilespmem:$0x18300] =	vst v63  }
0x1f3: {  	s25 =	simm.s32 $0x12B00  }
0x1f4: {  	[tilespmem:s25], [sflag:$0x2] =	stream.indirect_vreg.gather [hbm4b:s5+s2], $0x80, v4, vm1, $0xb8;
	[tilespmem:$0x18300] =	vst v63  }
0x1f5: {  	s25 =	simm.s32 $0x12F00  }
0x1f6: {  	[tilespmem:s25], [sflag:$0x2] =	stream.indirect_vreg.gather [hbm4b:s4+s2], $0x80, v3, vm0, $0xb8;
	[tilespmem:$0x18300] =	vst v63  }
0x1f7: {  	s25 =	simm.s32 $0x13700  }
0x1f8: {  	[tilespmem:s25], [sflag:$0x2] =	stream.indirect_vreg.gather [hbm4b:s5+s2], $0x80, v3, vm1, $0xb8;
	[tilespmem:$0x18300] =	vst v63  }
0x1f9: {  	v3 =	vld [tilespmem:$0x1D0];
	_ =	sdelay $0x4  }
0x1fa: {  	v45 =	vshrl.u32 v3, $0x3  }
0x1fb: {  	v4 =	vmul.u32 $0x18, v45  }
0x1fc: {  	v3 =	vand.u32 $0x7, v3  }
0x1fd: {  	v3 =	vor.u32 v3, v4  }
0x1fe: {  	v4 =	vperm.xlane v3, v0;
	_ =	sdelay $0x1  }
0x1ff: {  	v4 =	vadd.s32 v1, v4;
	_ =	sdelay $0x1  }
0x200: {  	v3 =	vperm.xlane v3, v2;
	_ =	sdelay $0x1  }
0x201: {  	s25 =	simm.s32 $0x13B00;
	v3 =	vadd.s32 v1, v3  }
0x202: {  	[tilespmem:s25], [sflag:$0x2] =	stream.indirect_vreg.gather [hbm4b:s4+s2], $0x80, v4, vm0, $0xb8;
	[tilespmem:$0x18300] =	vst v63  }
0x203: {  	s25 =	simm.s32 $0x14300  }
0x204: {  	[tilespmem:s25], [sflag:$0x2] =	stream.indirect_vreg.gather [hbm4b:s5+s2], $0x80, v4, vm1, $0xb8;
	[tilespmem:$0x18300] =	vst v63  }
0x205: {  	s25 =	simm.s32 $0x14700  }
0x206: {  	[tilespmem:s25], [sflag:$0x2] =	stream.indirect_vreg.gather [hbm4b:s4+s2], $0x80, v3, vm0, $0xb8;
	[tilespmem:$0x18300] =	vst v63  }
0x207: {  	s25 =	simm.s32 $0x14F00  }
0x208: {  	[tilespmem:s25], [sflag:$0x2] =	stream.indirect_vreg.gather [hbm4b:s5+s2], $0x80, v3, vm1, $0xb8;
	[tilespmem:$0x18300] =	vst v63  }
0x209: {  	v3 =	vld [tilespmem:$0x1E0];
	_ =	sdelay $0x4  }
0x20a: {  	v46 =	vshrl.u32 v3, $0x3  }
0x20b: {  	v4 =	vmul.u32 $0x18, v46  }
0x20c: {  	v3 =	vand.u32 $0x7, v3  }
0x20d: {  	v3 =	vor.u32 v3, v4  }
0x20e: {  	v4 =	vperm.xlane v3, v0;
	_ =	sdelay $0x1  }
0x20f: {  	v4 =	vadd.s32 v1, v4;
	_ =	sdelay $0x1  }
0x210: {  	v3 =	vperm.xlane v3, v2;
	_ =	sdelay $0x1  }
0x211: {  	s25 =	simm.s32 $0x15300;
	v3 =	vadd.s32 v1, v3  }
0x212: {  	[tilespmem:s25], [sflag:$0x2] =	stream.indirect_vreg.gather [hbm4b:s4+s2], $0x80, v4, vm0, $0xb8;
	[tilespmem:$0x18300] =	vst v63  }
0x213: {  	s25 =	simm.s32 $0x15B00  }
0x214: {  	[tilespmem:s25], [sflag:$0x2] =	stream.indirect_vreg.gather [hbm4b:s5+s2], $0x80, v4, vm1, $0xb8;
	[tilespmem:$0x18300] =	vst v63  }
0x215: {  	s25 =	simm.s32 $0x15F00  }
0x216: {  	[tilespmem:s25], [sflag:$0x2] =	stream.indirect_vreg.gather [hbm4b:s4+s2], $0x80, v3, vm0, $0xb8;
	[tilespmem:$0x18300] =	vst v63  }
0x217: {  	s25 =	simm.s32 $0x16700  }
0x218: {  	[tilespmem:s25], [sflag:$0x2] =	stream.indirect_vreg.gather [hbm4b:s5+s2], $0x80, v3, vm1, $0xb8;
	[tilespmem:$0x18300] =	vst v63  }
0x219: {  	v3 =	vld [tilespmem:$0x1F0];
	_ =	sdelay $0x4  }
0x21a: {  	v47 =	vshrl.u32 v3, $0x3  }
0x21b: {  	v4 =	vmul.u32 $0x18, v47  }
0x21c: {  	v3 =	vand.u32 $0x7, v3  }
0x21d: {  	v3 =	vor.u32 v3, v4  }
0x21e: {  	v4 =	vperm.xlane v3, v0;
	_ =	sdelay $0x1  }
0x21f: {  	v4 =	vadd.s32 v1, v4;
	_ =	sdelay $0x1  }
0x220: {  	v3 =	vperm.xlane v3, v2;
	_ =	sdelay $0x1  }
0x221: {  	s25 =	simm.s32 $0x16B00;
	v3 =	vadd.s32 v1, v3  }
0x222: {  	[tilespmem:s25], [sflag:$0x2] =	stream.indirect_vreg.gather [hbm4b:s4+s2], $0x80, v4, vm0, $0xb8;
	[tilespmem:$0x18300] =	vst v63  }
0x223: {  	s25 =	simm.s32 $0x17300  }
0x224: {  	[tilespmem:s25], [sflag:$0x2] =	stream.indirect_vreg.gather [hbm4b:s5+s2], $0x80, v4, vm1, $0xb8;
	[tilespmem:$0x18300] =	vst v63  }
0x225: {  	s25 =	simm.s32 $0x17700  }
0x226: {  	[tilespmem:s25], [sflag:$0x2] =	stream.indirect_vreg.gather [hbm4b:s4+s2], $0x80, v3, vm0, $0xb8;
	[tilespmem:$0x18300] =	vst v63  }
0x227: {  	s25 =	simm.s32 $0x17F00  }
0x228: {  	[tilespmem:s25], [sflag:$0x2] =	stream.indirect_vreg.gather [hbm4b:s5+s2], $0x80, v3, vm1, $0xb8;
	[tilespmem:$0x18300] =	vst v63  }
0x229: {  	_ =	swait.ge [sflag:s21], $0xC000  }
0x22a: {  	[sflag:s21] =	ssyncset.done $0x0  }
0x22b: {  	s25 =	rddreg [dreg:$0x4];
	[sflag:s21] =	ssyncadd.s32 $0xFFFF4000  }
0x22c: {  	[hbm4b:s25+s2] =	stream.linear.scatter [tilespmem:s14], [sflag:$0x3], $0xC000, $0x38;
	[tilespmem:$0x18300] =	vst v63  }
0x22d: {  	_ =	swait.ge [sflag:s22], $0xC000  }
0x22e: {  	[sflag:s22] =	ssyncset.done $0x0  }
0x22f: {  	[sflag:s22] =	ssyncadd.s32 $0xFFFF4000  }
0x230: {  	v3 =	vld [tilespmem:$0x200];
	_ =	sdelay $0x4  }
0x231: {  	v48 =	vshrl.u32 v3, $0x3  }
0x232: {  	v4 =	vmul.u32 $0x18, v48  }
0x233: {  	v3 =	vand.u32 $0x7, v3  }
0x234: {  	v3 =	vor.u32 v3, v4  }
0x235: {  	v4 =	vperm.xlane v3, v0;
	_ =	sdelay $0x1  }
0x236: {  	v4 =	vadd.s32 v1, v4;
	_ =	sdelay $0x1  }
0x237: {  	v3 =	vperm.xlane v3, v2;
	_ =	sdelay $0x1  }
0x238: {  	v3 =	vadd.s32 v1, v3  }
0x239: {  	[tilespmem:s14], [sflag:$0x1] =	stream.indirect_vreg.gather [hbm4b:s4+s2], $0x80, v4, vm0, $0xb8;
	[tilespmem:$0x18300] =	vst v63  }
0x23a: {  	_ = 	snop  }
0x23b: {  	[tilespmem:s26], [sflag:$0x1] =	stream.indirect_vreg.gather [hbm4b:s5+s2], $0x80, v4, vm1, $0xb8;
	[tilespmem:$0x18300] =	vst v63  }
0x23c: {  	_ = 	snop  }
0x23d: {  	[tilespmem:s28], [sflag:$0x1] =	stream.indirect_vreg.gather [hbm4b:s4+s2], $0x80, v3, vm0, $0xb8;
	[tilespmem:$0x18300] =	vst v63  }
0x23e: {  	_ = 	snop  }
0x23f: {  	[tilespmem:s29], [sflag:$0x1] =	stream.indirect_vreg.gather [hbm4b:s5+s2], $0x80, v3, vm1, $0xb8;
	[tilespmem:$0x18300] =	vst v63  }
0x240: {  	v3 =	vld [tilespmem:$0x210];
	_ =	sdelay $0x4  }
0x241: {  	v49 =	vshrl.u32 v3, $0x3  }
0x242: {  	v4 =	vmul.u32 $0x18, v49  }
0x243: {  	v3 =	vand.u32 $0x7, v3  }
0x244: {  	v3 =	vor.u32 v3, v4  }
0x245: {  	v4 =	vperm.xlane v3, v0;
	_ =	sdelay $0x1  }
0x246: {  	v4 =	vadd.s32 v1, v4;
	_ =	sdelay $0x1  }
0x247: {  	v3 =	vperm.xlane v3, v2;
	_ =	sdelay $0x1  }
0x248: {  	v3 =	vadd.s32 v1, v3  }
0x249: {  	[tilespmem:s30], [sflag:$0x1] =	stream.indirect_vreg.gather [hbm4b:s4+s2], $0x80, v4, vm0, $0xb8;
	[tilespmem:$0x18300] =	vst v63  }
0x24a: {  	_ = 	snop  }
0x24b: {  	[tilespmem:s31], [sflag:$0x1] =	stream.indirect_vreg.gather [hbm4b:s5+s2], $0x80, v4, vm1, $0xb8;
	[tilespmem:$0x18300] =	vst v63  }
0x24c: {  	_ = 	snop  }
0x24d: {  	[tilespmem:s1], [sflag:$0x1] =	stream.indirect_vreg.gather [hbm4b:s4+s2], $0x80, v3, vm0, $0xb8;
	[tilespmem:$0x18300] =	vst v63  }
0x24e: {  	s25 =	simm.s32 $0x2F00  }
0x24f: {  	[tilespmem:s25], [sflag:$0x1] =	stream.indirect_vreg.gather [hbm4b:s5+s2], $0x80, v3, vm1, $0xb8;
	[tilespmem:$0x18300] =	vst v63  }
0x250: {  	v3 =	vld [tilespmem:$0x220];
	_ =	sdelay $0x4  }
0x251: {  	v50 =	vshrl.u32 v3, $0x3  }
0x252: {  	v4 =	vmul.u32 $0x18, v50  }
0x253: {  	v3 =	vand.u32 $0x7, v3  }
0x254: {  	v3 =	vor.u32 v3, v4  }
0x255: {  	v4 =	vperm.xlane v3, v0;
	_ =	sdelay $0x1  }
0x256: {  	v4 =	vadd.s32 v1, v4;
	_ =	sdelay $0x1  }
0x257: {  	v3 =	vperm.xlane v3, v2;
	_ =	sdelay $0x1  }
0x258: {  	v3 =	vadd.s32 v1, v3  }
0x259: {  	[tilespmem:s3], [sflag:$0x1] =	stream.indirect_vreg.gather [hbm4b:s4+s2], $0x80, v4, vm0, $0xb8;
	[tilespmem:$0x18300] =	vst v63  }
0x25a: {  	_ = 	snop  }
0x25b: {  	[tilespmem:s7], [sflag:$0x1] =	stream.indirect_vreg.gather [hbm4b:s5+s2], $0x80, v4, vm1, $0xb8;
	[tilespmem:$0x18300] =	vst v63  }
0x25c: {  	_ = 	snop  }
0x25d: {  	[tilespmem:s9], [sflag:$0x1] =	stream.indirect_vreg.gather [hbm4b:s4+s2], $0x80, v3, vm0, $0xb8;
	[tilespmem:$0x18300] =	vst v63  }
0x25e: {  	_ = 	snop  }
0x25f: {  	[tilespmem:s10], [sflag:$0x1] =	stream.indirect_vreg.gather [hbm4b:s5+s2], $0x80, v3, vm1, $0xb8;
	[tilespmem:$0x18300] =	vst v63  }
0x260: {  	v3 =	vld [tilespmem:$0x230];
	_ =	sdelay $0x4  }
0x261: {  	v51 =	vshrl.u32 v3, $0x3  }
0x262: {  	v4 =	vmul.u32 $0x18, v51  }
0x263: {  	v3 =	vand.u32 $0x7, v3  }
0x264: {  	v3 =	vor.u32 v3, v4  }
0x265: {  	v4 =	vperm.xlane v3, v0;
	_ =	sdelay $0x1  }
0x266: {  	v4 =	vadd.s32 v1, v4;
	_ =	sdelay $0x1  }
0x267: {  	v3 =	vperm.xlane v3, v2;
	_ =	sdelay $0x1  }
0x268: {  	v3 =	vadd.s32 v1, v3  }
0x269: {  	[tilespmem:s11], [sflag:$0x1] =	stream.indirect_vreg.gather [hbm4b:s4+s2], $0x80, v4, vm0, $0xb8;
	[tilespmem:$0x18300] =	vst v63  }
0x26a: {  	_ = 	snop  }
0x26b: {  	[tilespmem:s12], [sflag:$0x1] =	stream.indirect_vreg.gather [hbm4b:s5+s2], $0x80, v4, vm1, $0xb8;
	[tilespmem:$0x18300] =	vst v63  }
0x26c: {  	_ = 	snop  }
0x26d: {  	[tilespmem:s13], [sflag:$0x1] =	stream.indirect_vreg.gather [hbm4b:s4+s2], $0x80, v3, vm0, $0xb8;
	[tilespmem:$0x18300] =	vst v63  }
0x26e: {  	_ = 	snop  }
0x26f: {  	[tilespmem:s15], [sflag:$0x1] =	stream.indirect_vreg.gather [hbm4b:s5+s2], $0x80, v3, vm1, $0xb8;
	[tilespmem:$0x18300] =	vst v63  }
0x270: {  	v3 =	vld [tilespmem:$0x240];
	_ =	sdelay $0x4  }
0x271: {  	v52 =	vshrl.u32 v3, $0x3  }
0x272: {  	v4 =	vmul.u32 $0x18, v52  }
0x273: {  	v3 =	vand.u32 $0x7, v3  }
0x274: {  	v3 =	vor.u32 v3, v4  }
0x275: {  	v4 =	vperm.xlane v3, v0;
	_ =	sdelay $0x1  }
0x276: {  	v4 =	vadd.s32 v1, v4;
	_ =	sdelay $0x1  }
0x277: {  	v3 =	vperm.xlane v3, v2;
	_ =	sdelay $0x1  }
0x278: {  	v3 =	vadd.s32 v1, v3  }
0x279: {  	[tilespmem:s16], [sflag:$0x1] =	stream.indirect_vreg.gather [hbm4b:s4+s2], $0x80, v4, vm0, $0xb8;
	[tilespmem:$0x18300] =	vst v63  }
0x27a: {  	_ = 	snop  }
0x27b: {  	[tilespmem:s17], [sflag:$0x1] =	stream.indirect_vreg.gather [hbm4b:s5+s2], $0x80, v4, vm1, $0xb8;
	[tilespmem:$0x18300] =	vst v63  }
0x27c: {  	_ = 	snop  }
0x27d: {  	[tilespmem:s18], [sflag:$0x1] =	stream.indirect_vreg.gather [hbm4b:s4+s2], $0x80, v3, vm0, $0xb8;
	[tilespmem:$0x18300] =	vst v63  }
0x27e: {  	_ = 	snop  }
0x27f: {  	[tilespmem:s19], [sflag:$0x1] =	stream.indirect_vreg.gather [hbm4b:s5+s2], $0x80, v3, vm1, $0xb8;
	[tilespmem:$0x18300] =	vst v63  }
0x280: {  	v3 =	vld [tilespmem:$0x250];
	_ =	sdelay $0x4  }
0x281: {  	v53 =	vshrl.u32 v3, $0x3  }
0x282: {  	v4 =	vmul.u32 $0x18, v53  }
0x283: {  	v3 =	vand.u32 $0x7, v3  }
0x284: {  	v3 =	vor.u32 v3, v4  }
0x285: {  	v4 =	vperm.xlane v3, v0;
	_ =	sdelay $0x1  }
0x286: {  	v4 =	vadd.s32 v1, v4;
	_ =	sdelay $0x1  }
0x287: {  	v3 =	vperm.xlane v3, v2;
	_ =	sdelay $0x1  }
0x288: {  	v3 =	vadd.s32 v1, v3  }
0x289: {  	[tilespmem:s20], [sflag:$0x1] =	stream.indirect_vreg.gather [hbm4b:s4+s2], $0x80, v4, vm0, $0xb8;
	[tilespmem:$0x18300] =	vst v63  }
0x28a: {  	_ = 	snop  }
0x28b: {  	[tilespmem:s8], [sflag:$0x1] =	stream.indirect_vreg.gather [hbm4b:s5+s2], $0x80, v4, vm1, $0xb8;
	[tilespmem:$0x18300] =	vst v63  }
0x28c: {  	s25 =	simm.s32 $0x8700  }
0x28d: {  	[tilespmem:s25], [sflag:$0x1] =	stream.indirect_vreg.gather [hbm4b:s4+s2], $0x80, v3, vm0, $0xb8;
	[tilespmem:$0x18300] =	vst v63  }
0x28e: {  	s25 =	simm.s32 $0x8F00  }
0x28f: {  	[tilespmem:s25], [sflag:$0x1] =	stream.indirect_vreg.gather [hbm4b:s5+s2], $0x80, v3, vm1, $0xb8;
	[tilespmem:$0x18300] =	vst v63  }
0x290: {  	v3 =	vld [tilespmem:$0x260];
	_ =	sdelay $0x4  }
0x291: {  	v54 =	vshrl.u32 v3, $0x3  }
0x292: {  	v4 =	vmul.u32 $0x18, v54  }
0x293: {  	v3 =	vand.u32 $0x7, v3  }
0x294: {  	v3 =	vor.u32 v3, v4  }
0x295: {  	v4 =	vperm.xlane v3, v0;
	_ =	sdelay $0x1  }
0x296: {  	v4 =	vadd.s32 v1, v4;
	_ =	sdelay $0x1  }
0x297: {  	v3 =	vperm.xlane v3, v2;
	_ =	sdelay $0x1  }
0x298: {  	s25 =	simm.s32 $0x9300;
	v3 =	vadd.s32 v1, v3  }
0x299: {  	[tilespmem:s25], [sflag:$0x1] =	stream.indirect_vreg.gather [hbm4b:s4+s2], $0x80, v4, vm0, $0xb8;
	[tilespmem:$0x18300] =	vst v63  }
0x29a: {  	s25 =	simm.s32 $0x9B00  }
0x29b: {  	[tilespmem:s25], [sflag:$0x1] =	stream.indirect_vreg.gather [hbm4b:s5+s2], $0x80, v4, vm1, $0xb8;
	[tilespmem:$0x18300] =	vst v63  }
0x29c: {  	s25 =	simm.s32 $0x9F00  }
0x29d: {  	[tilespmem:s25], [sflag:$0x1] =	stream.indirect_vreg.gather [hbm4b:s4+s2], $0x80, v3, vm0, $0xb8;
	[tilespmem:$0x18300] =	vst v63  }
0x29e: {  	s25 =	simm.s32 $0xA700  }
0x29f: {  	[tilespmem:s25], [sflag:$0x1] =	stream.indirect_vreg.gather [hbm4b:s5+s2], $0x80, v3, vm1, $0xb8;
	[tilespmem:$0x18300] =	vst v63  }
0x2a0: {  	v3 =	vld [tilespmem:$0x270];
	_ =	sdelay $0x4  }
0x2a1: {  	v55 =	vshrl.u32 v3, $0x3  }
0x2a2: {  	v4 =	vmul.u32 $0x18, v55  }
0x2a3: {  	v3 =	vand.u32 $0x7, v3  }
0x2a4: {  	v3 =	vor.u32 v3, v4  }
0x2a5: {  	v4 =	vperm.xlane v3, v0;
	_ =	sdelay $0x1  }
0x2a6: {  	v4 =	vadd.s32 v1, v4;
	_ =	sdelay $0x1  }
0x2a7: {  	v3 =	vperm.xlane v3, v2;
	_ =	sdelay $0x1  }
0x2a8: {  	s25 =	simm.s32 $0xAB00;
	v3 =	vadd.s32 v1, v3  }
0x2a9: {  	[tilespmem:s25], [sflag:$0x1] =	stream.indirect_vreg.gather [hbm4b:s4+s2], $0x80, v4, vm0, $0xb8;
	[tilespmem:$0x18300] =	vst v63  }
0x2aa: {  	s25 =	simm.s32 $0xB300  }
0x2ab: {  	[tilespmem:s25], [sflag:$0x1] =	stream.indirect_vreg.gather [hbm4b:s5+s2], $0x80, v4, vm1, $0xb8;
	[tilespmem:$0x18300] =	vst v63  }
0x2ac: {  	s25 =	simm.s32 $0xB700  }
0x2ad: {  	[tilespmem:s25], [sflag:$0x1] =	stream.indirect_vreg.gather [hbm4b:s4+s2], $0x80, v3, vm0, $0xb8;
	[tilespmem:$0x18300] =	vst v63  }
0x2ae: {  	s25 =	simm.s32 $0xBF00  }
0x2af: {  	[tilespmem:s25], [sflag:$0x1] =	stream.indirect_vreg.gather [hbm4b:s5+s2], $0x80, v3, vm1, $0xb8;
	[tilespmem:$0x18300] =	vst v63  }
0x2b0: {  	_ =	swait.ge [sflag:s23], $0xC000  }
0x2b1: {  	[sflag:s23] =	ssyncset.done $0x0  }
0x2b2: {  	s1 =	rddreg [dreg:$0x5];
	[sflag:s23] =	ssyncadd.s32 $0xFFFF4000  }
0x2b3: {  	[hbm4b:s1+s2] =	stream.linear.scatter [tilespmem:s0], [sflag:$0x4], $0xC000, $0x38;
	[tilespmem:$0x18300] =	vst v63  }
0x2b4: {  	_ =	swait.ge [sflag:s24], $0xC000  }
0x2b5: {  	[sflag:s24] =	ssyncset.done $0x0  }
0x2b6: {  	[sflag:s24] =	ssyncadd.s32 $0xFFFF4000  }
0x2b7: {  	v3 =	vld [tilespmem:$0x280];
	_ =	sdelay $0x4  }
0x2b8: {  	v56 =	vshrl.u32 v3, $0x3  }
0x2b9: {  	v4 =	vmul.u32 $0x18, v56  }
0x2ba: {  	v3 =	vand.u32 $0x7, v3  }
0x2bb: {  	v3 =	vor.u32 v3, v4  }
0x2bc: {  	v4 =	vperm.xlane v3, v0;
	_ =	sdelay $0x1  }
0x2bd: {  	v4 =	vadd.s32 v1, v4;
	_ =	sdelay $0x1  }
0x2be: {  	v3 =	vperm.xlane v3, v2;
	_ =	sdelay $0x1  }
0x2bf: {  	v3 =	vadd.s32 v1, v3  }
0x2c0: {  	[tilespmem:s0], [sflag:$0x2] =	stream.indirect_vreg.gather [hbm4b:s4+s2], $0x80, v4, vm0, $0xb8;
	[tilespmem:$0x18300] =	vst v63  }
0x2c1: {  	s25 =	simm.s32 $0xCB00  }
0x2c2: {  	[tilespmem:s25], [sflag:$0x2] =	stream.indirect_vreg.gather [hbm4b:s5+s2], $0x80, v4, vm1, $0xb8;
	[tilespmem:$0x18300] =	vst v63  }
0x2c3: {  	s25 =	simm.s32 $0xCF00  }
0x2c4: {  	[tilespmem:s25], [sflag:$0x2] =	stream.indirect_vreg.gather [hbm4b:s4+s2], $0x80, v3, vm0, $0xb8;
	[tilespmem:$0x18300] =	vst v63  }
0x2c5: {  	s25 =	simm.s32 $0xD700  }
0x2c6: {  	[tilespmem:s25], [sflag:$0x2] =	stream.indirect_vreg.gather [hbm4b:s5+s2], $0x80, v3, vm1, $0xb8;
	[tilespmem:$0x18300] =	vst v63  }
0x2c7: {  	v3 =	vld [tilespmem:$0x290];
	_ =	sdelay $0x4  }
0x2c8: {  	v57 =	vshrl.u32 v3, $0x3  }
0x2c9: {  	v4 =	vmul.u32 $0x18, v57  }
0x2ca: {  	v3 =	vand.u32 $0x7, v3  }
0x2cb: {  	v3 =	vor.u32 v3, v4  }
0x2cc: {  	v4 =	vperm.xlane v3, v0;
	_ =	sdelay $0x1  }
0x2cd: {  	v4 =	vadd.s32 v1, v4;
	_ =	sdelay $0x1  }
0x2ce: {  	v3 =	vperm.xlane v3, v2;
	_ =	sdelay $0x1  }
0x2cf: {  	s25 =	simm.s32 $0xDB00;
	v3 =	vadd.s32 v1, v3  }
0x2d0: {  	[tilespmem:s25], [sflag:$0x2] =	stream.indirect_vreg.gather [hbm4b:s4+s2], $0x80, v4, vm0, $0xb8;
	[tilespmem:$0x18300] =	vst v63  }
0x2d1: {  	s25 =	simm.s32 $0xE300  }
0x2d2: {  	[tilespmem:s25], [sflag:$0x2] =	stream.indirect_vreg.gather [hbm4b:s5+s2], $0x80, v4, vm1, $0xb8;
	[tilespmem:$0x18300] =	vst v63  }
0x2d3: {  	s25 =	simm.s32 $0xE700  }
0x2d4: {  	[tilespmem:s25], [sflag:$0x2] =	stream.indirect_vreg.gather [hbm4b:s4+s2], $0x80, v3, vm0, $0xb8;
	[tilespmem:$0x18300] =	vst v63  }
0x2d5: {  	s25 =	simm.s32 $0xEF00  }
0x2d6: {  	[tilespmem:s25], [sflag:$0x2] =	stream.indirect_vreg.gather [hbm4b:s5+s2], $0x80, v3, vm1, $0xb8;
	[tilespmem:$0x18300] =	vst v63  }
0x2d7: {  	v3 =	vld [tilespmem:$0x2A0];
	_ =	sdelay $0x4  }
0x2d8: {  	v58 =	vshrl.u32 v3, $0x3  }
0x2d9: {  	v4 =	vmul.u32 $0x18, v58  }
0x2da: {  	v3 =	vand.u32 $0x7, v3  }
0x2db: {  	v3 =	vor.u32 v3, v4  }
0x2dc: {  	v4 =	vperm.xlane v3, v0;
	_ =	sdelay $0x1  }
0x2dd: {  	v4 =	vadd.s32 v1, v4;
	_ =	sdelay $0x1  }
0x2de: {  	v3 =	vperm.xlane v3, v2;
	_ =	sdelay $0x1  }
0x2df: {  	s25 =	simm.s32 $0xF300;
	v3 =	vadd.s32 v1, v3  }
0x2e0: {  	[tilespmem:s25], [sflag:$0x2] =	stream.indirect_vreg.gather [hbm4b:s4+s2], $0x80, v4, vm0, $0xb8;
	[tilespmem:$0x18300] =	vst v63  }
0x2e1: {  	s25 =	simm.s32 $0xFB00  }
0x2e2: {  	[tilespmem:s25], [sflag:$0x2] =	stream.indirect_vreg.gather [hbm4b:s5+s2], $0x80, v4, vm1, $0xb8;
	[tilespmem:$0x18300] =	vst v63  }
0x2e3: {  	s25 =	simm.s32 $0xFF00  }
0x2e4: {  	[tilespmem:s25], [sflag:$0x2] =	stream.indirect_vreg.gather [hbm4b:s4+s2], $0x80, v3, vm0, $0xb8;
	[tilespmem:$0x18300] =	vst v63  }
0x2e5: {  	s25 =	simm.s32 $0x10700  }
0x2e6: {  	[tilespmem:s25], [sflag:$0x2] =	stream.indirect_vreg.gather [hbm4b:s5+s2], $0x80, v3, vm1, $0xb8;
	[tilespmem:$0x18300] =	vst v63  }
0x2e7: {  	v3 =	vld [tilespmem:$0x2B0];
	_ =	sdelay $0x4  }
0x2e8: {  	v59 =	vshrl.u32 v3, $0x3  }
0x2e9: {  	v4 =	vmul.u32 $0x18, v59  }
0x2ea: {  	v3 =	vand.u32 $0x7, v3  }
0x2eb: {  	v3 =	vor.u32 v3, v4  }
0x2ec: {  	v4 =	vperm.xlane v3, v0;
	_ =	sdelay $0x1  }
0x2ed: {  	v4 =	vadd.s32 v1, v4;
	_ =	sdelay $0x1  }
0x2ee: {  	v3 =	vperm.xlane v3, v2;
	_ =	sdelay $0x1  }
0x2ef: {  	s25 =	simm.s32 $0x10B00;
	v3 =	vadd.s32 v1, v3  }
0x2f0: {  	[tilespmem:s25], [sflag:$0x2] =	stream.indirect_vreg.gather [hbm4b:s4+s2], $0x80, v4, vm0, $0xb8;
	[tilespmem:$0x18300] =	vst v63  }
0x2f1: {  	s25 =	simm.s32 $0x11300  }
0x2f2: {  	[tilespmem:s25], [sflag:$0x2] =	stream.indirect_vreg.gather [hbm4b:s5+s2], $0x80, v4, vm1, $0xb8;
	[tilespmem:$0x18300] =	vst v63  }
0x2f3: {  	s25 =	simm.s32 $0x11700  }
0x2f4: {  	[tilespmem:s25], [sflag:$0x2] =	stream.indirect_vreg.gather [hbm4b:s4+s2], $0x80, v3, vm0, $0xb8;
	[tilespmem:$0x18300] =	vst v63  }
0x2f5: {  	s25 =	simm.s32 $0x11F00  }
0x2f6: {  	[tilespmem:s25], [sflag:$0x2] =	stream.indirect_vreg.gather [hbm4b:s5+s2], $0x80, v3, vm1, $0xb8;
	[tilespmem:$0x18300] =	vst v63  }
0x2f7: {  	v3 =	vld [tilespmem:$0x2C0];
	_ =	sdelay $0x4  }
0x2f8: {  	v60 =	vshrl.u32 v3, $0x3  }
0x2f9: {  	v4 =	vmul.u32 $0x18, v60  }
0x2fa: {  	v3 =	vand.u32 $0x7, v3  }
0x2fb: {  	v3 =	vor.u32 v3, v4  }
0x2fc: {  	v4 =	vperm.xlane v3, v0;
	_ =	sdelay $0x1  }
0x2fd: {  	v4 =	vadd.s32 v1, v4;
	_ =	sdelay $0x1  }
0x2fe: {  	v3 =	vperm.xlane v3, v2;
	_ =	sdelay $0x1  }
0x2ff: {  	s25 =	simm.s32 $0x12300;
	v3 =	vadd.s32 v1, v3  }
0x300: {  	[tilespmem:s25], [sflag:$0x2] =	stream.indirect_vreg.gather [hbm4b:s4+s2], $0x80, v4, vm0, $0xb8;
	[tilespmem:$0x18300] =	vst v63  }
0x301: {  	s25 =	simm.s32 $0x12B00  }
0x302: {  	[tilespmem:s25], [sflag:$0x2] =	stream.indirect_vreg.gather [hbm4b:s5+s2], $0x80, v4, vm1, $0xb8;
	[tilespmem:$0x18300] =	vst v63  }
0x303: {  	s25 =	simm.s32 $0x12F00  }
0x304: {  	[tilespmem:s25], [sflag:$0x2] =	stream.indirect_vreg.gather [hbm4b:s4+s2], $0x80, v3, vm0, $0xb8;
	[tilespmem:$0x18300] =	vst v63  }
0x305: {  	s25 =	simm.s32 $0x13700  }
0x306: {  	[tilespmem:s25], [sflag:$0x2] =	stream.indirect_vreg.gather [hbm4b:s5+s2], $0x80, v3, vm1, $0xb8;
	[tilespmem:$0x18300] =	vst v63  }
0x307: {  	v3 =	vld [tilespmem:$0x2D0];
	_ =	sdelay $0x4  }
0x308: {  	v61 =	vshrl.u32 v3, $0x3  }
0x309: {  	v4 =	vmul.u32 $0x18, v61  }
0x30a: {  	v3 =	vand.u32 $0x7, v3  }
0x30b: {  	v3 =	vor.u32 v3, v4  }
0x30c: {  	v4 =	vperm.xlane v3, v0;
	_ =	sdelay $0x1  }
0x30d: {  	v4 =	vadd.s32 v1, v4;
	_ =	sdelay $0x1  }
0x30e: {  	v3 =	vperm.xlane v3, v2;
	_ =	sdelay $0x1  }
0x30f: {  	s25 =	simm.s32 $0x13B00;
	v3 =	vadd.s32 v1, v3  }
0x310: {  	[tilespmem:s25], [sflag:$0x2] =	stream.indirect_vreg.gather [hbm4b:s4+s2], $0x80, v4, vm0, $0xb8;
	[tilespmem:$0x18300] =	vst v63  }
0x311: {  	s25 =	simm.s32 $0x14300  }
0x312: {  	[tilespmem:s25], [sflag:$0x2] =	stream.indirect_vreg.gather [hbm4b:s5+s2], $0x80, v4, vm1, $0xb8;
	[tilespmem:$0x18300] =	vst v63  }
0x313: {  	s25 =	simm.s32 $0x14700  }
0x314: {  	[tilespmem:s25], [sflag:$0x2] =	stream.indirect_vreg.gather [hbm4b:s4+s2], $0x80, v3, vm0, $0xb8;
	[tilespmem:$0x18300] =	vst v63  }
0x315: {  	s25 =	simm.s32 $0x14F00  }
0x316: {  	[tilespmem:s25], [sflag:$0x2] =	stream.indirect_vreg.gather [hbm4b:s5+s2], $0x80, v3, vm1, $0xb8;
	[tilespmem:$0x18300] =	vst v63  }
0x317: {  	v3 =	vld [tilespmem:$0x2E0];
	_ =	sdelay $0x4  }
0x318: {  	v62 =	vshrl.u32 v3, $0x3  }
0x319: {  	v4 =	vmul.u32 $0x18, v62  }
0x31a: {  	v3 =	vand.u32 $0x7, v3  }
0x31b: {  	v3 =	vor.u32 v3, v4  }
0x31c: {  	v4 =	vperm.xlane v3, v0;
	_ =	sdelay $0x1  }
0x31d: {  	v4 =	vadd.s32 v1, v4;
	_ =	sdelay $0x1  }
0x31e: {  	v3 =	vperm.xlane v3, v2;
	_ =	sdelay $0x1  }
0x31f: {  	s25 =	simm.s32 $0x15300;
	v3 =	vadd.s32 v1, v3  }
0x320: {  	[tilespmem:s25], [sflag:$0x2] =	stream.indirect_vreg.gather [hbm4b:s4+s2], $0x80, v4, vm0, $0xb8;
	[tilespmem:$0x18300] =	vst v63  }
0x321: {  	s25 =	simm.s32 $0x15B00  }
0x322: {  	[tilespmem:s25], [sflag:$0x2] =	stream.indirect_vreg.gather [hbm4b:s5+s2], $0x80, v4, vm1, $0xb8;
	[tilespmem:$0x18300] =	vst v63  }
0x323: {  	s25 =	simm.s32 $0x15F00  }
0x324: {  	[tilespmem:s25], [sflag:$0x2] =	stream.indirect_vreg.gather [hbm4b:s4+s2], $0x80, v3, vm0, $0xb8;
	[tilespmem:$0x18300] =	vst v63  }
0x325: {  	s25 =	simm.s32 $0x16700  }
0x326: {  	[tilespmem:s25], [sflag:$0x2] =	stream.indirect_vreg.gather [hbm4b:s5+s2], $0x80, v3, vm1, $0xb8;
	[tilespmem:$0x18300] =	vst v63  }
0x327: {  	v3 =	vld [tilespmem:$0x2F0];
	_ =	sdelay $0x4  }
0x328: {  	v63 =	vshrl.u32 v3, $0x3  }
0x329: {  	v4 =	vmul.u32 $0x18, v63  }
0x32a: {  	v3 =	vand.u32 $0x7, v3  }
0x32b: {  	v3 =	vor.u32 v3, v4  }
0x32c: {  	v4 =	vperm.xlane v3, v0;
	_ =	sdelay $0x1  }
0x32d: {  	v4 =	vadd.s32 v1, v4;
	_ =	sdelay $0x1  }
0x32e: {  	v3 =	vperm.xlane v3, v2;
	_ =	sdelay $0x1  }
0x32f: {  	s25 =	simm.s32 $0x16B00;
	v3 =	vadd.s32 v1, v3  }
0x330: {  	[tilespmem:s25], [sflag:$0x2] =	stream.indirect_vreg.gather [hbm4b:s4+s2], $0x80, v4, vm0, $0xb8;
	[tilespmem:$0x18300] =	vst v63  }
0x331: {  	s25 =	simm.s32 $0x17300  }
0x332: {  	[tilespmem:s25], [sflag:$0x2] =	stream.indirect_vreg.gather [hbm4b:s5+s2], $0x80, v4, vm1, $0xb8;
	[tilespmem:$0x18300] =	vst v63  }
0x333: {  	s25 =	simm.s32 $0x17700  }
0x334: {  	[tilespmem:s25], [sflag:$0x2] =	stream.indirect_vreg.gather [hbm4b:s4+s2], $0x80, v3, vm0, $0xb8;
	[tilespmem:$0x18300] =	vst v63  }
0x335: {  	s25 =	simm.s32 $0x17F00  }
0x336: {  	[tilespmem:s25], [sflag:$0x2] =	stream.indirect_vreg.gather [hbm4b:s5+s2], $0x80, v3, vm1, $0xb8;
	[tilespmem:$0x18300] =	vst v63  }
0x337: {  	_ =	swait.ge [sflag:s21], $0xC000  }
0x338: {  	[sflag:s21] =	ssyncset.done $0x0  }
0x339: {  	s1 =	rddreg [dreg:$0x6];
	[sflag:s21] =	ssyncadd.s32 $0xFFFF4000  }
0x33a: {  	[hbm4b:s1+s2] =	stream.linear.scatter [tilespmem:s14], [sflag:$0x3], $0xC000, $0x38;
	[tilespmem:$0x18300] =	vst v63  }
0x33b: {  	_ =	swait.ge [sflag:s23], $0xC000  }
0x33c: {  	[sflag:s23] =	ssyncset.done $0x0  }
0x33d: {  	s1 =	rddreg [dreg:$0x7];
	[sflag:s23] =	ssyncadd.s32 $0xFFFF4000  }
0x33e: {  	[hbm4b:s1+s2] =	stream.linear.scatter [tilespmem:s0], [sflag:$0x4], $0xC000, $0x38;
	[tilespmem:$0x18300] =	vst v63  }
0x33f: {  	p0 =	sne.s32 s6, $0x1;
	_ =	swait.ge [sflag:s22], $0xC000  }
.Ltmp0:
0x340: {  	[sflag:s22] =	ssyncset.done $0x0;
	(pc) =	sbr.rel @p0 .LBB2_1-.Ltmp0, $4  }
0x341: {  	[sflag:s22] =	ssyncadd.s32 $0xFFFF4000  }
0x342: {  	_ =	swait.ge [sflag:s24], $0xC000  }
0x343: {  	[sflag:s24] =	ssyncset.done $0x0  }
0x344: {  	s6 =	sadd.s32 $0xFFFFFFFF, s6;
	[sflag:s24] =	ssyncadd.s32 $0xFFFF4000  }
0x345: {  	_ =	sfence.sel $0x180000  }
0x346: {  	[bflag:$0x0] =	sbarrier.arrive $0xFFFF  }
0x347: {  	_ =	strace $0x90000047  }
0x348: {  	s0 =	stileid.u32;
	[bflag:$0x2] =	sbarrier.arrive $0xFFFF  }
0x349: {  	p0 =	sne.s32 s0, $0x0;
	s0 =	rddreg [dreg:$0x1]  }
0x34a: {  	s0 =	sadd.s32 @!p0 $0x100000, s0  }
0x34b: {  	[sflag:s0] =	ssyncadd.tile.s32 @!p0 $0x1;
	_ =	shalt  }
.Lfunc_end2:
_tile_overlayer_lowered:
.L_overlay_start_2:
0x34c: {  	(tag) =	ssettag $0x2  }
0x34d: {  	s0 =	rddreg [dreg:$0x0];
	s2 =	stileid.u32  }
0x34e: {  	s1 =	rddreg [dreg:$0x1];
	p0 =	sne.s32 s2, $0x0  }
0x34f: {  	s3 =	rddreg [dreg:$0x2];
	[bflag:$0x3] =	sbarrier.arrive $0xFFFF;
	s2 =	simm.s32 @!p0 $0x1C05  }
0x350: {  	[timem:s3], [sflag:s2] =	dma.local @!p0 [hbm:s0], s1  }
0x351: {  	s0 =	simm.s32 @!p0 $0x5  }
0x352: {  	_ =	swait.ge @!p0 [sflag:s0], s1  }
0x353: {  	s1 =	ssub.s32 @!p0 $0x0, s1;
	[sflag:s0] =	ssyncset.done @!p0 $0x0  }
0x354: {  	[sflag:s0] =	ssyncadd.s32 @!p0 s1  }
0x355: {  	[bflag:$0x3] =	sbarrier.arrive $0xFFFF  }
0x356: {  	_ =	shalt  }

</sc_bundles>
